<compile_context>
chip_gen: v7x
topology: tpu7x:2x2x1
jax: 0.10.2.dev20260603
libtpu: 0.0.44.dev20260713+nightly
codegen_flags: <defaults>
</compile_context>

<pallas_src>
import functools

import jax
import jax.numpy as jnp
from jax import lax
from jax.experimental import pallas as pl
from jax.experimental.pallas import tpu as pltpu
from jax.experimental.pallas import tpu_sc as plsc

NC = 2
NS = 16
L = 16
NW = NC * NS
B = 16384
D = 32
BPW = B // NW
NCHUNK = 4
CB = BPW // NCHUNK
NGROUP = BPW // L


def _sqrt16(x):
    y = plsc.bitcast(jnp.int32(0x5F3759DF) - (plsc.bitcast(x, jnp.int32) >> 1),
                     jnp.float32)
    for _ in range(4):
        y = y * (jnp.float32(1.5) - jnp.float32(0.5) * x * y * y)
    return x * y


def _tec_body(s_hbm, r_hbm, o_hbm, ent_hbm, rel_hbm, out_hbm,
              sidx, ridx, oidx, srows, rrows, orows, h, score, *sems):
    wid = lax.axis_index("s") * NC + lax.axis_index("c")
    base = wid * BPW

    for j in range(NCHUNK):
        off = base + j * CB
        pltpu.sync_copy(s_hbm.at[pl.ds(off, CB)], sidx.at[j])
        pltpu.sync_copy(r_hbm.at[pl.ds(off, CB)], ridx.at[j])
        pltpu.sync_copy(o_hbm.at[pl.ds(off, CB)], oidx.at[j])

    copies = []
    for j in range(NCHUNK):
        copies.append(pltpu.async_copy(ent_hbm.at[sidx.at[j]], srows.at[j], sems[j]))
        copies.append(pltpu.async_copy(ent_hbm.at[oidx.at[j]], orows.at[j], sems[j]))
        copies.append(pltpu.async_copy(rel_hbm.at[ridx.at[j]], rrows.at[j], sems[j]))

    for j in range(NCHUNK):
        for c in copies[3 * j:3 * j + 3]:
            c.wait()

        def ebody(i, _, j=j):
            a0 = srows[j, i, pl.ds(0, L)] + rrows[j, i, pl.ds(0, L)] - orows[j, i, pl.ds(0, L)]
            a1 = srows[j, i, pl.ds(L, L)] + rrows[j, i, pl.ds(L, L)] - orows[j, i, pl.ds(L, L)]
            h[pl.ds(pl.multiple_of((j * CB + i) * L, L), L)] = a0 * a0 + a1 * a1
            return 0
        lax.fori_loop(0, CB, ebody, 0, unroll=4)

    lane16 = lax.iota(jnp.int32, L) * L

    def rbody(g, _):
        base_i = g * (L * L) + lane16
        acc = plsc.load_gather(h, [base_i])
        for k in range(1, L):
            acc = acc + plsc.load_gather(h, [base_i + k])
        score[pl.ds(pl.multiple_of(g * L, L), L)] = _sqrt16(acc)
        return 0

    lax.fori_loop(0, NGROUP, rbody, 0, unroll=2)

    pltpu.sync_copy(score, out_hbm.at[pl.ds(base, BPW)])


def kernel(s, r, o, entity_embeddings, relation_embeddings):
    mesh = plsc.VectorSubcoreMesh(
        core_axis_name="c", subcore_axis_name="s",
        num_cores=NC, num_subcores=NS)
    run = functools.partial(
        pl.kernel,
        out_type=jax.ShapeDtypeStruct((B,), jnp.float32),
        mesh=mesh,
        compiler_params=pltpu.CompilerParams(
            needs_layout_passes=False, use_tc_tiling_on_sc=False),
        scratch_types=[
            pltpu.VMEM((NCHUNK, CB), jnp.int32),
            pltpu.VMEM((NCHUNK, CB), jnp.int32),
            pltpu.VMEM((NCHUNK, CB), jnp.int32),
            pltpu.VMEM((NCHUNK, CB, D), jnp.float32),
            pltpu.VMEM((NCHUNK, CB, D), jnp.float32),
            pltpu.VMEM((NCHUNK, CB, D), jnp.float32),
            pltpu.VMEM((BPW * L,), jnp.float32),
            pltpu.VMEM((BPW,), jnp.float32),
            pltpu.SemaphoreType.DMA,
            pltpu.SemaphoreType.DMA,
            pltpu.SemaphoreType.DMA,
            pltpu.SemaphoreType.DMA,
        ],
    )(_tec_body)
    return run(s, r, o, entity_embeddings, relation_embeddings)

# --- scband reference (transcript-rebuilt; emitter-appended) ---
"""Pipeline reference for scband-trans-e-79894981640683 (READ-ONLY COPY).

The authoritative reference and input builder live on the scoring server;
editing this copy changes nothing except your own understanding.
"""

import jax, jax.numpy as jnp
import numpy as np

NUM_ENTITIES = 1000000
NUM_RELATIONS = 1000
EMBED_DIM = 32


def setup_inputs(seed: int = 0) -> dict:
    key = jax.random.key(seed)
    k1, k2, k3, k4, k5 = jax.random.split(key, 5)
    bound = 6.0 / (EMBED_DIM ** 0.5)
    s = jax.random.randint(k1, (16384,), 0, NUM_ENTITIES, dtype=jnp.int64 if jax.config.jax_enable_x64 else jnp.int32)
    r = jax.random.randint(k2, (16384,), 0, NUM_RELATIONS, dtype=jnp.int64 if jax.config.jax_enable_x64 else jnp.int32)
    o = jax.random.randint(k3, (16384,), 0, NUM_ENTITIES, dtype=jnp.int64 if jax.config.jax_enable_x64 else jnp.int32)
    entity_embeddings = jax.random.uniform(k4, (NUM_ENTITIES, EMBED_DIM), dtype=jnp.float32, minval=-bound, maxval=bound)
    relation_embeddings = jax.random.uniform(k5, (NUM_RELATIONS, EMBED_DIM), dtype=jnp.float32, minval=-bound, maxval=bound)
    return {
        "s": s,
        "r": r,
        "o": o,
        "entity_embeddings": entity_embeddings,
        "relation_embeddings": relation_embeddings,
    }


def reference(s, r, o, entity_embeddings, relation_embeddings):
    s_emb = jnp.take(entity_embeddings, s, axis=0)
    r_emb = jnp.take(relation_embeddings, r, axis=0)
    o_emb = jnp.take(entity_embeddings, o, axis=0)
    diff = s_emb + r_emb - o_emb
    score = jnp.linalg.norm(diff, ord=2, axis=1)
    return score

if __name__ == "__main__":
    import jax
    _d = setup_inputs()
    print(jax.jit(kernel)(*tuple(_d.values())))

</pallas_src>

<mosaic_0001>
#map = affine_map<(d0, d1) -> (0)>
#map1 = affine_map<(d0, d1) -> (0, 0)>
module attributes {stable_mosaic.version = 14 : i64} {
  func.func @_tec_body(%arg0: i32, %arg1: i32, %arg2: memref<16384xi32, #tpu.memory_space<hbm>>, %arg3: memref<16384xi32, #tpu.memory_space<hbm>>, %arg4: memref<16384xi32, #tpu.memory_space<hbm>>, %arg5: memref<1000000x32xf32, #tpu.memory_space<hbm>>, %arg6: memref<1000x32xf32, #tpu.memory_space<hbm>>, %arg7: memref<16384xf32, #tpu.memory_space<hbm>>, %arg8: memref<4x128xi32, #tpu.memory_space<vmem>>, %arg9: memref<4x128xi32, #tpu.memory_space<vmem>>, %arg10: memref<4x128xi32, #tpu.memory_space<vmem>>, %arg11: memref<4x128x32xf32, #tpu.memory_space<vmem>>, %arg12: memref<4x128x32xf32, #tpu.memory_space<vmem>>, %arg13: memref<4x128x32xf32, #tpu.memory_space<vmem>>, %arg14: memref<8192xf32, #tpu.memory_space<vmem>>, %arg15: memref<512xf32, #tpu.memory_space<vmem>>, %arg16: memref<!tpu.dma_semaphore, #tpu.memory_space<semaphore_mem>>, %arg17: memref<!tpu.dma_semaphore, #tpu.memory_space<semaphore_mem>>, %arg18: memref<!tpu.dma_semaphore, #tpu.memory_space<semaphore_mem>>, %arg19: memref<!tpu.dma_semaphore, #tpu.memory_space<semaphore_mem>>) attributes {dimension_semantics = [#tpu.dimension_semantics<core_parallel>, #tpu.dimension_semantics<subcore_parallel>], iteration_bounds = array<i64: 2, 16>, scalar_prefetch = 0 : i64, scratch_operands = 12 : i64, tpu.core_type = #tpu.core_type<sc_vector_subcore>, window_params = [{transform_indices = #map}, {transform_indices = #map}, {transform_indices = #map}, {transform_indices = #map1}, {transform_indices = #map1}, {transform_indices = #map}]} {
    %mul3A = arith.constant 2 : i32
    %mul3A_0 = arith.muli %arg1, %mul3A : i32
    %add3A = arith.addi %mul3A_0, %arg0 : i32
    %mul3A_1 = arith.constant 512 : i32
    %mul3A_2 = arith.muli %add3A, %mul3A_1 : i32
    %add3A_3 = arith.constant 0 : i32
    %add3A_4 = arith.addi %mul3A_2, %add3A_3 : i32
    %run_scoped3A = arith.constant 0 : i32
    "tpu.region"() ({
      %run_scoped3A_345 = tpu.sem_alloc : memref<!tpu.dma_semaphore, #tpu.memory_space<semaphore_mem>>
      %dma_start3A_346 = arith.constant 0 : i32
      %dma_start3A_347 = tpu.memref_slice %arg8[%run_scoped3A, %dma_start3A_346] : memref<4x128xi32, #tpu.memory_space<vmem>> -> memref<1x128xi32, #tpu.memory_space<vmem>>
      %dma_start3A_348 = tpu.memref_squeeze %dma_start3A_347 : memref<1x128xi32, #tpu.memory_space<vmem>> -> memref<128xi32, #tpu.memory_space<vmem>>
      %dma_start3A_349 = tpu.memref_slice %arg2[%add3A_4] : memref<16384xi32, #tpu.memory_space<hbm>> -> memref<128xi32, #tpu.memory_space<hbm>>
      %dma_start3A_350 = arith.constant 0 : i32
      %dma_start3A_351 = tpu.memref_slice %arg8[%run_scoped3A, %dma_start3A_350] : memref<4x128xi32, #tpu.memory_space<vmem>> -> memref<1x128xi32, #tpu.memory_space<vmem>>
      %dma_start3A_352 = tpu.memref_squeeze %dma_start3A_351 : memref<1x128xi32, #tpu.memory_space<vmem>> -> memref<128xi32, #tpu.memory_space<vmem>>
      %dma_start3A_353 = tpu.memref_slice %arg2[%add3A_4] : memref<16384xi32, #tpu.memory_space<hbm>> -> memref<128xi32, #tpu.memory_space<hbm>>
      tpu.enqueue_dma source(%dma_start3A_353 : memref<128xi32, #tpu.memory_space<hbm>>) target(%dma_start3A_352 : memref<128xi32, #tpu.memory_space<vmem>>) target_semaphore(%run_scoped3A_345 : memref<!tpu.dma_semaphore, #tpu.memory_space<semaphore_mem>>)
      %dma_wait3A_354 = arith.constant 0 : i32
      %dma_wait3A_355 = tpu.memref_slice %arg8[%run_scoped3A, %dma_wait3A_354] : memref<4x128xi32, #tpu.memory_space<vmem>> -> memref<1x128xi32, #tpu.memory_space<vmem>>
      %dma_wait3A_356 = tpu.memref_squeeze %dma_wait3A_355 : memref<1x128xi32, #tpu.memory_space<vmem>> -> memref<128xi32, #tpu.memory_space<vmem>>
      %dma_wait3A_357 = tpu.memref_slice %arg2[%add3A_4] : memref<16384xi32, #tpu.memory_space<hbm>> -> memref<128xi32, #tpu.memory_space<hbm>>
      %dma_wait3A_358 = arith.constant 0 : i32
      %dma_wait3A_359 = tpu.memref_slice %arg8[%run_scoped3A, %dma_wait3A_358] : memref<4x128xi32, #tpu.memory_space<vmem>> -> memref<1x128xi32, #tpu.memory_space<vmem>>
      %dma_wait3A_360 = tpu.memref_squeeze %dma_wait3A_359 : memref<1x128xi32, #tpu.memory_space<vmem>> -> memref<128xi32, #tpu.memory_space<vmem>>
      %dma_wait3A_361 = tpu.memref_slice %arg2[%add3A_4] : memref<16384xi32, #tpu.memory_space<hbm>> -> memref<128xi32, #tpu.memory_space<hbm>>
      tpu.wait_dma2 semaphore(%run_scoped3A_345 : memref<!tpu.dma_semaphore, #tpu.memory_space<semaphore_mem>>) src(%dma_wait3A_361 : memref<128xi32, #tpu.memory_space<hbm>>) dst(%dma_wait3A_360 : memref<128xi32, #tpu.memory_space<vmem>>)
      tpu.yield
    }) : () -> ()
    %run_scoped3A_5 = arith.constant 0 : i32
    "tpu.region"() ({
      %run_scoped3A_345 = tpu.sem_alloc : memref<!tpu.dma_semaphore, #tpu.memory_space<semaphore_mem>>
      %dma_start3A_346 = arith.constant 0 : i32
      %dma_start3A_347 = tpu.memref_slice %arg9[%run_scoped3A_5, %dma_start3A_346] : memref<4x128xi32, #tpu.memory_space<vmem>> -> memref<1x128xi32, #tpu.memory_space<vmem>>
      %dma_start3A_348 = tpu.memref_squeeze %dma_start3A_347 : memref<1x128xi32, #tpu.memory_space<vmem>> -> memref<128xi32, #tpu.memory_space<vmem>>
      %dma_start3A_349 = tpu.memref_slice %arg3[%add3A_4] : memref<16384xi32, #tpu.memory_space<hbm>> -> memref<128xi32, #tpu.memory_space<hbm>>
      %dma_start3A_350 = arith.constant 0 : i32
      %dma_start3A_351 = tpu.memref_slice %arg9[%run_scoped3A_5, %dma_start3A_350] : memref<4x128xi32, #tpu.memory_space<vmem>> -> memref<1x128xi32, #tpu.memory_space<vmem>>
      %dma_start3A_352 = tpu.memref_squeeze %dma_start3A_351 : memref<1x128xi32, #tpu.memory_space<vmem>> -> memref<128xi32, #tpu.memory_space<vmem>>
      %dma_start3A_353 = tpu.memref_slice %arg3[%add3A_4] : memref<16384xi32, #tpu.memory_space<hbm>> -> memref<128xi32, #tpu.memory_space<hbm>>
      tpu.enqueue_dma source(%dma_start3A_353 : memref<128xi32, #tpu.memory_space<hbm>>) target(%dma_start3A_352 : memref<128xi32, #tpu.memory_space<vmem>>) target_semaphore(%run_scoped3A_345 : memref<!tpu.dma_semaphore, #tpu.memory_space<semaphore_mem>>)
      %dma_wait3A_354 = arith.constant 0 : i32
      %dma_wait3A_355 = tpu.memref_slice %arg9[%run_scoped3A_5, %dma_wait3A_354] : memref<4x128xi32, #tpu.memory_space<vmem>> -> memref<1x128xi32, #tpu.memory_space<vmem>>
      %dma_wait3A_356 = tpu.memref_squeeze %dma_wait3A_355 : memref<1x128xi32, #tpu.memory_space<vmem>> -> memref<128xi32, #tpu.memory_space<vmem>>
      %dma_wait3A_357 = tpu.memref_slice %arg3[%add3A_4] : memref<16384xi32, #tpu.memory_space<hbm>> -> memref<128xi32, #tpu.memory_space<hbm>>
      %dma_wait3A_358 = arith.constant 0 : i32
      %dma_wait3A_359 = tpu.memref_slice %arg9[%run_scoped3A_5, %dma_wait3A_358] : memref<4x128xi32, #tpu.memory_space<vmem>> -> memref<1x128xi32, #tpu.memory_space<vmem>>
      %dma_wait3A_360 = tpu.memref_squeeze %dma_wait3A_359 : memref<1x128xi32, #tpu.memory_space<vmem>> -> memref<128xi32, #tpu.memory_space<vmem>>
      %dma_wait3A_361 = tpu.memref_slice %arg3[%add3A_4] : memref<16384xi32, #tpu.memory_space<hbm>> -> memref<128xi32, #tpu.memory_space<hbm>>
      tpu.wait_dma2 semaphore(%run_scoped3A_345 : memref<!tpu.dma_semaphore, #tpu.memory_space<semaphore_mem>>) src(%dma_wait3A_361 : memref<128xi32, #tpu.memory_space<hbm>>) dst(%dma_wait3A_360 : memref<128xi32, #tpu.memory_space<vmem>>)
      tpu.yield
    }) : () -> ()
    %run_scoped3A_6 = arith.constant 0 : i32
    "tpu.region"() ({
      %run_scoped3A_345 = tpu.sem_alloc : memref<!tpu.dma_semaphore, #tpu.memory_space<semaphore_mem>>
      %dma_start3A_346 = arith.constant 0 : i32
      %dma_start3A_347 = tpu.memref_slice %arg10[%run_scoped3A_6, %dma_start3A_346] : memref<4x128xi32, #tpu.memory_space<vmem>> -> memref<1x128xi32, #tpu.memory_space<vmem>>
      %dma_start3A_348 = tpu.memref_squeeze %dma_start3A_347 : memref<1x128xi32, #tpu.memory_space<vmem>> -> memref<128xi32, #tpu.memory_space<vmem>>
      %dma_start3A_349 = tpu.memref_slice %arg4[%add3A_4] : memref<16384xi32, #tpu.memory_space<hbm>> -> memref<128xi32, #tpu.memory_space<hbm>>
      %dma_start3A_350 = arith.constant 0 : i32
      %dma_start3A_351 = tpu.memref_slice %arg10[%run_scoped3A_6, %dma_start3A_350] : memref<4x128xi32, #tpu.memory_space<vmem>> -> memref<1x128xi32, #tpu.memory_space<vmem>>
      %dma_start3A_352 = tpu.memref_squeeze %dma_start3A_351 : memref<1x128xi32, #tpu.memory_space<vmem>> -> memref<128xi32, #tpu.memory_space<vmem>>
      %dma_start3A_353 = tpu.memref_slice %arg4[%add3A_4] : memref<16384xi32, #tpu.memory_space<hbm>> -> memref<128xi32, #tpu.memory_space<hbm>>
      tpu.enqueue_dma source(%dma_start3A_353 : memref<128xi32, #tpu.memory_space<hbm>>) target(%dma_start3A_352 : memref<128xi32, #tpu.memory_space<vmem>>) target_semaphore(%run_scoped3A_345 : memref<!tpu.dma_semaphore, #tpu.memory_space<semaphore_mem>>)
      %dma_wait3A_354 = arith.constant 0 : i32
      %dma_wait3A_355 = tpu.memref_slice %arg10[%run_scoped3A_6, %dma_wait3A_354] : memref<4x128xi32, #tpu.memory_space<vmem>> -> memref<1x128xi32, #tpu.memory_space<vmem>>
      %dma_wait3A_356 = tpu.memref_squeeze %dma_wait3A_355 : memref<1x128xi32, #tpu.memory_space<vmem>> -> memref<128xi32, #tpu.memory_space<vmem>>
      %dma_wait3A_357 = tpu.memref_slice %arg4[%add3A_4] : memref<16384xi32, #tpu.memory_space<hbm>> -> memref<128xi32, #tpu.memory_space<hbm>>
      %dma_wait3A_358 = arith.constant 0 : i32
      %dma_wait3A_359 = tpu.memref_slice %arg10[%run_scoped3A_6, %dma_wait3A_358] : memref<4x128xi32, #tpu.memory_space<vmem>> -> memref<1x128xi32, #tpu.memory_space<vmem>>
      %dma_wait3A_360 = tpu.memref_squeeze %dma_wait3A_359 : memref<1x128xi32, #tpu.memory_space<vmem>> -> memref<128xi32, #tpu.memory_space<vmem>>
      %dma_wait3A_361 = tpu.memref_slice %arg4[%add3A_4] : memref<16384xi32, #tpu.memory_space<hbm>> -> memref<128xi32, #tpu.memory_space<hbm>>
      tpu.wait_dma2 semaphore(%run_scoped3A_345 : memref<!tpu.dma_semaphore, #tpu.memory_space<semaphore_mem>>) src(%dma_wait3A_361 : memref<128xi32, #tpu.memory_space<hbm>>) dst(%dma_wait3A_360 : memref<128xi32, #tpu.memory_space<vmem>>)
      tpu.yield
    }) : () -> ()
    %add3A_7 = arith.constant 128 : i32
    %add3A_8 = arith.addi %mul3A_2, %add3A_7 : i32
    %run_scoped3A_9 = arith.constant 1 : i32
    "tpu.region"() ({
      %run_scoped3A_345 = tpu.sem_alloc : memref<!tpu.dma_semaphore, #tpu.memory_space<semaphore_mem>>
      %dma_start3A_346 = arith.constant 0 : i32
      %dma_start3A_347 = tpu.memref_slice %arg8[%run_scoped3A_9, %dma_start3A_346] : memref<4x128xi32, #tpu.memory_space<vmem>> -> memref<1x128xi32, #tpu.memory_space<vmem>>
      %dma_start3A_348 = tpu.memref_squeeze %dma_start3A_347 : memref<1x128xi32, #tpu.memory_space<vmem>> -> memref<128xi32, #tpu.memory_space<vmem>>
      %dma_start3A_349 = tpu.memref_slice %arg2[%add3A_8] : memref<16384xi32, #tpu.memory_space<hbm>> -> memref<128xi32, #tpu.memory_space<hbm>>
      %dma_start3A_350 = arith.constant 0 : i32
      %dma_start3A_351 = tpu.memref_slice %arg8[%run_scoped3A_9, %dma_start3A_350] : memref<4x128xi32, #tpu.memory_space<vmem>> -> memref<1x128xi32, #tpu.memory_space<vmem>>
      %dma_start3A_352 = tpu.memref_squeeze %dma_start3A_351 : memref<1x128xi32, #tpu.memory_space<vmem>> -> memref<128xi32, #tpu.memory_space<vmem>>
      %dma_start3A_353 = tpu.memref_slice %arg2[%add3A_8] : memref<16384xi32, #tpu.memory_space<hbm>> -> memref<128xi32, #tpu.memory_space<hbm>>
      tpu.enqueue_dma source(%dma_start3A_353 : memref<128xi32, #tpu.memory_space<hbm>>) target(%dma_start3A_352 : memref<128xi32, #tpu.memory_space<vmem>>) target_semaphore(%run_scoped3A_345 : memref<!tpu.dma_semaphore, #tpu.memory_space<semaphore_mem>>)
      %dma_wait3A_354 = arith.constant 0 : i32
      %dma_wait3A_355 = tpu.memref_slice %arg8[%run_scoped3A_9, %dma_wait3A_354] : memref<4x128xi32, #tpu.memory_space<vmem>> -> memref<1x128xi32, #tpu.memory_space<vmem>>
      %dma_wait3A_356 = tpu.memref_squeeze %dma_wait3A_355 : memref<1x128xi32, #tpu.memory_space<vmem>> -> memref<128xi32, #tpu.memory_space<vmem>>
      %dma_wait3A_357 = tpu.memref_slice %arg2[%add3A_8] : memref<16384xi32, #tpu.memory_space<hbm>> -> memref<128xi32, #tpu.memory_space<hbm>>
      %dma_wait3A_358 = arith.constant 0 : i32
      %dma_wait3A_359 = tpu.memref_slice %arg8[%run_scoped3A_9, %dma_wait3A_358] : memref<4x128xi32, #tpu.memory_space<vmem>> -> memref<1x128xi32, #tpu.memory_space<vmem>>
      %dma_wait3A_360 = tpu.memref_squeeze %dma_wait3A_359 : memref<1x128xi32, #tpu.memory_space<vmem>> -> memref<128xi32, #tpu.memory_space<vmem>>
      %dma_wait3A_361 = tpu.memref_slice %arg2[%add3A_8] : memref<16384xi32, #tpu.memory_space<hbm>> -> memref<128xi32, #tpu.memory_space<hbm>>
      tpu.wait_dma2 semaphore(%run_scoped3A_345 : memref<!tpu.dma_semaphore, #tpu.memory_space<semaphore_mem>>) src(%dma_wait3A_361 : memref<128xi32, #tpu.memory_space<hbm>>) dst(%dma_wait3A_360 : memref<128xi32, #tpu.memory_space<vmem>>)
      tpu.yield
    }) : () -> ()
    %run_scoped3A_10 = arith.constant 1 : i32
    "tpu.region"() ({
      %run_scoped3A_345 = tpu.sem_alloc : memref<!tpu.dma_semaphore, #tpu.memory_space<semaphore_mem>>
      %dma_start3A_346 = arith.constant 0 : i32
      %dma_start3A_347 = tpu.memref_slice %arg9[%run_scoped3A_10, %dma_start3A_346] : memref<4x128xi32, #tpu.memory_space<vmem>> -> memref<1x128xi32, #tpu.memory_space<vmem>>
      %dma_start3A_348 = tpu.memref_squeeze %dma_start3A_347 : memref<1x128xi32, #tpu.memory_space<vmem>> -> memref<128xi32, #tpu.memory_space<vmem>>
      %dma_start3A_349 = tpu.memref_slice %arg3[%add3A_8] : memref<16384xi32, #tpu.memory_space<hbm>> -> memref<128xi32, #tpu.memory_space<hbm>>
      %dma_start3A_350 = arith.constant 0 : i32
      %dma_start3A_351 = tpu.memref_slice %arg9[%run_scoped3A_10, %dma_start3A_350] : memref<4x128xi32, #tpu.memory_space<vmem>> -> memref<1x128xi32, #tpu.memory_space<vmem>>
      %dma_start3A_352 = tpu.memref_squeeze %dma_start3A_351 : memref<1x128xi32, #tpu.memory_space<vmem>> -> memref<128xi32, #tpu.memory_space<vmem>>
      %dma_start3A_353 = tpu.memref_slice %arg3[%add3A_8] : memref<16384xi32, #tpu.memory_space<hbm>> -> memref<128xi32, #tpu.memory_space<hbm>>
      tpu.enqueue_dma source(%dma_start3A_353 : memref<128xi32, #tpu.memory_space<hbm>>) target(%dma_start3A_352 : memref<128xi32, #tpu.memory_space<vmem>>) target_semaphore(%run_scoped3A_345 : memref<!tpu.dma_semaphore, #tpu.memory_space<semaphore_mem>>)
      %dma_wait3A_354 = arith.constant 0 : i32
      %dma_wait3A_355 = tpu.memref_slice %arg9[%run_scoped3A_10, %dma_wait3A_354] : memref<4x128xi32, #tpu.memory_space<vmem>> -> memref<1x128xi32, #tpu.memory_space<vmem>>
      %dma_wait3A_356 = tpu.memref_squeeze %dma_wait3A_355 : memref<1x128xi32, #tpu.memory_space<vmem>> -> memref<128xi32, #tpu.memory_space<vmem>>
      %dma_wait3A_357 = tpu.memref_slice %arg3[%add3A_8] : memref<16384xi32, #tpu.memory_space<hbm>> -> memref<128xi32, #tpu.memory_space<hbm>>
      %dma_wait3A_358 = arith.constant 0 : i32
      %dma_wait3A_359 = tpu.memref_slice %arg9[%run_scoped3A_10, %dma_wait3A_358] : memref<4x128xi32, #tpu.memory_space<vmem>> -> memref<1x128xi32, #tpu.memory_space<vmem>>
      %dma_wait3A_360 = tpu.memref_squeeze %dma_wait3A_359 : memref<1x128xi32, #tpu.memory_space<vmem>> -> memref<128xi32, #tpu.memory_space<vmem>>
      %dma_wait3A_361 = tpu.memref_slice %arg3[%add3A_8] : memref<16384xi32, #tpu.memory_space<hbm>> -> memref<128xi32, #tpu.memory_space<hbm>>
      tpu.wait_dma2 semaphore(%run_scoped3A_345 : memref<!tpu.dma_semaphore, #tpu.memory_space<semaphore_mem>>) src(%dma_wait3A_361 : memref<128xi32, #tpu.memory_space<hbm>>) dst(%dma_wait3A_360 : memref<128xi32, #tpu.memory_space<vmem>>)
      tpu.yield
    }) : () -> ()
    %run_scoped3A_11 = arith.constant 1 : i32
    "tpu.region"() ({
      %run_scoped3A_345 = tpu.sem_alloc : memref<!tpu.dma_semaphore, #tpu.memory_space<semaphore_mem>>
      %dma_start3A_346 = arith.constant 0 : i32
      %dma_start3A_347 = tpu.memref_slice %arg10[%run_scoped3A_11, %dma_start3A_346] : memref<4x128xi32, #tpu.memory_space<vmem>> -> memref<1x128xi32, #tpu.memory_space<vmem>>
      %dma_start3A_348 = tpu.memref_squeeze %dma_start3A_347 : memref<1x128xi32, #tpu.memory_space<vmem>> -> memref<128xi32, #tpu.memory_space<vmem>>
      %dma_start3A_349 = tpu.memref_slice %arg4[%add3A_8] : memref<16384xi32, #tpu.memory_space<hbm>> -> memref<128xi32, #tpu.memory_space<hbm>>
      %dma_start3A_350 = arith.constant 0 : i32
      %dma_start3A_351 = tpu.memref_slice %arg10[%run_scoped3A_11, %dma_start3A_350] : memref<4x128xi32, #tpu.memory_space<vmem>> -> memref<1x128xi32, #tpu.memory_space<vmem>>
      %dma_start3A_352 = tpu.memref_squeeze %dma_start3A_351 : memref<1x128xi32, #tpu.memory_space<vmem>> -> memref<128xi32, #tpu.memory_space<vmem>>
      %dma_start3A_353 = tpu.memref_slice %arg4[%add3A_8] : memref<16384xi32, #tpu.memory_space<hbm>> -> memref<128xi32, #tpu.memory_space<hbm>>
      tpu.enqueue_dma source(%dma_start3A_353 : memref<128xi32, #tpu.memory_space<hbm>>) target(%dma_start3A_352 : memref<128xi32, #tpu.memory_space<vmem>>) target_semaphore(%run_scoped3A_345 : memref<!tpu.dma_semaphore, #tpu.memory_space<semaphore_mem>>)
      %dma_wait3A_354 = arith.constant 0 : i32
      %dma_wait3A_355 = tpu.memref_slice %arg10[%run_scoped3A_11, %dma_wait3A_354] : memref<4x128xi32, #tpu.memory_space<vmem>> -> memref<1x128xi32, #tpu.memory_space<vmem>>
      %dma_wait3A_356 = tpu.memref_squeeze %dma_wait3A_355 : memref<1x128xi32, #tpu.memory_space<vmem>> -> memref<128xi32, #tpu.memory_space<vmem>>
      %dma_wait3A_357 = tpu.memref_slice %arg4[%add3A_8] : memref<16384xi32, #tpu.memory_space<hbm>> -> memref<128xi32, #tpu.memory_space<hbm>>
      %dma_wait3A_358 = arith.constant 0 : i32
      %dma_wait3A_359 = tpu.memref_slice %arg10[%run_scoped3A_11, %dma_wait3A_358] : memref<4x128xi32, #tpu.memory_space<vmem>> -> memref<1x128xi32, #tpu.memory_space<vmem>>
      %dma_wait3A_360 = tpu.memref_squeeze %dma_wait3A_359 : memref<1x128xi32, #tpu.memory_space<vmem>> -> memref<128xi32, #tpu.memory_space<vmem>>
      %dma_wait3A_361 = tpu.memref_slice %arg4[%add3A_8] : memref<16384xi32, #tpu.memory_space<hbm>> -> memref<128xi32, #tpu.memory_space<hbm>>
      tpu.wait_dma2 semaphore(%run_scoped3A_345 : memref<!tpu.dma_semaphore, #tpu.memory_space<semaphore_mem>>) src(%dma_wait3A_361 : memref<128xi32, #tpu.memory_space<hbm>>) dst(%dma_wait3A_360 : memref<128xi32, #tpu.memory_space<vmem>>)
      tpu.yield
    }) : () -> ()
    %add3A_12 = arith.constant 256 : i32
    %add3A_13 = arith.addi %mul3A_2, %add3A_12 : i32
    %run_scoped3A_14 = arith.constant 2 : i32
    "tpu.region"() ({
      %run_scoped3A_345 = tpu.sem_alloc : memref<!tpu.dma_semaphore, #tpu.memory_space<semaphore_mem>>
      %dma_start3A_346 = arith.constant 0 : i32
      %dma_start3A_347 = tpu.memref_slice %arg8[%run_scoped3A_14, %dma_start3A_346] : memref<4x128xi32, #tpu.memory_space<vmem>> -> memref<1x128xi32, #tpu.memory_space<vmem>>
      %dma_start3A_348 = tpu.memref_squeeze %dma_start3A_347 : memref<1x128xi32, #tpu.memory_space<vmem>> -> memref<128xi32, #tpu.memory_space<vmem>>
      %dma_start3A_349 = tpu.memref_slice %arg2[%add3A_13] : memref<16384xi32, #tpu.memory_space<hbm>> -> memref<128xi32, #tpu.memory_space<hbm>>
      %dma_start3A_350 = arith.constant 0 : i32
      %dma_start3A_351 = tpu.memref_slice %arg8[%run_scoped3A_14, %dma_start3A_350] : memref<4x128xi32, #tpu.memory_space<vmem>> -> memref<1x128xi32, #tpu.memory_space<vmem>>
      %dma_start3A_352 = tpu.memref_squeeze %dma_start3A_351 : memref<1x128xi32, #tpu.memory_space<vmem>> -> memref<128xi32, #tpu.memory_space<vmem>>
      %dma_start3A_353 = tpu.memref_slice %arg2[%add3A_13] : memref<16384xi32, #tpu.memory_space<hbm>> -> memref<128xi32, #tpu.memory_space<hbm>>
      tpu.enqueue_dma source(%dma_start3A_353 : memref<128xi32, #tpu.memory_space<hbm>>) target(%dma_start3A_352 : memref<128xi32, #tpu.memory_space<vmem>>) target_semaphore(%run_scoped3A_345 : memref<!tpu.dma_semaphore, #tpu.memory_space<semaphore_mem>>)
      %dma_wait3A_354 = arith.constant 0 : i32
      %dma_wait3A_355 = tpu.memref_slice %arg8[%run_scoped3A_14, %dma_wait3A_354] : memref<4x128xi32, #tpu.memory_space<vmem>> -> memref<1x128xi32, #tpu.memory_space<vmem>>
      %dma_wait3A_356 = tpu.memref_squeeze %dma_wait3A_355 : memref<1x128xi32, #tpu.memory_space<vmem>> -> memref<128xi32, #tpu.memory_space<vmem>>
      %dma_wait3A_357 = tpu.memref_slice %arg2[%add3A_13] : memref<16384xi32, #tpu.memory_space<hbm>> -> memref<128xi32, #tpu.memory_space<hbm>>
      %dma_wait3A_358 = arith.constant 0 : i32
      %dma_wait3A_359 = tpu.memref_slice %arg8[%run_scoped3A_14, %dma_wait3A_358] : memref<4x128xi32, #tpu.memory_space<vmem>> -> memref<1x128xi32, #tpu.memory_space<vmem>>
      %dma_wait3A_360 = tpu.memref_squeeze %dma_wait3A_359 : memref<1x128xi32, #tpu.memory_space<vmem>> -> memref<128xi32, #tpu.memory_space<vmem>>
      %dma_wait3A_361 = tpu.memref_slice %arg2[%add3A_13] : memref<16384xi32, #tpu.memory_space<hbm>> -> memref<128xi32, #tpu.memory_space<hbm>>
      tpu.wait_dma2 semaphore(%run_scoped3A_345 : memref<!tpu.dma_semaphore, #tpu.memory_space<semaphore_mem>>) src(%dma_wait3A_361 : memref<128xi32, #tpu.memory_space<hbm>>) dst(%dma_wait3A_360 : memref<128xi32, #tpu.memory_space<vmem>>)
      tpu.yield
    }) : () -> ()
    %run_scoped3A_15 = arith.constant 2 : i32
    "tpu.region"() ({
      %run_scoped3A_345 = tpu.sem_alloc : memref<!tpu.dma_semaphore, #tpu.memory_space<semaphore_mem>>
      %dma_start3A_346 = arith.constant 0 : i32
      %dma_start3A_347 = tpu.memref_slice %arg9[%run_scoped3A_15, %dma_start3A_346] : memref<4x128xi32, #tpu.memory_space<vmem>> -> memref<1x128xi32, #tpu.memory_space<vmem>>
      %dma_start3A_348 = tpu.memref_squeeze %dma_start3A_347 : memref<1x128xi32, #tpu.memory_space<vmem>> -> memref<128xi32, #tpu.memory_space<vmem>>
      %dma_start3A_349 = tpu.memref_slice %arg3[%add3A_13] : memref<16384xi32, #tpu.memory_space<hbm>> -> memref<128xi32, #tpu.memory_space<hbm>>
      %dma_start3A_350 = arith.constant 0 : i32
      %dma_start3A_351 = tpu.memref_slice %arg9[%run_scoped3A_15, %dma_start3A_350] : memref<4x128xi32, #tpu.memory_space<vmem>> -> memref<1x128xi32, #tpu.memory_space<vmem>>
      %dma_start3A_352 = tpu.memref_squeeze %dma_start3A_351 : memref<1x128xi32, #tpu.memory_space<vmem>> -> memref<128xi32, #tpu.memory_space<vmem>>
      %dma_start3A_353 = tpu.memref_slice %arg3[%add3A_13] : memref<16384xi32, #tpu.memory_space<hbm>> -> memref<128xi32, #tpu.memory_space<hbm>>
      tpu.enqueue_dma source(%dma_start3A_353 : memref<128xi32, #tpu.memory_space<hbm>>) target(%dma_start3A_352 : memref<128xi32, #tpu.memory_space<vmem>>) target_semaphore(%run_scoped3A_345 : memref<!tpu.dma_semaphore, #tpu.memory_space<semaphore_mem>>)
      %dma_wait3A_354 = arith.constant 0 : i32
      %dma_wait3A_355 = tpu.memref_slice %arg9[%run_scoped3A_15, %dma_wait3A_354] : memref<4x128xi32, #tpu.memory_space<vmem>> -> memref<1x128xi32, #tpu.memory_space<vmem>>
      %dma_wait3A_356 = tpu.memref_squeeze %dma_wait3A_355 : memref<1x128xi32, #tpu.memory_space<vmem>> -> memref<128xi32, #tpu.memory_space<vmem>>
      %dma_wait3A_357 = tpu.memref_slice %arg3[%add3A_13] : memref<16384xi32, #tpu.memory_space<hbm>> -> memref<128xi32, #tpu.memory_space<hbm>>
      %dma_wait3A_358 = arith.constant 0 : i32
      %dma_wait3A_359 = tpu.memref_slice %arg9[%run_scoped3A_15, %dma_wait3A_358] : memref<4x128xi32, #tpu.memory_space<vmem>> -> memref<1x128xi32, #tpu.memory_space<vmem>>
      %dma_wait3A_360 = tpu.memref_squeeze %dma_wait3A_359 : memref<1x128xi32, #tpu.memory_space<vmem>> -> memref<128xi32, #tpu.memory_space<vmem>>
      %dma_wait3A_361 = tpu.memref_slice %arg3[%add3A_13] : memref<16384xi32, #tpu.memory_space<hbm>> -> memref<128xi32, #tpu.memory_space<hbm>>
      tpu.wait_dma2 semaphore(%run_scoped3A_345 : memref<!tpu.dma_semaphore, #tpu.memory_space<semaphore_mem>>) src(%dma_wait3A_361 : memref<128xi32, #tpu.memory_space<hbm>>) dst(%dma_wait3A_360 : memref<128xi32, #tpu.memory_space<vmem>>)
      tpu.yield
    }) : () -> ()
    %run_scoped3A_16 = arith.constant 2 : i32
    "tpu.region"() ({
      %run_scoped3A_345 = tpu.sem_alloc : memref<!tpu.dma_semaphore, #tpu.memory_space<semaphore_mem>>
      %dma_start3A_346 = arith.constant 0 : i32
      %dma_start3A_347 = tpu.memref_slice %arg10[%run_scoped3A_16, %dma_start3A_346] : memref<4x128xi32, #tpu.memory_space<vmem>> -> memref<1x128xi32, #tpu.memory_space<vmem>>
      %dma_start3A_348 = tpu.memref_squeeze %dma_start3A_347 : memref<1x128xi32, #tpu.memory_space<vmem>> -> memref<128xi32, #tpu.memory_space<vmem>>
      %dma_start3A_349 = tpu.memref_slice %arg4[%add3A_13] : memref<16384xi32, #tpu.memory_space<hbm>> -> memref<128xi32, #tpu.memory_space<hbm>>
      %dma_start3A_350 = arith.constant 0 : i32
      %dma_start3A_351 = tpu.memref_slice %arg10[%run_scoped3A_16, %dma_start3A_350] : memref<4x128xi32, #tpu.memory_space<vmem>> -> memref<1x128xi32, #tpu.memory_space<vmem>>
      %dma_start3A_352 = tpu.memref_squeeze %dma_start3A_351 : memref<1x128xi32, #tpu.memory_space<vmem>> -> memref<128xi32, #tpu.memory_space<vmem>>
      %dma_start3A_353 = tpu.memref_slice %arg4[%add3A_13] : memref<16384xi32, #tpu.memory_space<hbm>> -> memref<128xi32, #tpu.memory_space<hbm>>
      tpu.enqueue_dma source(%dma_start3A_353 : memref<128xi32, #tpu.memory_space<hbm>>) target(%dma_start3A_352 : memref<128xi32, #tpu.memory_space<vmem>>) target_semaphore(%run_scoped3A_345 : memref<!tpu.dma_semaphore, #tpu.memory_space<semaphore_mem>>)
      %dma_wait3A_354 = arith.constant 0 : i32
      %dma_wait3A_355 = tpu.memref_slice %arg10[%run_scoped3A_16, %dma_wait3A_354] : memref<4x128xi32, #tpu.memory_space<vmem>> -> memref<1x128xi32, #tpu.memory_space<vmem>>
      %dma_wait3A_356 = tpu.memref_squeeze %dma_wait3A_355 : memref<1x128xi32, #tpu.memory_space<vmem>> -> memref<128xi32, #tpu.memory_space<vmem>>
      %dma_wait3A_357 = tpu.memref_slice %arg4[%add3A_13] : memref<16384xi32, #tpu.memory_space<hbm>> -> memref<128xi32, #tpu.memory_space<hbm>>
      %dma_wait3A_358 = arith.constant 0 : i32
      %dma_wait3A_359 = tpu.memref_slice %arg10[%run_scoped3A_16, %dma_wait3A_358] : memref<4x128xi32, #tpu.memory_space<vmem>> -> memref<1x128xi32, #tpu.memory_space<vmem>>
      %dma_wait3A_360 = tpu.memref_squeeze %dma_wait3A_359 : memref<1x128xi32, #tpu.memory_space<vmem>> -> memref<128xi32, #tpu.memory_space<vmem>>
      %dma_wait3A_361 = tpu.memref_slice %arg4[%add3A_13] : memref<16384xi32, #tpu.memory_space<hbm>> -> memref<128xi32, #tpu.memory_space<hbm>>
      tpu.wait_dma2 semaphore(%run_scoped3A_345 : memref<!tpu.dma_semaphore, #tpu.memory_space<semaphore_mem>>) src(%dma_wait3A_361 : memref<128xi32, #tpu.memory_space<hbm>>) dst(%dma_wait3A_360 : memref<128xi32, #tpu.memory_space<vmem>>)
      tpu.yield
    }) : () -> ()
    %add3A_17 = arith.constant 384 : i32
    %add3A_18 = arith.addi %mul3A_2, %add3A_17 : i32
    %run_scoped3A_19 = arith.constant 3 : i32
    "tpu.region"() ({
      %run_scoped3A_345 = tpu.sem_alloc : memref<!tpu.dma_semaphore, #tpu.memory_space<semaphore_mem>>
      %dma_start3A_346 = arith.constant 0 : i32
      %dma_start3A_347 = tpu.memref_slice %arg8[%run_scoped3A_19, %dma_start3A_346] : memref<4x128xi32, #tpu.memory_space<vmem>> -> memref<1x128xi32, #tpu.memory_space<vmem>>
      %dma_start3A_348 = tpu.memref_squeeze %dma_start3A_347 : memref<1x128xi32, #tpu.memory_space<vmem>> -> memref<128xi32, #tpu.memory_space<vmem>>
      %dma_start3A_349 = tpu.memref_slice %arg2[%add3A_18] : memref<16384xi32, #tpu.memory_space<hbm>> -> memref<128xi32, #tpu.memory_space<hbm>>
      %dma_start3A_350 = arith.constant 0 : i32
      %dma_start3A_351 = tpu.memref_slice %arg8[%run_scoped3A_19, %dma_start3A_350] : memref<4x128xi32, #tpu.memory_space<vmem>> -> memref<1x128xi32, #tpu.memory_space<vmem>>
      %dma_start3A_352 = tpu.memref_squeeze %dma_start3A_351 : memref<1x128xi32, #tpu.memory_space<vmem>> -> memref<128xi32, #tpu.memory_space<vmem>>
      %dma_start3A_353 = tpu.memref_slice %arg2[%add3A_18] : memref<16384xi32, #tpu.memory_space<hbm>> -> memref<128xi32, #tpu.memory_space<hbm>>
      tpu.enqueue_dma source(%dma_start3A_353 : memref<128xi32, #tpu.memory_space<hbm>>) target(%dma_start3A_352 : memref<128xi32, #tpu.memory_space<vmem>>) target_semaphore(%run_scoped3A_345 : memref<!tpu.dma_semaphore, #tpu.memory_space<semaphore_mem>>)
      %dma_wait3A_354 = arith.constant 0 : i32
      %dma_wait3A_355 = tpu.memref_slice %arg8[%run_scoped3A_19, %dma_wait3A_354] : memref<4x128xi32, #tpu.memory_space<vmem>> -> memref<1x128xi32, #tpu.memory_space<vmem>>
      %dma_wait3A_356 = tpu.memref_squeeze %dma_wait3A_355 : memref<1x128xi32, #tpu.memory_space<vmem>> -> memref<128xi32, #tpu.memory_space<vmem>>
      %dma_wait3A_357 = tpu.memref_slice %arg2[%add3A_18] : memref<16384xi32, #tpu.memory_space<hbm>> -> memref<128xi32, #tpu.memory_space<hbm>>
      %dma_wait3A_358 = arith.constant 0 : i32
      %dma_wait3A_359 = tpu.memref_slice %arg8[%run_scoped3A_19, %dma_wait3A_358] : memref<4x128xi32, #tpu.memory_space<vmem>> -> memref<1x128xi32, #tpu.memory_space<vmem>>
      %dma_wait3A_360 = tpu.memref_squeeze %dma_wait3A_359 : memref<1x128xi32, #tpu.memory_space<vmem>> -> memref<128xi32, #tpu.memory_space<vmem>>
      %dma_wait3A_361 = tpu.memref_slice %arg2[%add3A_18] : memref<16384xi32, #tpu.memory_space<hbm>> -> memref<128xi32, #tpu.memory_space<hbm>>
      tpu.wait_dma2 semaphore(%run_scoped3A_345 : memref<!tpu.dma_semaphore, #tpu.memory_space<semaphore_mem>>) src(%dma_wait3A_361 : memref<128xi32, #tpu.memory_space<hbm>>) dst(%dma_wait3A_360 : memref<128xi32, #tpu.memory_space<vmem>>)
      tpu.yield
    }) : () -> ()
    %run_scoped3A_20 = arith.constant 3 : i32
    "tpu.region"() ({
      %run_scoped3A_345 = tpu.sem_alloc : memref<!tpu.dma_semaphore, #tpu.memory_space<semaphore_mem>>
      %dma_start3A_346 = arith.constant 0 : i32
      %dma_start3A_347 = tpu.memref_slice %arg9[%run_scoped3A_20, %dma_start3A_346] : memref<4x128xi32, #tpu.memory_space<vmem>> -> memref<1x128xi32, #tpu.memory_space<vmem>>
      %dma_start3A_348 = tpu.memref_squeeze %dma_start3A_347 : memref<1x128xi32, #tpu.memory_space<vmem>> -> memref<128xi32, #tpu.memory_space<vmem>>
      %dma_start3A_349 = tpu.memref_slice %arg3[%add3A_18] : memref<16384xi32, #tpu.memory_space<hbm>> -> memref<128xi32, #tpu.memory_space<hbm>>
      %dma_start3A_350 = arith.constant 0 : i32
      %dma_start3A_351 = tpu.memref_slice %arg9[%run_scoped3A_20, %dma_start3A_350] : memref<4x128xi32, #tpu.memory_space<vmem>> -> memref<1x128xi32, #tpu.memory_space<vmem>>
      %dma_start3A_352 = tpu.memref_squeeze %dma_start3A_351 : memref<1x128xi32, #tpu.memory_space<vmem>> -> memref<128xi32, #tpu.memory_space<vmem>>
      %dma_start3A_353 = tpu.memref_slice %arg3[%add3A_18] : memref<16384xi32, #tpu.memory_space<hbm>> -> memref<128xi32, #tpu.memory_space<hbm>>
      tpu.enqueue_dma source(%dma_start3A_353 : memref<128xi32, #tpu.memory_space<hbm>>) target(%dma_start3A_352 : memref<128xi32, #tpu.memory_space<vmem>>) target_semaphore(%run_scoped3A_345 : memref<!tpu.dma_semaphore, #tpu.memory_space<semaphore_mem>>)
      %dma_wait3A_354 = arith.constant 0 : i32
      %dma_wait3A_355 = tpu.memref_slice %arg9[%run_scoped3A_20, %dma_wait3A_354] : memref<4x128xi32, #tpu.memory_space<vmem>> -> memref<1x128xi32, #tpu.memory_space<vmem>>
      %dma_wait3A_356 = tpu.memref_squeeze %dma_wait3A_355 : memref<1x128xi32, #tpu.memory_space<vmem>> -> memref<128xi32, #tpu.memory_space<vmem>>
      %dma_wait3A_357 = tpu.memref_slice %arg3[%add3A_18] : memref<16384xi32, #tpu.memory_space<hbm>> -> memref<128xi32, #tpu.memory_space<hbm>>
      %dma_wait3A_358 = arith.constant 0 : i32
      %dma_wait3A_359 = tpu.memref_slice %arg9[%run_scoped3A_20, %dma_wait3A_358] : memref<4x128xi32, #tpu.memory_space<vmem>> -> memref<1x128xi32, #tpu.memory_space<vmem>>
      %dma_wait3A_360 = tpu.memref_squeeze %dma_wait3A_359 : memref<1x128xi32, #tpu.memory_space<vmem>> -> memref<128xi32, #tpu.memory_space<vmem>>
      %dma_wait3A_361 = tpu.memref_slice %arg3[%add3A_18] : memref<16384xi32, #tpu.memory_space<hbm>> -> memref<128xi32, #tpu.memory_space<hbm>>
      tpu.wait_dma2 semaphore(%run_scoped3A_345 : memref<!tpu.dma_semaphore, #tpu.memory_space<semaphore_mem>>) src(%dma_wait3A_361 : memref<128xi32, #tpu.memory_space<hbm>>) dst(%dma_wait3A_360 : memref<128xi32, #tpu.memory_space<vmem>>)
      tpu.yield
    }) : () -> ()
    %run_scoped3A_21 = arith.constant 3 : i32
    "tpu.region"() ({
      %run_scoped3A_345 = tpu.sem_alloc : memref<!tpu.dma_semaphore, #tpu.memory_space<semaphore_mem>>
      %dma_start3A_346 = arith.constant 0 : i32
      %dma_start3A_347 = tpu.memref_slice %arg10[%run_scoped3A_21, %dma_start3A_346] : memref<4x128xi32, #tpu.memory_space<vmem>> -> memref<1x128xi32, #tpu.memory_space<vmem>>
      %dma_start3A_348 = tpu.memref_squeeze %dma_start3A_347 : memref<1x128xi32, #tpu.memory_space<vmem>> -> memref<128xi32, #tpu.memory_space<vmem>>
      %dma_start3A_349 = tpu.memref_slice %arg4[%add3A_18] : memref<16384xi32, #tpu.memory_space<hbm>> -> memref<128xi32, #tpu.memory_space<hbm>>
      %dma_start3A_350 = arith.constant 0 : i32
      %dma_start3A_351 = tpu.memref_slice %arg10[%run_scoped3A_21, %dma_start3A_350] : memref<4x128xi32, #tpu.memory_space<vmem>> -> memref<1x128xi32, #tpu.memory_space<vmem>>
      %dma_start3A_352 = tpu.memref_squeeze %dma_start3A_351 : memref<1x128xi32, #tpu.memory_space<vmem>> -> memref<128xi32, #tpu.memory_space<vmem>>
      %dma_start3A_353 = tpu.memref_slice %arg4[%add3A_18] : memref<16384xi32, #tpu.memory_space<hbm>> -> memref<128xi32, #tpu.memory_space<hbm>>
      tpu.enqueue_dma source(%dma_start3A_353 : memref<128xi32, #tpu.memory_space<hbm>>) target(%dma_start3A_352 : memref<128xi32, #tpu.memory_space<vmem>>) target_semaphore(%run_scoped3A_345 : memref<!tpu.dma_semaphore, #tpu.memory_space<semaphore_mem>>)
      %dma_wait3A_354 = arith.constant 0 : i32
      %dma_wait3A_355 = tpu.memref_slice %arg10[%run_scoped3A_21, %dma_wait3A_354] : memref<4x128xi32, #tpu.memory_space<vmem>> -> memref<1x128xi32, #tpu.memory_space<vmem>>
      %dma_wait3A_356 = tpu.memref_squeeze %dma_wait3A_355 : memref<1x128xi32, #tpu.memory_space<vmem>> -> memref<128xi32, #tpu.memory_space<vmem>>
      %dma_wait3A_357 = tpu.memref_slice %arg4[%add3A_18] : memref<16384xi32, #tpu.memory_space<hbm>> -> memref<128xi32, #tpu.memory_space<hbm>>
      %dma_wait3A_358 = arith.constant 0 : i32
      %dma_wait3A_359 = tpu.memref_slice %arg10[%run_scoped3A_21, %dma_wait3A_358] : memref<4x128xi32, #tpu.memory_space<vmem>> -> memref<1x128xi32, #tpu.memory_space<vmem>>
      %dma_wait3A_360 = tpu.memref_squeeze %dma_wait3A_359 : memref<1x128xi32, #tpu.memory_space<vmem>> -> memref<128xi32, #tpu.memory_space<vmem>>
      %dma_wait3A_361 = tpu.memref_slice %arg4[%add3A_18] : memref<16384xi32, #tpu.memory_space<hbm>> -> memref<128xi32, #tpu.memory_space<hbm>>
      tpu.wait_dma2 semaphore(%run_scoped3A_345 : memref<!tpu.dma_semaphore, #tpu.memory_space<semaphore_mem>>) src(%dma_wait3A_361 : memref<128xi32, #tpu.memory_space<hbm>>) dst(%dma_wait3A_360 : memref<128xi32, #tpu.memory_space<vmem>>)
      tpu.yield
    }) : () -> ()
    %dma_start3A = arith.constant 0 : i32
    %dma_start3A_22 = arith.constant 0 : i32
    %dma_start3A_23 = arith.constant 0 : i32
    %dma_start3A_24 = arith.constant 0 : i32
    %dma_start3A_25 = tpu.memref_slice %arg11[%dma_start3A_22, %dma_start3A_23, %dma_start3A_24] : memref<4x128x32xf32, #tpu.memory_space<vmem>> -> memref<1x128x32xf32, #tpu.memory_space<vmem>>
    %dma_start3A_26 = tpu.memref_squeeze %dma_start3A_25 : memref<1x128x32xf32, #tpu.memory_space<vmem>> -> memref<128x32xf32, #tpu.memory_space<vmem>>
    %dma_start3A_27 = arith.constant 0 : i32
    %dma_start3A_28 = tpu.memref_slice %arg8[%dma_start3A, %dma_start3A_27] : memref<4x128xi32, #tpu.memory_space<vmem>> -> memref<1x128xi32, #tpu.memory_space<vmem>>
    %dma_start3A_29 = tpu.memref_squeeze %dma_start3A_28 : memref<1x128xi32, #tpu.memory_space<vmem>> -> memref<128xi32, #tpu.memory_space<vmem>>
    %dma_start3A_30 = arith.constant 0 : i32
    %dma_start3A_31 = arith.constant 0 : i32
    %dma_start3A_32 = tpu.memref_slice %arg5[%dma_start3A_30, %dma_start3A_31] : memref<1000000x32xf32, #tpu.memory_space<hbm>> -> memref<1000000x32xf32, #tpu.memory_space<hbm>>
    tpu.enqueue_indirect_dma source(%dma_start3A_32 : memref<1000000x32xf32, #tpu.memory_space<hbm>>) target(%dma_start3A_26 : memref<128x32xf32, #tpu.memory_space<vmem>>) offsets(%dma_start3A_29 : memref<128xi32, #tpu.memory_space<vmem>>) semaphore(%arg16 : memref<!tpu.dma_semaphore, #tpu.memory_space<semaphore_mem>>)
    %dma_start3A_33 = arith.constant 0 : i32
    %dma_start3A_34 = arith.constant 0 : i32
    %dma_start3A_35 = arith.constant 0 : i32
    %dma_start3A_36 = arith.constant 0 : i32
    %dma_start3A_37 = tpu.memref_slice %arg13[%dma_start3A_34, %dma_start3A_35, %dma_start3A_36] : memref<4x128x32xf32, #tpu.memory_space<vmem>> -> memref<1x128x32xf32, #tpu.memory_space<vmem>>
    %dma_start3A_38 = tpu.memref_squeeze %dma_start3A_37 : memref<1x128x32xf32, #tpu.memory_space<vmem>> -> memref<128x32xf32, #tpu.memory_space<vmem>>
    %dma_start3A_39 = arith.constant 0 : i32
    %dma_start3A_40 = tpu.memref_slice %arg10[%dma_start3A_33, %dma_start3A_39] : memref<4x128xi32, #tpu.memory_space<vmem>> -> memref<1x128xi32, #tpu.memory_space<vmem>>
    %dma_start3A_41 = tpu.memref_squeeze %dma_start3A_40 : memref<1x128xi32, #tpu.memory_space<vmem>> -> memref<128xi32, #tpu.memory_space<vmem>>
    %dma_start3A_42 = arith.constant 0 : i32
    %dma_start3A_43 = arith.constant 0 : i32
    %dma_start3A_44 = tpu.memref_slice %arg5[%dma_start3A_42, %dma_start3A_43] : memref<1000000x32xf32, #tpu.memory_space<hbm>> -> memref<1000000x32xf32, #tpu.memory_space<hbm>>
    tpu.enqueue_indirect_dma source(%dma_start3A_44 : memref<1000000x32xf32, #tpu.memory_space<hbm>>) target(%dma_start3A_38 : memref<128x32xf32, #tpu.memory_space<vmem>>) offsets(%dma_start3A_41 : memref<128xi32, #tpu.memory_space<vmem>>) semaphore(%arg16 : memref<!tpu.dma_semaphore, #tpu.memory_space<semaphore_mem>>)
    %dma_start3A_45 = arith.constant 0 : i32
    %dma_start3A_46 = arith.constant 0 : i32
    %dma_start3A_47 = arith.constant 0 : i32
    %dma_start3A_48 = arith.constant 0 : i32
    %dma_start3A_49 = tpu.memref_slice %arg12[%dma_start3A_46, %dma_start3A_47, %dma_start3A_48] : memref<4x128x32xf32, #tpu.memory_space<vmem>> -> memref<1x128x32xf32, #tpu.memory_space<vmem>>
    %dma_start3A_50 = tpu.memref_squeeze %dma_start3A_49 : memref<1x128x32xf32, #tpu.memory_space<vmem>> -> memref<128x32xf32, #tpu.memory_space<vmem>>
    %dma_start3A_51 = arith.constant 0 : i32
    %dma_start3A_52 = tpu.memref_slice %arg9[%dma_start3A_45, %dma_start3A_51] : memref<4x128xi32, #tpu.memory_space<vmem>> -> memref<1x128xi32, #tpu.memory_space<vmem>>
    %dma_start3A_53 = tpu.memref_squeeze %dma_start3A_52 : memref<1x128xi32, #tpu.memory_space<vmem>> -> memref<128xi32, #tpu.memory_space<vmem>>
    %dma_start3A_54 = arith.constant 0 : i32
    %dma_start3A_55 = arith.constant 0 : i32
    %dma_start3A_56 = tpu.memref_slice %arg6[%dma_start3A_54, %dma_start3A_55] : memref<1000x32xf32, #tpu.memory_space<hbm>> -> memref<1000x32xf32, #tpu.memory_space<hbm>>
    tpu.enqueue_indirect_dma source(%dma_start3A_56 : memref<1000x32xf32, #tpu.memory_space<hbm>>) target(%dma_start3A_50 : memref<128x32xf32, #tpu.memory_space<vmem>>) offsets(%dma_start3A_53 : memref<128xi32, #tpu.memory_space<vmem>>) semaphore(%arg16 : memref<!tpu.dma_semaphore, #tpu.memory_space<semaphore_mem>>)
    %dma_start3A_57 = arith.constant 1 : i32
    %dma_start3A_58 = arith.constant 1 : i32
    %dma_start3A_59 = arith.constant 0 : i32
    %dma_start3A_60 = arith.constant 0 : i32
    %dma_start3A_61 = tpu.memref_slice %arg11[%dma_start3A_58, %dma_start3A_59, %dma_start3A_60] : memref<4x128x32xf32, #tpu.memory_space<vmem>> -> memref<1x128x32xf32, #tpu.memory_space<vmem>>
    %dma_start3A_62 = tpu.memref_squeeze %dma_start3A_61 : memref<1x128x32xf32, #tpu.memory_space<vmem>> -> memref<128x32xf32, #tpu.memory_space<vmem>>
    %dma_start3A_63 = arith.constant 0 : i32
    %dma_start3A_64 = tpu.memref_slice %arg8[%dma_start3A_57, %dma_start3A_63] : memref<4x128xi32, #tpu.memory_space<vmem>> -> memref<1x128xi32, #tpu.memory_space<vmem>>
    %dma_start3A_65 = tpu.memref_squeeze %dma_start3A_64 : memref<1x128xi32, #tpu.memory_space<vmem>> -> memref<128xi32, #tpu.memory_space<vmem>>
    %dma_start3A_66 = arith.constant 0 : i32
    %dma_start3A_67 = arith.constant 0 : i32
    %dma_start3A_68 = tpu.memref_slice %arg5[%dma_start3A_66, %dma_start3A_67] : memref<1000000x32xf32, #tpu.memory_space<hbm>> -> memref<1000000x32xf32, #tpu.memory_space<hbm>>
    tpu.enqueue_indirect_dma source(%dma_start3A_68 : memref<1000000x32xf32, #tpu.memory_space<hbm>>) target(%dma_start3A_62 : memref<128x32xf32, #tpu.memory_space<vmem>>) offsets(%dma_start3A_65 : memref<128xi32, #tpu.memory_space<vmem>>) semaphore(%arg17 : memref<!tpu.dma_semaphore, #tpu.memory_space<semaphore_mem>>)
    %dma_start3A_69 = arith.constant 1 : i32
    %dma_start3A_70 = arith.constant 1 : i32
    %dma_start3A_71 = arith.constant 0 : i32
    %dma_start3A_72 = arith.constant 0 : i32
    %dma_start3A_73 = tpu.memref_slice %arg13[%dma_start3A_70, %dma_start3A_71, %dma_start3A_72] : memref<4x128x32xf32, #tpu.memory_space<vmem>> -> memref<1x128x32xf32, #tpu.memory_space<vmem>>
    %dma_start3A_74 = tpu.memref_squeeze %dma_start3A_73 : memref<1x128x32xf32, #tpu.memory_space<vmem>> -> memref<128x32xf32, #tpu.memory_space<vmem>>
    %dma_start3A_75 = arith.constant 0 : i32
    %dma_start3A_76 = tpu.memref_slice %arg10[%dma_start3A_69, %dma_start3A_75] : memref<4x128xi32, #tpu.memory_space<vmem>> -> memref<1x128xi32, #tpu.memory_space<vmem>>
    %dma_start3A_77 = tpu.memref_squeeze %dma_start3A_76 : memref<1x128xi32, #tpu.memory_space<vmem>> -> memref<128xi32, #tpu.memory_space<vmem>>
    %dma_start3A_78 = arith.constant 0 : i32
    %dma_start3A_79 = arith.constant 0 : i32
    %dma_start3A_80 = tpu.memref_slice %arg5[%dma_start3A_78, %dma_start3A_79] : memref<1000000x32xf32, #tpu.memory_space<hbm>> -> memref<1000000x32xf32, #tpu.memory_space<hbm>>
    tpu.enqueue_indirect_dma source(%dma_start3A_80 : memref<1000000x32xf32, #tpu.memory_space<hbm>>) target(%dma_start3A_74 : memref<128x32xf32, #tpu.memory_space<vmem>>) offsets(%dma_start3A_77 : memref<128xi32, #tpu.memory_space<vmem>>) semaphore(%arg17 : memref<!tpu.dma_semaphore, #tpu.memory_space<semaphore_mem>>)
    %dma_start3A_81 = arith.constant 1 : i32
    %dma_start3A_82 = arith.constant 1 : i32
    %dma_start3A_83 = arith.constant 0 : i32
    %dma_start3A_84 = arith.constant 0 : i32
    %dma_start3A_85 = tpu.memref_slice %arg12[%dma_start3A_82, %dma_start3A_83, %dma_start3A_84] : memref<4x128x32xf32, #tpu.memory_space<vmem>> -> memref<1x128x32xf32, #tpu.memory_space<vmem>>
    %dma_start3A_86 = tpu.memref_squeeze %dma_start3A_85 : memref<1x128x32xf32, #tpu.memory_space<vmem>> -> memref<128x32xf32, #tpu.memory_space<vmem>>
    %dma_start3A_87 = arith.constant 0 : i32
    %dma_start3A_88 = tpu.memref_slice %arg9[%dma_start3A_81, %dma_start3A_87] : memref<4x128xi32, #tpu.memory_space<vmem>> -> memref<1x128xi32, #tpu.memory_space<vmem>>
    %dma_start3A_89 = tpu.memref_squeeze %dma_start3A_88 : memref<1x128xi32, #tpu.memory_space<vmem>> -> memref<128xi32, #tpu.memory_space<vmem>>
    %dma_start3A_90 = arith.constant 0 : i32
    %dma_start3A_91 = arith.constant 0 : i32
    %dma_start3A_92 = tpu.memref_slice %arg6[%dma_start3A_90, %dma_start3A_91] : memref<1000x32xf32, #tpu.memory_space<hbm>> -> memref<1000x32xf32, #tpu.memory_space<hbm>>
    tpu.enqueue_indirect_dma source(%dma_start3A_92 : memref<1000x32xf32, #tpu.memory_space<hbm>>) target(%dma_start3A_86 : memref<128x32xf32, #tpu.memory_space<vmem>>) offsets(%dma_start3A_89 : memref<128xi32, #tpu.memory_space<vmem>>) semaphore(%arg17 : memref<!tpu.dma_semaphore, #tpu.memory_space<semaphore_mem>>)
    %dma_start3A_93 = arith.constant 2 : i32
    %dma_start3A_94 = arith.constant 2 : i32
    %dma_start3A_95 = arith.constant 0 : i32
    %dma_start3A_96 = arith.constant 0 : i32
    %dma_start3A_97 = tpu.memref_slice %arg11[%dma_start3A_94, %dma_start3A_95, %dma_start3A_96] : memref<4x128x32xf32, #tpu.memory_space<vmem>> -> memref<1x128x32xf32, #tpu.memory_space<vmem>>
    %dma_start3A_98 = tpu.memref_squeeze %dma_start3A_97 : memref<1x128x32xf32, #tpu.memory_space<vmem>> -> memref<128x32xf32, #tpu.memory_space<vmem>>
    %dma_start3A_99 = arith.constant 0 : i32
    %dma_start3A_100 = tpu.memref_slice %arg8[%dma_start3A_93, %dma_start3A_99] : memref<4x128xi32, #tpu.memory_space<vmem>> -> memref<1x128xi32, #tpu.memory_space<vmem>>
    %dma_start3A_101 = tpu.memref_squeeze %dma_start3A_100 : memref<1x128xi32, #tpu.memory_space<vmem>> -> memref<128xi32, #tpu.memory_space<vmem>>
    %dma_start3A_102 = arith.constant 0 : i32
    %dma_start3A_103 = arith.constant 0 : i32
    %dma_start3A_104 = tpu.memref_slice %arg5[%dma_start3A_102, %dma_start3A_103] : memref<1000000x32xf32, #tpu.memory_space<hbm>> -> memref<1000000x32xf32, #tpu.memory_space<hbm>>
    tpu.enqueue_indirect_dma source(%dma_start3A_104 : memref<1000000x32xf32, #tpu.memory_space<hbm>>) target(%dma_start3A_98 : memref<128x32xf32, #tpu.memory_space<vmem>>) offsets(%dma_start3A_101 : memref<128xi32, #tpu.memory_space<vmem>>) semaphore(%arg18 : memref<!tpu.dma_semaphore, #tpu.memory_space<semaphore_mem>>)
    %dma_start3A_105 = arith.constant 2 : i32
    %dma_start3A_106 = arith.constant 2 : i32
    %dma_start3A_107 = arith.constant 0 : i32
    %dma_start3A_108 = arith.constant 0 : i32
    %dma_start3A_109 = tpu.memref_slice %arg13[%dma_start3A_106, %dma_start3A_107, %dma_start3A_108] : memref<4x128x32xf32, #tpu.memory_space<vmem>> -> memref<1x128x32xf32, #tpu.memory_space<vmem>>
    %dma_start3A_110 = tpu.memref_squeeze %dma_start3A_109 : memref<1x128x32xf32, #tpu.memory_space<vmem>> -> memref<128x32xf32, #tpu.memory_space<vmem>>
    %dma_start3A_111 = arith.constant 0 : i32
    %dma_start3A_112 = tpu.memref_slice %arg10[%dma_start3A_105, %dma_start3A_111] : memref<4x128xi32, #tpu.memory_space<vmem>> -> memref<1x128xi32, #tpu.memory_space<vmem>>
    %dma_start3A_113 = tpu.memref_squeeze %dma_start3A_112 : memref<1x128xi32, #tpu.memory_space<vmem>> -> memref<128xi32, #tpu.memory_space<vmem>>
    %dma_start3A_114 = arith.constant 0 : i32
    %dma_start3A_115 = arith.constant 0 : i32
    %dma_start3A_116 = tpu.memref_slice %arg5[%dma_start3A_114, %dma_start3A_115] : memref<1000000x32xf32, #tpu.memory_space<hbm>> -> memref<1000000x32xf32, #tpu.memory_space<hbm>>
    tpu.enqueue_indirect_dma source(%dma_start3A_116 : memref<1000000x32xf32, #tpu.memory_space<hbm>>) target(%dma_start3A_110 : memref<128x32xf32, #tpu.memory_space<vmem>>) offsets(%dma_start3A_113 : memref<128xi32, #tpu.memory_space<vmem>>) semaphore(%arg18 : memref<!tpu.dma_semaphore, #tpu.memory_space<semaphore_mem>>)
    %dma_start3A_117 = arith.constant 2 : i32
    %dma_start3A_118 = arith.constant 2 : i32
    %dma_start3A_119 = arith.constant 0 : i32
    %dma_start3A_120 = arith.constant 0 : i32
    %dma_start3A_121 = tpu.memref_slice %arg12[%dma_start3A_118, %dma_start3A_119, %dma_start3A_120] : memref<4x128x32xf32, #tpu.memory_space<vmem>> -> memref<1x128x32xf32, #tpu.memory_space<vmem>>
    %dma_start3A_122 = tpu.memref_squeeze %dma_start3A_121 : memref<1x128x32xf32, #tpu.memory_space<vmem>> -> memref<128x32xf32, #tpu.memory_space<vmem>>
    %dma_start3A_123 = arith.constant 0 : i32
    %dma_start3A_124 = tpu.memref_slice %arg9[%dma_start3A_117, %dma_start3A_123] : memref<4x128xi32, #tpu.memory_space<vmem>> -> memref<1x128xi32, #tpu.memory_space<vmem>>
    %dma_start3A_125 = tpu.memref_squeeze %dma_start3A_124 : memref<1x128xi32, #tpu.memory_space<vmem>> -> memref<128xi32, #tpu.memory_space<vmem>>
    %dma_start3A_126 = arith.constant 0 : i32
    %dma_start3A_127 = arith.constant 0 : i32
    %dma_start3A_128 = tpu.memref_slice %arg6[%dma_start3A_126, %dma_start3A_127] : memref<1000x32xf32, #tpu.memory_space<hbm>> -> memref<1000x32xf32, #tpu.memory_space<hbm>>
    tpu.enqueue_indirect_dma source(%dma_start3A_128 : memref<1000x32xf32, #tpu.memory_space<hbm>>) target(%dma_start3A_122 : memref<128x32xf32, #tpu.memory_space<vmem>>) offsets(%dma_start3A_125 : memref<128xi32, #tpu.memory_space<vmem>>) semaphore(%arg18 : memref<!tpu.dma_semaphore, #tpu.memory_space<semaphore_mem>>)
    %dma_start3A_129 = arith.constant 3 : i32
    %dma_start3A_130 = arith.constant 3 : i32
    %dma_start3A_131 = arith.constant 0 : i32
    %dma_start3A_132 = arith.constant 0 : i32
    %dma_start3A_133 = tpu.memref_slice %arg11[%dma_start3A_130, %dma_start3A_131, %dma_start3A_132] : memref<4x128x32xf32, #tpu.memory_space<vmem>> -> memref<1x128x32xf32, #tpu.memory_space<vmem>>
    %dma_start3A_134 = tpu.memref_squeeze %dma_start3A_133 : memref<1x128x32xf32, #tpu.memory_space<vmem>> -> memref<128x32xf32, #tpu.memory_space<vmem>>
    %dma_start3A_135 = arith.constant 0 : i32
    %dma_start3A_136 = tpu.memref_slice %arg8[%dma_start3A_129, %dma_start3A_135] : memref<4x128xi32, #tpu.memory_space<vmem>> -> memref<1x128xi32, #tpu.memory_space<vmem>>
    %dma_start3A_137 = tpu.memref_squeeze %dma_start3A_136 : memref<1x128xi32, #tpu.memory_space<vmem>> -> memref<128xi32, #tpu.memory_space<vmem>>
    %dma_start3A_138 = arith.constant 0 : i32
    %dma_start3A_139 = arith.constant 0 : i32
    %dma_start3A_140 = tpu.memref_slice %arg5[%dma_start3A_138, %dma_start3A_139] : memref<1000000x32xf32, #tpu.memory_space<hbm>> -> memref<1000000x32xf32, #tpu.memory_space<hbm>>
    tpu.enqueue_indirect_dma source(%dma_start3A_140 : memref<1000000x32xf32, #tpu.memory_space<hbm>>) target(%dma_start3A_134 : memref<128x32xf32, #tpu.memory_space<vmem>>) offsets(%dma_start3A_137 : memref<128xi32, #tpu.memory_space<vmem>>) semaphore(%arg19 : memref<!tpu.dma_semaphore, #tpu.memory_space<semaphore_mem>>)
    %dma_start3A_141 = arith.constant 3 : i32
    %dma_start3A_142 = arith.constant 3 : i32
    %dma_start3A_143 = arith.constant 0 : i32
    %dma_start3A_144 = arith.constant 0 : i32
    %dma_start3A_145 = tpu.memref_slice %arg13[%dma_start3A_142, %dma_start3A_143, %dma_start3A_144] : memref<4x128x32xf32, #tpu.memory_space<vmem>> -> memref<1x128x32xf32, #tpu.memory_space<vmem>>
    %dma_start3A_146 = tpu.memref_squeeze %dma_start3A_145 : memref<1x128x32xf32, #tpu.memory_space<vmem>> -> memref<128x32xf32, #tpu.memory_space<vmem>>
    %dma_start3A_147 = arith.constant 0 : i32
    %dma_start3A_148 = tpu.memref_slice %arg10[%dma_start3A_141, %dma_start3A_147] : memref<4x128xi32, #tpu.memory_space<vmem>> -> memref<1x128xi32, #tpu.memory_space<vmem>>
    %dma_start3A_149 = tpu.memref_squeeze %dma_start3A_148 : memref<1x128xi32, #tpu.memory_space<vmem>> -> memref<128xi32, #tpu.memory_space<vmem>>
    %dma_start3A_150 = arith.constant 0 : i32
    %dma_start3A_151 = arith.constant 0 : i32
    %dma_start3A_152 = tpu.memref_slice %arg5[%dma_start3A_150, %dma_start3A_151] : memref<1000000x32xf32, #tpu.memory_space<hbm>> -> memref<1000000x32xf32, #tpu.memory_space<hbm>>
    tpu.enqueue_indirect_dma source(%dma_start3A_152 : memref<1000000x32xf32, #tpu.memory_space<hbm>>) target(%dma_start3A_146 : memref<128x32xf32, #tpu.memory_space<vmem>>) offsets(%dma_start3A_149 : memref<128xi32, #tpu.memory_space<vmem>>) semaphore(%arg19 : memref<!tpu.dma_semaphore, #tpu.memory_space<semaphore_mem>>)
    %dma_start3A_153 = arith.constant 3 : i32
    %dma_start3A_154 = arith.constant 3 : i32
    %dma_start3A_155 = arith.constant 0 : i32
    %dma_start3A_156 = arith.constant 0 : i32
    %dma_start3A_157 = tpu.memref_slice %arg12[%dma_start3A_154, %dma_start3A_155, %dma_start3A_156] : memref<4x128x32xf32, #tpu.memory_space<vmem>> -> memref<1x128x32xf32, #tpu.memory_space<vmem>>
    %dma_start3A_158 = tpu.memref_squeeze %dma_start3A_157 : memref<1x128x32xf32, #tpu.memory_space<vmem>> -> memref<128x32xf32, #tpu.memory_space<vmem>>
    %dma_start3A_159 = arith.constant 0 : i32
    %dma_start3A_160 = tpu.memref_slice %arg9[%dma_start3A_153, %dma_start3A_159] : memref<4x128xi32, #tpu.memory_space<vmem>> -> memref<1x128xi32, #tpu.memory_space<vmem>>
    %dma_start3A_161 = tpu.memref_squeeze %dma_start3A_160 : memref<1x128xi32, #tpu.memory_space<vmem>> -> memref<128xi32, #tpu.memory_space<vmem>>
    %dma_start3A_162 = arith.constant 0 : i32
    %dma_start3A_163 = arith.constant 0 : i32
    %dma_start3A_164 = tpu.memref_slice %arg6[%dma_start3A_162, %dma_start3A_163] : memref<1000x32xf32, #tpu.memory_space<hbm>> -> memref<1000x32xf32, #tpu.memory_space<hbm>>
    tpu.enqueue_indirect_dma source(%dma_start3A_164 : memref<1000x32xf32, #tpu.memory_space<hbm>>) target(%dma_start3A_158 : memref<128x32xf32, #tpu.memory_space<vmem>>) offsets(%dma_start3A_161 : memref<128xi32, #tpu.memory_space<vmem>>) semaphore(%arg19 : memref<!tpu.dma_semaphore, #tpu.memory_space<semaphore_mem>>)
    %dma_wait3A = arith.constant 0 : i32
    %dma_wait3A_165 = arith.constant 0 : i32
    %dma_wait3A_166 = arith.constant 0 : i32
    %dma_wait3A_167 = arith.constant 0 : i32
    %dma_wait3A_168 = tpu.memref_slice %arg11[%dma_wait3A_165, %dma_wait3A_166, %dma_wait3A_167] : memref<4x128x32xf32, #tpu.memory_space<vmem>> -> memref<1x128x32xf32, #tpu.memory_space<vmem>>
    %dma_wait3A_169 = tpu.memref_squeeze %dma_wait3A_168 : memref<1x128x32xf32, #tpu.memory_space<vmem>> -> memref<128x32xf32, #tpu.memory_space<vmem>>
    %dma_wait3A_170 = arith.constant 0 : i32
    %dma_wait3A_171 = tpu.memref_slice %arg8[%dma_wait3A, %dma_wait3A_170] : memref<4x128xi32, #tpu.memory_space<vmem>> -> memref<1x128xi32, #tpu.memory_space<vmem>>
    %dma_wait3A_172 = tpu.memref_squeeze %dma_wait3A_171 : memref<1x128xi32, #tpu.memory_space<vmem>> -> memref<128xi32, #tpu.memory_space<vmem>>
    %dma_wait3A_173 = arith.constant 0 : i32
    %dma_wait3A_174 = arith.constant 0 : i32
    %dma_wait3A_175 = tpu.memref_slice %arg5[%dma_wait3A_173, %dma_wait3A_174] : memref<1000000x32xf32, #tpu.memory_space<hbm>> -> memref<1000000x32xf32, #tpu.memory_space<hbm>>
    tpu.wait_indirect_dma semaphore(%arg16 : memref<!tpu.dma_semaphore, #tpu.memory_space<semaphore_mem>>) src(%dma_wait3A_175 : memref<1000000x32xf32, #tpu.memory_space<hbm>>) dst(%dma_wait3A_169 : memref<128x32xf32, #tpu.memory_space<vmem>>)
    %dma_wait3A_176 = arith.constant 0 : i32
    %dma_wait3A_177 = arith.constant 0 : i32
    %dma_wait3A_178 = arith.constant 0 : i32
    %dma_wait3A_179 = arith.constant 0 : i32
    %dma_wait3A_180 = tpu.memref_slice %arg13[%dma_wait3A_177, %dma_wait3A_178, %dma_wait3A_179] : memref<4x128x32xf32, #tpu.memory_space<vmem>> -> memref<1x128x32xf32, #tpu.memory_space<vmem>>
    %dma_wait3A_181 = tpu.memref_squeeze %dma_wait3A_180 : memref<1x128x32xf32, #tpu.memory_space<vmem>> -> memref<128x32xf32, #tpu.memory_space<vmem>>
    %dma_wait3A_182 = arith.constant 0 : i32
    %dma_wait3A_183 = tpu.memref_slice %arg10[%dma_wait3A_176, %dma_wait3A_182] : memref<4x128xi32, #tpu.memory_space<vmem>> -> memref<1x128xi32, #tpu.memory_space<vmem>>
    %dma_wait3A_184 = tpu.memref_squeeze %dma_wait3A_183 : memref<1x128xi32, #tpu.memory_space<vmem>> -> memref<128xi32, #tpu.memory_space<vmem>>
    %dma_wait3A_185 = arith.constant 0 : i32
    %dma_wait3A_186 = arith.constant 0 : i32
    %dma_wait3A_187 = tpu.memref_slice %arg5[%dma_wait3A_185, %dma_wait3A_186] : memref<1000000x32xf32, #tpu.memory_space<hbm>> -> memref<1000000x32xf32, #tpu.memory_space<hbm>>
    tpu.wait_indirect_dma semaphore(%arg16 : memref<!tpu.dma_semaphore, #tpu.memory_space<semaphore_mem>>) src(%dma_wait3A_187 : memref<1000000x32xf32, #tpu.memory_space<hbm>>) dst(%dma_wait3A_181 : memref<128x32xf32, #tpu.memory_space<vmem>>)
    %dma_wait3A_188 = arith.constant 0 : i32
    %dma_wait3A_189 = arith.constant 0 : i32
    %dma_wait3A_190 = arith.constant 0 : i32
    %dma_wait3A_191 = arith.constant 0 : i32
    %dma_wait3A_192 = tpu.memref_slice %arg12[%dma_wait3A_189, %dma_wait3A_190, %dma_wait3A_191] : memref<4x128x32xf32, #tpu.memory_space<vmem>> -> memref<1x128x32xf32, #tpu.memory_space<vmem>>
    %dma_wait3A_193 = tpu.memref_squeeze %dma_wait3A_192 : memref<1x128x32xf32, #tpu.memory_space<vmem>> -> memref<128x32xf32, #tpu.memory_space<vmem>>
    %dma_wait3A_194 = arith.constant 0 : i32
    %dma_wait3A_195 = tpu.memref_slice %arg9[%dma_wait3A_188, %dma_wait3A_194] : memref<4x128xi32, #tpu.memory_space<vmem>> -> memref<1x128xi32, #tpu.memory_space<vmem>>
    %dma_wait3A_196 = tpu.memref_squeeze %dma_wait3A_195 : memref<1x128xi32, #tpu.memory_space<vmem>> -> memref<128xi32, #tpu.memory_space<vmem>>
    %dma_wait3A_197 = arith.constant 0 : i32
    %dma_wait3A_198 = arith.constant 0 : i32
    %dma_wait3A_199 = tpu.memref_slice %arg6[%dma_wait3A_197, %dma_wait3A_198] : memref<1000x32xf32, #tpu.memory_space<hbm>> -> memref<1000x32xf32, #tpu.memory_space<hbm>>
    tpu.wait_indirect_dma semaphore(%arg16 : memref<!tpu.dma_semaphore, #tpu.memory_space<semaphore_mem>>) src(%dma_wait3A_199 : memref<1000x32xf32, #tpu.memory_space<hbm>>) dst(%dma_wait3A_193 : memref<128x32xf32, #tpu.memory_space<vmem>>)
    %scan3A = arith.constant 0 : i32
    %scan3A_200 = arith.constant 0 : i32
    %scan3A_201 = arith.constant 128 : i32
    %scan3A_202 = arith.addi %scan3A_200, %scan3A_201 : i32
    %scan3A_203 = arith.constant 4 : i32
    %scan3A_204 = scf.for %scan3A_345 = %scan3A_200 to %scan3A_202 step %scan3A_203 iter_args(%scan3A_346 = %scan3A) -> (i32)  : i32 {
      %get3A = arith.constant 0 : i32
      %get3A_347 = arith.index_cast %get3A : i32 to index
      %get3A_348 = arith.index_cast %scan3A_345 : i32 to index
      %get3A_349 = arith.constant 0 : index
      %get3A_350 = tpu.vector_load %arg11[%get3A_347, %get3A_348, %get3A_349] {strides = array<i32>} : memref<4x128x32xf32, #tpu.memory_space<vmem>>, vector<16xf32>,
      %get3A_351 = arith.constant 0 : i32
      %get3A_352 = arith.index_cast %get3A_351 : i32 to index
      %get3A_353 = arith.index_cast %scan3A_345 : i32 to index
      %get3A_354 = arith.constant 0 : index
      %get3A_355 = tpu.vector_load %arg12[%get3A_352, %get3A_353, %get3A_354] {strides = array<i32>} : memref<4x128x32xf32, #tpu.memory_space<vmem>>, vector<16xf32>,
      %add3A_356 = arith.addf %get3A_350, %get3A_355 : vector<16xf32>
      %get3A_357 = arith.constant 0 : i32
      %get3A_358 = arith.index_cast %get3A_357 : i32 to index
      %get3A_359 = arith.index_cast %scan3A_345 : i32 to index
      %get3A_360 = arith.constant 0 : index
      %get3A_361 = tpu.vector_load %arg13[%get3A_358, %get3A_359, %get3A_360] {strides = array<i32>} : memref<4x128x32xf32, #tpu.memory_space<vmem>>, vector<16xf32>,
      %sub3A = arith.subf %add3A_356, %get3A_361 : vector<16xf32>
      %get3A_362 = arith.constant 0 : i32
      %get3A_363 = arith.index_cast %get3A_362 : i32 to index
      %get3A_364 = arith.index_cast %scan3A_345 : i32 to index
      %get3A_365 = arith.constant 16 : index
      %get3A_366 = tpu.vector_load %arg11[%get3A_363, %get3A_364, %get3A_365] {strides = array<i32>} : memref<4x128x32xf32, #tpu.memory_space<vmem>>, vector<16xf32>,
      %get3A_367 = arith.constant 0 : i32
      %get3A_368 = arith.index_cast %get3A_367 : i32 to index
      %get3A_369 = arith.index_cast %scan3A_345 : i32 to index
      %get3A_370 = arith.constant 16 : index
      %get3A_371 = tpu.vector_load %arg12[%get3A_368, %get3A_369, %get3A_370] {strides = array<i32>} : memref<4x128x32xf32, #tpu.memory_space<vmem>>, vector<16xf32>,
      %add3A_372 = arith.addf %get3A_366, %get3A_371 : vector<16xf32>
      %get3A_373 = arith.constant 0 : i32
      %get3A_374 = arith.index_cast %get3A_373 : i32 to index
      %get3A_375 = arith.index_cast %scan3A_345 : i32 to index
      %get3A_376 = arith.constant 16 : index
      %get3A_377 = tpu.vector_load %arg13[%get3A_374, %get3A_375, %get3A_376] {strides = array<i32>} : memref<4x128x32xf32, #tpu.memory_space<vmem>>, vector<16xf32>,
      %sub3A_378 = arith.subf %add3A_372, %get3A_377 : vector<16xf32>
      %mul3A_379 = arith.mulf %sub3A, %sub3A : vector<16xf32>
      %mul3A_380 = arith.mulf %sub3A_378, %sub3A_378 : vector<16xf32>
      %add3A_381 = arith.addf %mul3A_379, %mul3A_380 : vector<16xf32>
      %add3A_382 = arith.constant 0 : i32
      %add3A_383 = arith.addi %add3A_382, %scan3A_345 : i32
      %mul3A_384 = arith.constant 16 : i32
      %mul3A_385 = arith.muli %add3A_383, %mul3A_384 : i32
      %multiple_of3A = tpu.assume_multiple %mul3A_385, 16 : i32
      %swap3A = arith.index_cast %multiple_of3A : i32 to index
      %swap3A_386 = tpu.vector_load %arg14[%swap3A] {strides = array<i32>} : memref<8192xf32, #tpu.memory_space<vmem>>, vector<16xf32>,
      tpu.vector_store %arg14[%swap3A], %add3A_381 {strides = array<i32>} : memref<8192xf32, #tpu.memory_space<vmem>>, vector<16xf32>,
      %scan3A_387 = arith.constant 0 : i32
      %scan3A_388 = arith.constant 1 : i32
      %scan3A_389 = arith.addi %scan3A_345, %scan3A_388 : i32
      %get3A_390 = arith.constant 0 : i32
      %get3A_391 = arith.index_cast %get3A_390 : i32 to index
      %get3A_392 = arith.index_cast %scan3A_389 : i32 to index
      %get3A_393 = arith.constant 0 : index
      %get3A_394 = tpu.vector_load %arg11[%get3A_391, %get3A_392, %get3A_393] {strides = array<i32>} : memref<4x128x32xf32, #tpu.memory_space<vmem>>, vector<16xf32>,
      %get3A_395 = arith.constant 0 : i32
      %get3A_396 = arith.index_cast %get3A_395 : i32 to index
      %get3A_397 = arith.index_cast %scan3A_389 : i32 to index
      %get3A_398 = arith.constant 0 : index
      %get3A_399 = tpu.vector_load %arg12[%get3A_396, %get3A_397, %get3A_398] {strides = array<i32>} : memref<4x128x32xf32, #tpu.memory_space<vmem>>, vector<16xf32>,
      %add3A_400 = arith.addf %get3A_394, %get3A_399 : vector<16xf32>
      %get3A_401 = arith.constant 0 : i32
      %get3A_402 = arith.index_cast %get3A_401 : i32 to index
      %get3A_403 = arith.index_cast %scan3A_389 : i32 to index
      %get3A_404 = arith.constant 0 : index
      %get3A_405 = tpu.vector_load %arg13[%get3A_402, %get3A_403, %get3A_404] {strides = array<i32>} : memref<4x128x32xf32, #tpu.memory_space<vmem>>, vector<16xf32>,
      %sub3A_406 = arith.subf %add3A_400, %get3A_405 : vector<16xf32>
      %get3A_407 = arith.constant 0 : i32
      %get3A_408 = arith.index_cast %get3A_407 : i32 to index
      %get3A_409 = arith.index_cast %scan3A_389 : i32 to index
      %get3A_410 = arith.constant 16 : index
      %get3A_411 = tpu.vector_load %arg11[%get3A_408, %get3A_409, %get3A_410] {strides = array<i32>} : memref<4x128x32xf32, #tpu.memory_space<vmem>>, vector<16xf32>,
      %get3A_412 = arith.constant 0 : i32
      %get3A_413 = arith.index_cast %get3A_412 : i32 to index
      %get3A_414 = arith.index_cast %scan3A_389 : i32 to index
      %get3A_415 = arith.constant 16 : index
      %get3A_416 = tpu.vector_load %arg12[%get3A_413, %get3A_414, %get3A_415] {strides = array<i32>} : memref<4x128x32xf32, #tpu.memory_space<vmem>>, vector<16xf32>,
      %add3A_417 = arith.addf %get3A_411, %get3A_416 : vector<16xf32>
      %get3A_418 = arith.constant 0 : i32
      %get3A_419 = arith.index_cast %get3A_418 : i32 to index
      %get3A_420 = arith.index_cast %scan3A_389 : i32 to index
      %get3A_421 = arith.constant 16 : index
      %get3A_422 = tpu.vector_load %arg13[%get3A_419, %get3A_420, %get3A_421] {strides = array<i32>} : memref<4x128x32xf32, #tpu.memory_space<vmem>>, vector<16xf32>,
      %sub3A_423 = arith.subf %add3A_417, %get3A_422 : vector<16xf32>
      %mul3A_424 = arith.mulf %sub3A_406, %sub3A_406 : vector<16xf32>
      %mul3A_425 = arith.mulf %sub3A_423, %sub3A_423 : vector<16xf32>
      %add3A_426 = arith.addf %mul3A_424, %mul3A_425 : vector<16xf32>
      %add3A_427 = arith.constant 0 : i32
      %add3A_428 = arith.addi %add3A_427, %scan3A_389 : i32
      %mul3A_429 = arith.constant 16 : i32
      %mul3A_430 = arith.muli %add3A_428, %mul3A_429 : i32
      %multiple_of3A_431 = tpu.assume_multiple %mul3A_430, 16 : i32
      %swap3A_432 = arith.index_cast %multiple_of3A_431 : i32 to index
      %swap3A_433 = tpu.vector_load %arg14[%swap3A_432] {strides = array<i32>} : memref<8192xf32, #tpu.memory_space<vmem>>, vector<16xf32>,
      tpu.vector_store %arg14[%swap3A_432], %add3A_426 {strides = array<i32>} : memref<8192xf32, #tpu.memory_space<vmem>>, vector<16xf32>,
      %scan3A_434 = arith.constant 0 : i32
      %scan3A_435 = arith.constant 2 : i32
      %scan3A_436 = arith.addi %scan3A_345, %scan3A_435 : i32
      %get3A_437 = arith.constant 0 : i32
      %get3A_438 = arith.index_cast %get3A_437 : i32 to index
      %get3A_439 = arith.index_cast %scan3A_436 : i32 to index
      %get3A_440 = arith.constant 0 : index
      %get3A_441 = tpu.vector_load %arg11[%get3A_438, %get3A_439, %get3A_440] {strides = array<i32>} : memref<4x128x32xf32, #tpu.memory_space<vmem>>, vector<16xf32>,
      %get3A_442 = arith.constant 0 : i32
      %get3A_443 = arith.index_cast %get3A_442 : i32 to index
      %get3A_444 = arith.index_cast %scan3A_436 : i32 to index
      %get3A_445 = arith.constant 0 : index
      %get3A_446 = tpu.vector_load %arg12[%get3A_443, %get3A_444, %get3A_445] {strides = array<i32>} : memref<4x128x32xf32, #tpu.memory_space<vmem>>, vector<16xf32>,
      %add3A_447 = arith.addf %get3A_441, %get3A_446 : vector<16xf32>
      %get3A_448 = arith.constant 0 : i32
      %get3A_449 = arith.index_cast %get3A_448 : i32 to index
      %get3A_450 = arith.index_cast %scan3A_436 : i32 to index
      %get3A_451 = arith.constant 0 : index
      %get3A_452 = tpu.vector_load %arg13[%get3A_449, %get3A_450, %get3A_451] {strides = array<i32>} : memref<4x128x32xf32, #tpu.memory_space<vmem>>, vector<16xf32>,
      %sub3A_453 = arith.subf %add3A_447, %get3A_452 : vector<16xf32>
      %get3A_454 = arith.constant 0 : i32
      %get3A_455 = arith.index_cast %get3A_454 : i32 to index
      %get3A_456 = arith.index_cast %scan3A_436 : i32 to index
      %get3A_457 = arith.constant 16 : index
      %get3A_458 = tpu.vector_load %arg11[%get3A_455, %get3A_456, %get3A_457] {strides = array<i32>} : memref<4x128x32xf32, #tpu.memory_space<vmem>>, vector<16xf32>,
      %get3A_459 = arith.constant 0 : i32
      %get3A_460 = arith.index_cast %get3A_459 : i32 to index
      %get3A_461 = arith.index_cast %scan3A_436 : i32 to index
      %get3A_462 = arith.constant 16 : index
      %get3A_463 = tpu.vector_load %arg12[%get3A_460, %get3A_461, %get3A_462] {strides = array<i32>} : memref<4x128x32xf32, #tpu.memory_space<vmem>>, vector<16xf32>,
      %add3A_464 = arith.addf %get3A_458, %get3A_463 : vector<16xf32>
      %get3A_465 = arith.constant 0 : i32
      %get3A_466 = arith.index_cast %get3A_465 : i32 to index
      %get3A_467 = arith.index_cast %scan3A_436 : i32 to index
      %get3A_468 = arith.constant 16 : index
      %get3A_469 = tpu.vector_load %arg13[%get3A_466, %get3A_467, %get3A_468] {strides = array<i32>} : memref<4x128x32xf32, #tpu.memory_space<vmem>>, vector<16xf32>,
      %sub3A_470 = arith.subf %add3A_464, %get3A_469 : vector<16xf32>
      %mul3A_471 = arith.mulf %sub3A_453, %sub3A_453 : vector<16xf32>
      %mul3A_472 = arith.mulf %sub3A_470, %sub3A_470 : vector<16xf32>
      %add3A_473 = arith.addf %mul3A_471, %mul3A_472 : vector<16xf32>
      %add3A_474 = arith.constant 0 : i32
      %add3A_475 = arith.addi %add3A_474, %scan3A_436 : i32
      %mul3A_476 = arith.constant 16 : i32
      %mul3A_477 = arith.muli %add3A_475, %mul3A_476 : i32
      %multiple_of3A_478 = tpu.assume_multiple %mul3A_477, 16 : i32
      %swap3A_479 = arith.index_cast %multiple_of3A_478 : i32 to index
      %swap3A_480 = tpu.vector_load %arg14[%swap3A_479] {strides = array<i32>} : memref<8192xf32, #tpu.memory_space<vmem>>, vector<16xf32>,
      tpu.vector_store %arg14[%swap3A_479], %add3A_473 {strides = array<i32>} : memref<8192xf32, #tpu.memory_space<vmem>>, vector<16xf32>,
      %scan3A_481 = arith.constant 0 : i32
      %scan3A_482 = arith.constant 3 : i32
      %scan3A_483 = arith.addi %scan3A_345, %scan3A_482 : i32
      %get3A_484 = arith.constant 0 : i32
      %get3A_485 = arith.index_cast %get3A_484 : i32 to index
      %get3A_486 = arith.index_cast %scan3A_483 : i32 to index
      %get3A_487 = arith.constant 0 : index
      %get3A_488 = tpu.vector_load %arg11[%get3A_485, %get3A_486, %get3A_487] {strides = array<i32>} : memref<4x128x32xf32, #tpu.memory_space<vmem>>, vector<16xf32>,
      %get3A_489 = arith.constant 0 : i32
      %get3A_490 = arith.index_cast %get3A_489 : i32 to index
      %get3A_491 = arith.index_cast %scan3A_483 : i32 to index
      %get3A_492 = arith.constant 0 : index
      %get3A_493 = tpu.vector_load %arg12[%get3A_490, %get3A_491, %get3A_492] {strides = array<i32>} : memref<4x128x32xf32, #tpu.memory_space<vmem>>, vector<16xf32>,
      %add3A_494 = arith.addf %get3A_488, %get3A_493 : vector<16xf32>
      %get3A_495 = arith.constant 0 : i32
      %get3A_496 = arith.index_cast %get3A_495 : i32 to index
      %get3A_497 = arith.index_cast %scan3A_483 : i32 to index
      %get3A_498 = arith.constant 0 : index
      %get3A_499 = tpu.vector_load %arg13[%get3A_496, %get3A_497, %get3A_498] {strides = array<i32>} : memref<4x128x32xf32, #tpu.memory_space<vmem>>, vector<16xf32>,
      %sub3A_500 = arith.subf %add3A_494, %get3A_499 : vector<16xf32>
      %get3A_501 = arith.constant 0 : i32
      %get3A_502 = arith.index_cast %get3A_501 : i32 to index
      %get3A_503 = arith.index_cast %scan3A_483 : i32 to index
      %get3A_504 = arith.constant 16 : index
      %get3A_505 = tpu.vector_load %arg11[%get3A_502, %get3A_503, %get3A_504] {strides = array<i32>} : memref<4x128x32xf32, #tpu.memory_space<vmem>>, vector<16xf32>,
      %get3A_506 = arith.constant 0 : i32
      %get3A_507 = arith.index_cast %get3A_506 : i32 to index
      %get3A_508 = arith.index_cast %scan3A_483 : i32 to index
      %get3A_509 = arith.constant 16 : index
      %get3A_510 = tpu.vector_load %arg12[%get3A_507, %get3A_508, %get3A_509] {strides = array<i32>} : memref<4x128x32xf32, #tpu.memory_space<vmem>>, vector<16xf32>,
      %add3A_511 = arith.addf %get3A_505, %get3A_510 : vector<16xf32>
      %get3A_512 = arith.constant 0 : i32
      %get3A_513 = arith.index_cast %get3A_512 : i32 to index
      %get3A_514 = arith.index_cast %scan3A_483 : i32 to index
      %get3A_515 = arith.constant 16 : index
      %get3A_516 = tpu.vector_load %arg13[%get3A_513, %get3A_514, %get3A_515] {strides = array<i32>} : memref<4x128x32xf32, #tpu.memory_space<vmem>>, vector<16xf32>,
      %sub3A_517 = arith.subf %add3A_511, %get3A_516 : vector<16xf32>
      %mul3A_518 = arith.mulf %sub3A_500, %sub3A_500 : vector<16xf32>
      %mul3A_519 = arith.mulf %sub3A_517, %sub3A_517 : vector<16xf32>
      %add3A_520 = arith.addf %mul3A_518, %mul3A_519 : vector<16xf32>
      %add3A_521 = arith.constant 0 : i32
      %add3A_522 = arith.addi %add3A_521, %scan3A_483 : i32
      %mul3A_523 = arith.constant 16 : i32
      %mul3A_524 = arith.muli %add3A_522, %mul3A_523 : i32
      %multiple_of3A_525 = tpu.assume_multiple %mul3A_524, 16 : i32
      %swap3A_526 = arith.index_cast %multiple_of3A_525 : i32 to index
      %swap3A_527 = tpu.vector_load %arg14[%swap3A_526] {strides = array<i32>} : memref<8192xf32, #tpu.memory_space<vmem>>, vector<16xf32>,
      tpu.vector_store %arg14[%swap3A_526], %add3A_520 {strides = array<i32>} : memref<8192xf32, #tpu.memory_space<vmem>>, vector<16xf32>,
      %scan3A_528 = arith.constant 0 : i32
      scf.yield %scan3A_528 : i32
    }
    %scan3A_205 = arith.constant 128 : i32
    %dma_wait3A_206 = arith.constant 1 : i32
    %dma_wait3A_207 = arith.constant 1 : i32
    %dma_wait3A_208 = arith.constant 0 : i32
    %dma_wait3A_209 = arith.constant 0 : i32
    %dma_wait3A_210 = tpu.memref_slice %arg11[%dma_wait3A_207, %dma_wait3A_208, %dma_wait3A_209] : memref<4x128x32xf32, #tpu.memory_space<vmem>> -> memref<1x128x32xf32, #tpu.memory_space<vmem>>
    %dma_wait3A_211 = tpu.memref_squeeze %dma_wait3A_210 : memref<1x128x32xf32, #tpu.memory_space<vmem>> -> memref<128x32xf32, #tpu.memory_space<vmem>>
    %dma_wait3A_212 = arith.constant 0 : i32
    %dma_wait3A_213 = tpu.memref_slice %arg8[%dma_wait3A_206, %dma_wait3A_212] : memref<4x128xi32, #tpu.memory_space<vmem>> -> memref<1x128xi32, #tpu.memory_space<vmem>>
    %dma_wait3A_214 = tpu.memref_squeeze %dma_wait3A_213 : memref<1x128xi32, #tpu.memory_space<vmem>> -> memref<128xi32, #tpu.memory_space<vmem>>
    %dma_wait3A_215 = arith.constant 0 : i32
    %dma_wait3A_216 = arith.constant 0 : i32
    %dma_wait3A_217 = tpu.memref_slice %arg5[%dma_wait3A_215, %dma_wait3A_216] : memref<1000000x32xf32, #tpu.memory_space<hbm>> -> memref<1000000x32xf32, #tpu.memory_space<hbm>>
    tpu.wait_indirect_dma semaphore(%arg17 : memref<!tpu.dma_semaphore, #tpu.memory_space<semaphore_mem>>) src(%dma_wait3A_217 : memref<1000000x32xf32, #tpu.memory_space<hbm>>) dst(%dma_wait3A_211 : memref<128x32xf32, #tpu.memory_space<vmem>>)
    %dma_wait3A_218 = arith.constant 1 : i32
    %dma_wait3A_219 = arith.constant 1 : i32
    %dma_wait3A_220 = arith.constant 0 : i32
    %dma_wait3A_221 = arith.constant 0 : i32
    %dma_wait3A_222 = tpu.memref_slice %arg13[%dma_wait3A_219, %dma_wait3A_220, %dma_wait3A_221] : memref<4x128x32xf32, #tpu.memory_space<vmem>> -> memref<1x128x32xf32, #tpu.memory_space<vmem>>
    %dma_wait3A_223 = tpu.memref_squeeze %dma_wait3A_222 : memref<1x128x32xf32, #tpu.memory_space<vmem>> -> memref<128x32xf32, #tpu.memory_space<vmem>>
    %dma_wait3A_224 = arith.constant 0 : i32
    %dma_wait3A_225 = tpu.memref_slice %arg10[%dma_wait3A_218, %dma_wait3A_224] : memref<4x128xi32, #tpu.memory_space<vmem>> -> memref<1x128xi32, #tpu.memory_space<vmem>>
    %dma_wait3A_226 = tpu.memref_squeeze %dma_wait3A_225 : memref<1x128xi32, #tpu.memory_space<vmem>> -> memref<128xi32, #tpu.memory_space<vmem>>
    %dma_wait3A_227 = arith.constant 0 : i32
    %dma_wait3A_228 = arith.constant 0 : i32
    %dma_wait3A_229 = tpu.memref_slice %arg5[%dma_wait3A_227, %dma_wait3A_228] : memref<1000000x32xf32, #tpu.memory_space<hbm>> -> memref<1000000x32xf32, #tpu.memory_space<hbm>>
    tpu.wait_indirect_dma semaphore(%arg17 : memref<!tpu.dma_semaphore, #tpu.memory_space<semaphore_mem>>) src(%dma_wait3A_229 : memref<1000000x32xf32, #tpu.memory_space<hbm>>) dst(%dma_wait3A_223 : memref<128x32xf32, #tpu.memory_space<vmem>>)
    %dma_wait3A_230 = arith.constant 1 : i32
    %dma_wait3A_231 = arith.constant 1 : i32
    %dma_wait3A_232 = arith.constant 0 : i32
    %dma_wait3A_233 = arith.constant 0 : i32
    %dma_wait3A_234 = tpu.memref_slice %arg12[%dma_wait3A_231, %dma_wait3A_232, %dma_wait3A_233] : memref<4x128x32xf32, #tpu.memory_space<vmem>> -> memref<1x128x32xf32, #tpu.memory_space<vmem>>
    %dma_wait3A_235 = tpu.memref_squeeze %dma_wait3A_234 : memref<1x128x32xf32, #tpu.memory_space<vmem>> -> memref<128x32xf32, #tpu.memory_space<vmem>>
    %dma_wait3A_236 = arith.constant 0 : i32
    %dma_wait3A_237 = tpu.memref_slice %arg9[%dma_wait3A_230, %dma_wait3A_236] : memref<4x128xi32, #tpu.memory_space<vmem>> -> memref<1x128xi32, #tpu.memory_space<vmem>>
    %dma_wait3A_238 = tpu.memref_squeeze %dma_wait3A_237 : memref<1x128xi32, #tpu.memory_space<vmem>> -> memref<128xi32, #tpu.memory_space<vmem>>
    %dma_wait3A_239 = arith.constant 0 : i32
    %dma_wait3A_240 = arith.constant 0 : i32
    %dma_wait3A_241 = tpu.memref_slice %arg6[%dma_wait3A_239, %dma_wait3A_240] : memref<1000x32xf32, #tpu.memory_space<hbm>> -> memref<1000x32xf32, #tpu.memory_space<hbm>>
    tpu.wait_indirect_dma semaphore(%arg17 : memref<!tpu.dma_semaphore, #tpu.memory_space<semaphore_mem>>) src(%dma_wait3A_241 : memref<1000x32xf32, #tpu.memory_space<hbm>>) dst(%dma_wait3A_235 : memref<128x32xf32, #tpu.memory_space<vmem>>)
    %scan3A_242 = arith.constant 0 : i32
    %scan3A_243 = arith.constant 0 : i32
    %scan3A_244 = arith.constant 128 : i32
    %scan3A_245 = arith.addi %scan3A_243, %scan3A_244 : i32
    %scan3A_246 = arith.constant 4 : i32
    %scan3A_247 = scf.for %scan3A_345 = %scan3A_243 to %scan3A_245 step %scan3A_246 iter_args(%scan3A_346 = %scan3A_242) -> (i32)  : i32 {
      %get3A = arith.constant 1 : i32
      %get3A_347 = arith.index_cast %get3A : i32 to index
      %get3A_348 = arith.index_cast %scan3A_345 : i32 to index
      %get3A_349 = arith.constant 0 : index
      %get3A_350 = tpu.vector_load %arg11[%get3A_347, %get3A_348, %get3A_349] {strides = array<i32>} : memref<4x128x32xf32, #tpu.memory_space<vmem>>, vector<16xf32>,
      %get3A_351 = arith.constant 1 : i32
      %get3A_352 = arith.index_cast %get3A_351 : i32 to index
      %get3A_353 = arith.index_cast %scan3A_345 : i32 to index
      %get3A_354 = arith.constant 0 : index
      %get3A_355 = tpu.vector_load %arg12[%get3A_352, %get3A_353, %get3A_354] {strides = array<i32>} : memref<4x128x32xf32, #tpu.memory_space<vmem>>, vector<16xf32>,
      %add3A_356 = arith.addf %get3A_350, %get3A_355 : vector<16xf32>
      %get3A_357 = arith.constant 1 : i32
      %get3A_358 = arith.index_cast %get3A_357 : i32 to index
      %get3A_359 = arith.index_cast %scan3A_345 : i32 to index
      %get3A_360 = arith.constant 0 : index
      %get3A_361 = tpu.vector_load %arg13[%get3A_358, %get3A_359, %get3A_360] {strides = array<i32>} : memref<4x128x32xf32, #tpu.memory_space<vmem>>, vector<16xf32>,
      %sub3A = arith.subf %add3A_356, %get3A_361 : vector<16xf32>
      %get3A_362 = arith.constant 1 : i32
      %get3A_363 = arith.index_cast %get3A_362 : i32 to index
      %get3A_364 = arith.index_cast %scan3A_345 : i32 to index
      %get3A_365 = arith.constant 16 : index
      %get3A_366 = tpu.vector_load %arg11[%get3A_363, %get3A_364, %get3A_365] {strides = array<i32>} : memref<4x128x32xf32, #tpu.memory_space<vmem>>, vector<16xf32>,
      %get3A_367 = arith.constant 1 : i32
      %get3A_368 = arith.index_cast %get3A_367 : i32 to index
      %get3A_369 = arith.index_cast %scan3A_345 : i32 to index
      %get3A_370 = arith.constant 16 : index
      %get3A_371 = tpu.vector_load %arg12[%get3A_368, %get3A_369, %get3A_370] {strides = array<i32>} : memref<4x128x32xf32, #tpu.memory_space<vmem>>, vector<16xf32>,
      %add3A_372 = arith.addf %get3A_366, %get3A_371 : vector<16xf32>
      %get3A_373 = arith.constant 1 : i32
      %get3A_374 = arith.index_cast %get3A_373 : i32 to index
      %get3A_375 = arith.index_cast %scan3A_345 : i32 to index
      %get3A_376 = arith.constant 16 : index
      %get3A_377 = tpu.vector_load %arg13[%get3A_374, %get3A_375, %get3A_376] {strides = array<i32>} : memref<4x128x32xf32, #tpu.memory_space<vmem>>, vector<16xf32>,
      %sub3A_378 = arith.subf %add3A_372, %get3A_377 : vector<16xf32>
      %mul3A_379 = arith.mulf %sub3A, %sub3A : vector<16xf32>
      %mul3A_380 = arith.mulf %sub3A_378, %sub3A_378 : vector<16xf32>
      %add3A_381 = arith.addf %mul3A_379, %mul3A_380 : vector<16xf32>
      %add3A_382 = arith.constant 128 : i32
      %add3A_383 = arith.addi %add3A_382, %scan3A_345 : i32
      %mul3A_384 = arith.constant 16 : i32
      %mul3A_385 = arith.muli %add3A_383, %mul3A_384 : i32
      %multiple_of3A = tpu.assume_multiple %mul3A_385, 16 : i32
      %swap3A = arith.index_cast %multiple_of3A : i32 to index
      %swap3A_386 = tpu.vector_load %arg14[%swap3A] {strides = array<i32>} : memref<8192xf32, #tpu.memory_space<vmem>>, vector<16xf32>,
      tpu.vector_store %arg14[%swap3A], %add3A_381 {strides = array<i32>} : memref<8192xf32, #tpu.memory_space<vmem>>, vector<16xf32>,
      %scan3A_387 = arith.constant 0 : i32
      %scan3A_388 = arith.constant 1 : i32
      %scan3A_389 = arith.addi %scan3A_345, %scan3A_388 : i32
      %get3A_390 = arith.constant 1 : i32
      %get3A_391 = arith.index_cast %get3A_390 : i32 to index
      %get3A_392 = arith.index_cast %scan3A_389 : i32 to index
      %get3A_393 = arith.constant 0 : index
      %get3A_394 = tpu.vector_load %arg11[%get3A_391, %get3A_392, %get3A_393] {strides = array<i32>} : memref<4x128x32xf32, #tpu.memory_space<vmem>>, vector<16xf32>,
      %get3A_395 = arith.constant 1 : i32
      %get3A_396 = arith.index_cast %get3A_395 : i32 to index
      %get3A_397 = arith.index_cast %scan3A_389 : i32 to index
      %get3A_398 = arith.constant 0 : index
      %get3A_399 = tpu.vector_load %arg12[%get3A_396, %get3A_397, %get3A_398] {strides = array<i32>} : memref<4x128x32xf32, #tpu.memory_space<vmem>>, vector<16xf32>,
      %add3A_400 = arith.addf %get3A_394, %get3A_399 : vector<16xf32>
      %get3A_401 = arith.constant 1 : i32
      %get3A_402 = arith.index_cast %get3A_401 : i32 to index
      %get3A_403 = arith.index_cast %scan3A_389 : i32 to index
      %get3A_404 = arith.constant 0 : index
      %get3A_405 = tpu.vector_load %arg13[%get3A_402, %get3A_403, %get3A_404] {strides = array<i32>} : memref<4x128x32xf32, #tpu.memory_space<vmem>>, vector<16xf32>,
      %sub3A_406 = arith.subf %add3A_400, %get3A_405 : vector<16xf32>
      %get3A_407 = arith.constant 1 : i32
      %get3A_408 = arith.index_cast %get3A_407 : i32 to index
      %get3A_409 = arith.index_cast %scan3A_389 : i32 to index
      %get3A_410 = arith.constant 16 : index
      %get3A_411 = tpu.vector_load %arg11[%get3A_408, %get3A_409, %get3A_410] {strides = array<i32>} : memref<4x128x32xf32, #tpu.memory_space<vmem>>, vector<16xf32>,
      %get3A_412 = arith.constant 1 : i32
      %get3A_413 = arith.index_cast %get3A_412 : i32 to index
      %get3A_414 = arith.index_cast %scan3A_389 : i32 to index
      %get3A_415 = arith.constant 16 : index
      %get3A_416 = tpu.vector_load %arg12[%get3A_413, %get3A_414, %get3A_415] {strides = array<i32>} : memref<4x128x32xf32, #tpu.memory_space<vmem>>, vector<16xf32>,
      %add3A_417 = arith.addf %get3A_411, %get3A_416 : vector<16xf32>
      %get3A_418 = arith.constant 1 : i32
      %get3A_419 = arith.index_cast %get3A_418 : i32 to index
      %get3A_420 = arith.index_cast %scan3A_389 : i32 to index
      %get3A_421 = arith.constant 16 : index
      %get3A_422 = tpu.vector_load %arg13[%get3A_419, %get3A_420, %get3A_421] {strides = array<i32>} : memref<4x128x32xf32, #tpu.memory_space<vmem>>, vector<16xf32>,
      %sub3A_423 = arith.subf %add3A_417, %get3A_422 : vector<16xf32>
      %mul3A_424 = arith.mulf %sub3A_406, %sub3A_406 : vector<16xf32>
      %mul3A_425 = arith.mulf %sub3A_423, %sub3A_423 : vector<16xf32>
      %add3A_426 = arith.addf %mul3A_424, %mul3A_425 : vector<16xf32>
      %add3A_427 = arith.constant 128 : i32
      %add3A_428 = arith.addi %add3A_427, %scan3A_389 : i32
      %mul3A_429 = arith.constant 16 : i32
      %mul3A_430 = arith.muli %add3A_428, %mul3A_429 : i32
      %multiple_of3A_431 = tpu.assume_multiple %mul3A_430, 16 : i32
      %swap3A_432 = arith.index_cast %multiple_of3A_431 : i32 to index
      %swap3A_433 = tpu.vector_load %arg14[%swap3A_432] {strides = array<i32>} : memref<8192xf32, #tpu.memory_space<vmem>>, vector<16xf32>,
      tpu.vector_store %arg14[%swap3A_432], %add3A_426 {strides = array<i32>} : memref<8192xf32, #tpu.memory_space<vmem>>, vector<16xf32>,
      %scan3A_434 = arith.constant 0 : i32
      %scan3A_435 = arith.constant 2 : i32
      %scan3A_436 = arith.addi %scan3A_345, %scan3A_435 : i32
      %get3A_437 = arith.constant 1 : i32
      %get3A_438 = arith.index_cast %get3A_437 : i32 to index
      %get3A_439 = arith.index_cast %scan3A_436 : i32 to index
      %get3A_440 = arith.constant 0 : index
      %get3A_441 = tpu.vector_load %arg11[%get3A_438, %get3A_439, %get3A_440] {strides = array<i32>} : memref<4x128x32xf32, #tpu.memory_space<vmem>>, vector<16xf32>,
      %get3A_442 = arith.constant 1 : i32
      %get3A_443 = arith.index_cast %get3A_442 : i32 to index
      %get3A_444 = arith.index_cast %scan3A_436 : i32 to index
      %get3A_445 = arith.constant 0 : index
      %get3A_446 = tpu.vector_load %arg12[%get3A_443, %get3A_444, %get3A_445] {strides = array<i32>} : memref<4x128x32xf32, #tpu.memory_space<vmem>>, vector<16xf32>,
      %add3A_447 = arith.addf %get3A_441, %get3A_446 : vector<16xf32>
      %get3A_448 = arith.constant 1 : i32
      %get3A_449 = arith.index_cast %get3A_448 : i32 to index
      %get3A_450 = arith.index_cast %scan3A_436 : i32 to index
      %get3A_451 = arith.constant 0 : index
      %get3A_452 = tpu.vector_load %arg13[%get3A_449, %get3A_450, %get3A_451] {strides = array<i32>} : memref<4x128x32xf32, #tpu.memory_space<vmem>>, vector<16xf32>,
      %sub3A_453 = arith.subf %add3A_447, %get3A_452 : vector<16xf32>
      %get3A_454 = arith.constant 1 : i32
      %get3A_455 = arith.index_cast %get3A_454 : i32 to index
      %get3A_456 = arith.index_cast %scan3A_436 : i32 to index
      %get3A_457 = arith.constant 16 : index
      %get3A_458 = tpu.vector_load %arg11[%get3A_455, %get3A_456, %get3A_457] {strides = array<i32>} : memref<4x128x32xf32, #tpu.memory_space<vmem>>, vector<16xf32>,
      %get3A_459 = arith.constant 1 : i32
      %get3A_460 = arith.index_cast %get3A_459 : i32 to index
      %get3A_461 = arith.index_cast %scan3A_436 : i32 to index
      %get3A_462 = arith.constant 16 : index
      %get3A_463 = tpu.vector_load %arg12[%get3A_460, %get3A_461, %get3A_462] {strides = array<i32>} : memref<4x128x32xf32, #tpu.memory_space<vmem>>, vector<16xf32>,
      %add3A_464 = arith.addf %get3A_458, %get3A_463 : vector<16xf32>
      %get3A_465 = arith.constant 1 : i32
      %get3A_466 = arith.index_cast %get3A_465 : i32 to index
      %get3A_467 = arith.index_cast %scan3A_436 : i32 to index
      %get3A_468 = arith.constant 16 : index
      %get3A_469 = tpu.vector_load %arg13[%get3A_466, %get3A_467, %get3A_468] {strides = array<i32>} : memref<4x128x32xf32, #tpu.memory_space<vmem>>, vector<16xf32>,
      %sub3A_470 = arith.subf %add3A_464, %get3A_469 : vector<16xf32>
      %mul3A_471 = arith.mulf %sub3A_453, %sub3A_453 : vector<16xf32>
      %mul3A_472 = arith.mulf %sub3A_470, %sub3A_470 : vector<16xf32>
      %add3A_473 = arith.addf %mul3A_471, %mul3A_472 : vector<16xf32>
      %add3A_474 = arith.constant 128 : i32
      %add3A_475 = arith.addi %add3A_474, %scan3A_436 : i32
      %mul3A_476 = arith.constant 16 : i32
      %mul3A_477 = arith.muli %add3A_475, %mul3A_476 : i32
      %multiple_of3A_478 = tpu.assume_multiple %mul3A_477, 16 : i32
      %swap3A_479 = arith.index_cast %multiple_of3A_478 : i32 to index
      %swap3A_480 = tpu.vector_load %arg14[%swap3A_479] {strides = array<i32>} : memref<8192xf32, #tpu.memory_space<vmem>>, vector<16xf32>,
      tpu.vector_store %arg14[%swap3A_479], %add3A_473 {strides = array<i32>} : memref<8192xf32, #tpu.memory_space<vmem>>, vector<16xf32>,
      %scan3A_481 = arith.constant 0 : i32
      %scan3A_482 = arith.constant 3 : i32
      %scan3A_483 = arith.addi %scan3A_345, %scan3A_482 : i32
      %get3A_484 = arith.constant 1 : i32
      %get3A_485 = arith.index_cast %get3A_484 : i32 to index
      %get3A_486 = arith.index_cast %scan3A_483 : i32 to index
      %get3A_487 = arith.constant 0 : index
      %get3A_488 = tpu.vector_load %arg11[%get3A_485, %get3A_486, %get3A_487] {strides = array<i32>} : memref<4x128x32xf32, #tpu.memory_space<vmem>>, vector<16xf32>,
      %get3A_489 = arith.constant 1 : i32
      %get3A_490 = arith.index_cast %get3A_489 : i32 to index
      %get3A_491 = arith.index_cast %scan3A_483 : i32 to index
      %get3A_492 = arith.constant 0 : index
      %get3A_493 = tpu.vector_load %arg12[%get3A_490, %get3A_491, %get3A_492] {strides = array<i32>} : memref<4x128x32xf32, #tpu.memory_space<vmem>>, vector<16xf32>,
      %add3A_494 = arith.addf %get3A_488, %get3A_493 : vector<16xf32>
      %get3A_495 = arith.constant 1 : i32
      %get3A_496 = arith.index_cast %get3A_495 : i32 to index
      %get3A_497 = arith.index_cast %scan3A_483 : i32 to index
      %get3A_498 = arith.constant 0 : index
      %get3A_499 = tpu.vector_load %arg13[%get3A_496, %get3A_497, %get3A_498] {strides = array<i32>} : memref<4x128x32xf32, #tpu.memory_space<vmem>>, vector<16xf32>,
      %sub3A_500 = arith.subf %add3A_494, %get3A_499 : vector<16xf32>
      %get3A_501 = arith.constant 1 : i32
      %get3A_502 = arith.index_cast %get3A_501 : i32 to index
      %get3A_503 = arith.index_cast %scan3A_483 : i32 to index
      %get3A_504 = arith.constant 16 : index
      %get3A_505 = tpu.vector_load %arg11[%get3A_502, %get3A_503, %get3A_504] {strides = array<i32>} : memref<4x128x32xf32, #tpu.memory_space<vmem>>, vector<16xf32>,
      %get3A_506 = arith.constant 1 : i32
      %get3A_507 = arith.index_cast %get3A_506 : i32 to index
      %get3A_508 = arith.index_cast %scan3A_483 : i32 to index
      %get3A_509 = arith.constant 16 : index
      %get3A_510 = tpu.vector_load %arg12[%get3A_507, %get3A_508, %get3A_509] {strides = array<i32>} : memref<4x128x32xf32, #tpu.memory_space<vmem>>, vector<16xf32>,
      %add3A_511 = arith.addf %get3A_505, %get3A_510 : vector<16xf32>
      %get3A_512 = arith.constant 1 : i32
      %get3A_513 = arith.index_cast %get3A_512 : i32 to index
      %get3A_514 = arith.index_cast %scan3A_483 : i32 to index
      %get3A_515 = arith.constant 16 : index
      %get3A_516 = tpu.vector_load %arg13[%get3A_513, %get3A_514, %get3A_515] {strides = array<i32>} : memref<4x128x32xf32, #tpu.memory_space<vmem>>, vector<16xf32>,
      %sub3A_517 = arith.subf %add3A_511, %get3A_516 : vector<16xf32>
      %mul3A_518 = arith.mulf %sub3A_500, %sub3A_500 : vector<16xf32>
      %mul3A_519 = arith.mulf %sub3A_517, %sub3A_517 : vector<16xf32>
      %add3A_520 = arith.addf %mul3A_518, %mul3A_519 : vector<16xf32>
      %add3A_521 = arith.constant 128 : i32
      %add3A_522 = arith.addi %add3A_521, %scan3A_483 : i32
      %mul3A_523 = arith.constant 16 : i32
      %mul3A_524 = arith.muli %add3A_522, %mul3A_523 : i32
      %multiple_of3A_525 = tpu.assume_multiple %mul3A_524, 16 : i32
      %swap3A_526 = arith.index_cast %multiple_of3A_525 : i32 to index
      %swap3A_527 = tpu.vector_load %arg14[%swap3A_526] {strides = array<i32>} : memref<8192xf32, #tpu.memory_space<vmem>>, vector<16xf32>,
      tpu.vector_store %arg14[%swap3A_526], %add3A_520 {strides = array<i32>} : memref<8192xf32, #tpu.memory_space<vmem>>, vector<16xf32>,
      %scan3A_528 = arith.constant 0 : i32
      scf.yield %scan3A_528 : i32
    }
    %scan3A_248 = arith.constant 128 : i32
    %dma_wait3A_249 = arith.constant 2 : i32
    %dma_wait3A_250 = arith.constant 2 : i32
    %dma_wait3A_251 = arith.constant 0 : i32
    %dma_wait3A_252 = arith.constant 0 : i32
    %dma_wait3A_253 = tpu.memref_slice %arg11[%dma_wait3A_250, %dma_wait3A_251, %dma_wait3A_252] : memref<4x128x32xf32, #tpu.memory_space<vmem>> -> memref<1x128x32xf32, #tpu.memory_space<vmem>>
    %dma_wait3A_254 = tpu.memref_squeeze %dma_wait3A_253 : memref<1x128x32xf32, #tpu.memory_space<vmem>> -> memref<128x32xf32, #tpu.memory_space<vmem>>
    %dma_wait3A_255 = arith.constant 0 : i32
    %dma_wait3A_256 = tpu.memref_slice %arg8[%dma_wait3A_249, %dma_wait3A_255] : memref<4x128xi32, #tpu.memory_space<vmem>> -> memref<1x128xi32, #tpu.memory_space<vmem>>
    %dma_wait3A_257 = tpu.memref_squeeze %dma_wait3A_256 : memref<1x128xi32, #tpu.memory_space<vmem>> -> memref<128xi32, #tpu.memory_space<vmem>>
    %dma_wait3A_258 = arith.constant 0 : i32
    %dma_wait3A_259 = arith.constant 0 : i32
    %dma_wait3A_260 = tpu.memref_slice %arg5[%dma_wait3A_258, %dma_wait3A_259] : memref<1000000x32xf32, #tpu.memory_space<hbm>> -> memref<1000000x32xf32, #tpu.memory_space<hbm>>
    tpu.wait_indirect_dma semaphore(%arg18 : memref<!tpu.dma_semaphore, #tpu.memory_space<semaphore_mem>>) src(%dma_wait3A_260 : memref<1000000x32xf32, #tpu.memory_space<hbm>>) dst(%dma_wait3A_254 : memref<128x32xf32, #tpu.memory_space<vmem>>)
    %dma_wait3A_261 = arith.constant 2 : i32
    %dma_wait3A_262 = arith.constant 2 : i32
    %dma_wait3A_263 = arith.constant 0 : i32
    %dma_wait3A_264 = arith.constant 0 : i32
    %dma_wait3A_265 = tpu.memref_slice %arg13[%dma_wait3A_262, %dma_wait3A_263, %dma_wait3A_264] : memref<4x128x32xf32, #tpu.memory_space<vmem>> -> memref<1x128x32xf32, #tpu.memory_space<vmem>>
    %dma_wait3A_266 = tpu.memref_squeeze %dma_wait3A_265 : memref<1x128x32xf32, #tpu.memory_space<vmem>> -> memref<128x32xf32, #tpu.memory_space<vmem>>
    %dma_wait3A_267 = arith.constant 0 : i32
    %dma_wait3A_268 = tpu.memref_slice %arg10[%dma_wait3A_261, %dma_wait3A_267] : memref<4x128xi32, #tpu.memory_space<vmem>> -> memref<1x128xi32, #tpu.memory_space<vmem>>
    %dma_wait3A_269 = tpu.memref_squeeze %dma_wait3A_268 : memref<1x128xi32, #tpu.memory_space<vmem>> -> memref<128xi32, #tpu.memory_space<vmem>>
    %dma_wait3A_270 = arith.constant 0 : i32
    %dma_wait3A_271 = arith.constant 0 : i32
    %dma_wait3A_272 = tpu.memref_slice %arg5[%dma_wait3A_270, %dma_wait3A_271] : memref<1000000x32xf32, #tpu.memory_space<hbm>> -> memref<1000000x32xf32, #tpu.memory_space<hbm>>
    tpu.wait_indirect_dma semaphore(%arg18 : memref<!tpu.dma_semaphore, #tpu.memory_space<semaphore_mem>>) src(%dma_wait3A_272 : memref<1000000x32xf32, #tpu.memory_space<hbm>>) dst(%dma_wait3A_266 : memref<128x32xf32, #tpu.memory_space<vmem>>)
    %dma_wait3A_273 = arith.constant 2 : i32
    %dma_wait3A_274 = arith.constant 2 : i32
    %dma_wait3A_275 = arith.constant 0 : i32
    %dma_wait3A_276 = arith.constant 0 : i32
    %dma_wait3A_277 = tpu.memref_slice %arg12[%dma_wait3A_274, %dma_wait3A_275, %dma_wait3A_276] : memref<4x128x32xf32, #tpu.memory_space<vmem>> -> memref<1x128x32xf32, #tpu.memory_space<vmem>>
    %dma_wait3A_278 = tpu.memref_squeeze %dma_wait3A_277 : memref<1x128x32xf32, #tpu.memory_space<vmem>> -> memref<128x32xf32, #tpu.memory_space<vmem>>
    %dma_wait3A_279 = arith.constant 0 : i32
    %dma_wait3A_280 = tpu.memref_slice %arg9[%dma_wait3A_273, %dma_wait3A_279] : memref<4x128xi32, #tpu.memory_space<vmem>> -> memref<1x128xi32, #tpu.memory_space<vmem>>
    %dma_wait3A_281 = tpu.memref_squeeze %dma_wait3A_280 : memref<1x128xi32, #tpu.memory_space<vmem>> -> memref<128xi32, #tpu.memory_space<vmem>>
    %dma_wait3A_282 = arith.constant 0 : i32
    %dma_wait3A_283 = arith.constant 0 : i32
    %dma_wait3A_284 = tpu.memref_slice %arg6[%dma_wait3A_282, %dma_wait3A_283] : memref<1000x32xf32, #tpu.memory_space<hbm>> -> memref<1000x32xf32, #tpu.memory_space<hbm>>
    tpu.wait_indirect_dma semaphore(%arg18 : memref<!tpu.dma_semaphore, #tpu.memory_space<semaphore_mem>>) src(%dma_wait3A_284 : memref<1000x32xf32, #tpu.memory_space<hbm>>) dst(%dma_wait3A_278 : memref<128x32xf32, #tpu.memory_space<vmem>>)
    %scan3A_285 = arith.constant 0 : i32
    %scan3A_286 = arith.constant 0 : i32
    %scan3A_287 = arith.constant 128 : i32
    %scan3A_288 = arith.addi %scan3A_286, %scan3A_287 : i32
    %scan3A_289 = arith.constant 4 : i32
    %scan3A_290 = scf.for %scan3A_345 = %scan3A_286 to %scan3A_288 step %scan3A_289 iter_args(%scan3A_346 = %scan3A_285) -> (i32)  : i32 {
      %get3A = arith.constant 2 : i32
      %get3A_347 = arith.index_cast %get3A : i32 to index
      %get3A_348 = arith.index_cast %scan3A_345 : i32 to index
      %get3A_349 = arith.constant 0 : index
      %get3A_350 = tpu.vector_load %arg11[%get3A_347, %get3A_348, %get3A_349] {strides = array<i32>} : memref<4x128x32xf32, #tpu.memory_space<vmem>>, vector<16xf32>,
      %get3A_351 = arith.constant 2 : i32
      %get3A_352 = arith.index_cast %get3A_351 : i32 to index
      %get3A_353 = arith.index_cast %scan3A_345 : i32 to index
      %get3A_354 = arith.constant 0 : index
      %get3A_355 = tpu.vector_load %arg12[%get3A_352, %get3A_353, %get3A_354] {strides = array<i32>} : memref<4x128x32xf32, #tpu.memory_space<vmem>>, vector<16xf32>,
      %add3A_356 = arith.addf %get3A_350, %get3A_355 : vector<16xf32>
      %get3A_357 = arith.constant 2 : i32
      %get3A_358 = arith.index_cast %get3A_357 : i32 to index
      %get3A_359 = arith.index_cast %scan3A_345 : i32 to index
      %get3A_360 = arith.constant 0 : index
      %get3A_361 = tpu.vector_load %arg13[%get3A_358, %get3A_359, %get3A_360] {strides = array<i32>} : memref<4x128x32xf32, #tpu.memory_space<vmem>>, vector<16xf32>,
      %sub3A = arith.subf %add3A_356, %get3A_361 : vector<16xf32>
      %get3A_362 = arith.constant 2 : i32
      %get3A_363 = arith.index_cast %get3A_362 : i32 to index
      %get3A_364 = arith.index_cast %scan3A_345 : i32 to index
      %get3A_365 = arith.constant 16 : index
      %get3A_366 = tpu.vector_load %arg11[%get3A_363, %get3A_364, %get3A_365] {strides = array<i32>} : memref<4x128x32xf32, #tpu.memory_space<vmem>>, vector<16xf32>,
      %get3A_367 = arith.constant 2 : i32
      %get3A_368 = arith.index_cast %get3A_367 : i32 to index
      %get3A_369 = arith.index_cast %scan3A_345 : i32 to index
      %get3A_370 = arith.constant 16 : index
      %get3A_371 = tpu.vector_load %arg12[%get3A_368, %get3A_369, %get3A_370] {strides = array<i32>} : memref<4x128x32xf32, #tpu.memory_space<vmem>>, vector<16xf32>,
      %add3A_372 = arith.addf %get3A_366, %get3A_371 : vector<16xf32>
      %get3A_373 = arith.constant 2 : i32
      %get3A_374 = arith.index_cast %get3A_373 : i32 to index
      %get3A_375 = arith.index_cast %scan3A_345 : i32 to index
      %get3A_376 = arith.constant 16 : index
      %get3A_377 = tpu.vector_load %arg13[%get3A_374, %get3A_375, %get3A_376] {strides = array<i32>} : memref<4x128x32xf32, #tpu.memory_space<vmem>>, vector<16xf32>,
      %sub3A_378 = arith.subf %add3A_372, %get3A_377 : vector<16xf32>
      %mul3A_379 = arith.mulf %sub3A, %sub3A : vector<16xf32>
      %mul3A_380 = arith.mulf %sub3A_378, %sub3A_378 : vector<16xf32>
      %add3A_381 = arith.addf %mul3A_379, %mul3A_380 : vector<16xf32>
      %add3A_382 = arith.constant 256 : i32
      %add3A_383 = arith.addi %add3A_382, %scan3A_345 : i32
      %mul3A_384 = arith.constant 16 : i32
      %mul3A_385 = arith.muli %add3A_383, %mul3A_384 : i32
      %multiple_of3A = tpu.assume_multiple %mul3A_385, 16 : i32
      %swap3A = arith.index_cast %multiple_of3A : i32 to index
      %swap3A_386 = tpu.vector_load %arg14[%swap3A] {strides = array<i32>} : memref<8192xf32, #tpu.memory_space<vmem>>, vector<16xf32>,
      tpu.vector_store %arg14[%swap3A], %add3A_381 {strides = array<i32>} : memref<8192xf32, #tpu.memory_space<vmem>>, vector<16xf32>,
      %scan3A_387 = arith.constant 0 : i32
      %scan3A_388 = arith.constant 1 : i32
      %scan3A_389 = arith.addi %scan3A_345, %scan3A_388 : i32
      %get3A_390 = arith.constant 2 : i32
      %get3A_391 = arith.index_cast %get3A_390 : i32 to index
      %get3A_392 = arith.index_cast %scan3A_389 : i32 to index
      %get3A_393 = arith.constant 0 : index
      %get3A_394 = tpu.vector_load %arg11[%get3A_391, %get3A_392, %get3A_393] {strides = array<i32>} : memref<4x128x32xf32, #tpu.memory_space<vmem>>, vector<16xf32>,
      %get3A_395 = arith.constant 2 : i32
      %get3A_396 = arith.index_cast %get3A_395 : i32 to index
      %get3A_397 = arith.index_cast %scan3A_389 : i32 to index
      %get3A_398 = arith.constant 0 : index
      %get3A_399 = tpu.vector_load %arg12[%get3A_396, %get3A_397, %get3A_398] {strides = array<i32>} : memref<4x128x32xf32, #tpu.memory_space<vmem>>, vector<16xf32>,
      %add3A_400 = arith.addf %get3A_394, %get3A_399 : vector<16xf32>
      %get3A_401 = arith.constant 2 : i32
      %get3A_402 = arith.index_cast %get3A_401 : i32 to index
      %get3A_403 = arith.index_cast %scan3A_389 : i32 to index
      %get3A_404 = arith.constant 0 : index
      %get3A_405 = tpu.vector_load %arg13[%get3A_402, %get3A_403, %get3A_404] {strides = array<i32>} : memref<4x128x32xf32, #tpu.memory_space<vmem>>, vector<16xf32>,
      %sub3A_406 = arith.subf %add3A_400, %get3A_405 : vector<16xf32>
      %get3A_407 = arith.constant 2 : i32
      %get3A_408 = arith.index_cast %get3A_407 : i32 to index
      %get3A_409 = arith.index_cast %scan3A_389 : i32 to index
      %get3A_410 = arith.constant 16 : index
      %get3A_411 = tpu.vector_load %arg11[%get3A_408, %get3A_409, %get3A_410] {strides = array<i32>} : memref<4x128x32xf32, #tpu.memory_space<vmem>>, vector<16xf32>,
      %get3A_412 = arith.constant 2 : i32
      %get3A_413 = arith.index_cast %get3A_412 : i32 to index
      %get3A_414 = arith.index_cast %scan3A_389 : i32 to index
      %get3A_415 = arith.constant 16 : index
      %get3A_416 = tpu.vector_load %arg12[%get3A_413, %get3A_414, %get3A_415] {strides = array<i32>} : memref<4x128x32xf32, #tpu.memory_space<vmem>>, vector<16xf32>,
      %add3A_417 = arith.addf %get3A_411, %get3A_416 : vector<16xf32>
      %get3A_418 = arith.constant 2 : i32
      %get3A_419 = arith.index_cast %get3A_418 : i32 to index
      %get3A_420 = arith.index_cast %scan3A_389 : i32 to index
      %get3A_421 = arith.constant 16 : index
      %get3A_422 = tpu.vector_load %arg13[%get3A_419, %get3A_420, %get3A_421] {strides = array<i32>} : memref<4x128x32xf32, #tpu.memory_space<vmem>>, vector<16xf32>,
      %sub3A_423 = arith.subf %add3A_417, %get3A_422 : vector<16xf32>
      %mul3A_424 = arith.mulf %sub3A_406, %sub3A_406 : vector<16xf32>
      %mul3A_425 = arith.mulf %sub3A_423, %sub3A_423 : vector<16xf32>
      %add3A_426 = arith.addf %mul3A_424, %mul3A_425 : vector<16xf32>
      %add3A_427 = arith.constant 256 : i32
      %add3A_428 = arith.addi %add3A_427, %scan3A_389 : i32
      %mul3A_429 = arith.constant 16 : i32
      %mul3A_430 = arith.muli %add3A_428, %mul3A_429 : i32
      %multiple_of3A_431 = tpu.assume_multiple %mul3A_430, 16 : i32
      %swap3A_432 = arith.index_cast %multiple_of3A_431 : i32 to index
      %swap3A_433 = tpu.vector_load %arg14[%swap3A_432] {strides = array<i32>} : memref<8192xf32, #tpu.memory_space<vmem>>, vector<16xf32>,
      tpu.vector_store %arg14[%swap3A_432], %add3A_426 {strides = array<i32>} : memref<8192xf32, #tpu.memory_space<vmem>>, vector<16xf32>,
      %scan3A_434 = arith.constant 0 : i32
      %scan3A_435 = arith.constant 2 : i32
      %scan3A_436 = arith.addi %scan3A_345, %scan3A_435 : i32
      %get3A_437 = arith.constant 2 : i32
      %get3A_438 = arith.index_cast %get3A_437 : i32 to index
      %get3A_439 = arith.index_cast %scan3A_436 : i32 to index
      %get3A_440 = arith.constant 0 : index
      %get3A_441 = tpu.vector_load %arg11[%get3A_438, %get3A_439, %get3A_440] {strides = array<i32>} : memref<4x128x32xf32, #tpu.memory_space<vmem>>, vector<16xf32>,
      %get3A_442 = arith.constant 2 : i32
      %get3A_443 = arith.index_cast %get3A_442 : i32 to index
      %get3A_444 = arith.index_cast %scan3A_436 : i32 to index
      %get3A_445 = arith.constant 0 : index
      %get3A_446 = tpu.vector_load %arg12[%get3A_443, %get3A_444, %get3A_445] {strides = array<i32>} : memref<4x128x32xf32, #tpu.memory_space<vmem>>, vector<16xf32>,
      %add3A_447 = arith.addf %get3A_441, %get3A_446 : vector<16xf32>
      %get3A_448 = arith.constant 2 : i32
      %get3A_449 = arith.index_cast %get3A_448 : i32 to index
      %get3A_450 = arith.index_cast %scan3A_436 : i32 to index
      %get3A_451 = arith.constant 0 : index
      %get3A_452 = tpu.vector_load %arg13[%get3A_449, %get3A_450, %get3A_451] {strides = array<i32>} : memref<4x128x32xf32, #tpu.memory_space<vmem>>, vector<16xf32>,
      %sub3A_453 = arith.subf %add3A_447, %get3A_452 : vector<16xf32>
      %get3A_454 = arith.constant 2 : i32
      %get3A_455 = arith.index_cast %get3A_454 : i32 to index
      %get3A_456 = arith.index_cast %scan3A_436 : i32 to index
      %get3A_457 = arith.constant 16 : index
      %get3A_458 = tpu.vector_load %arg11[%get3A_455, %get3A_456, %get3A_457] {strides = array<i32>} : memref<4x128x32xf32, #tpu.memory_space<vmem>>, vector<16xf32>,
      %get3A_459 = arith.constant 2 : i32
      %get3A_460 = arith.index_cast %get3A_459 : i32 to index
      %get3A_461 = arith.index_cast %scan3A_436 : i32 to index
      %get3A_462 = arith.constant 16 : index
      %get3A_463 = tpu.vector_load %arg12[%get3A_460, %get3A_461, %get3A_462] {strides = array<i32>} : memref<4x128x32xf32, #tpu.memory_space<vmem>>, vector<16xf32>,
      %add3A_464 = arith.addf %get3A_458, %get3A_463 : vector<16xf32>
      %get3A_465 = arith.constant 2 : i32
      %get3A_466 = arith.index_cast %get3A_465 : i32 to index
      %get3A_467 = arith.index_cast %scan3A_436 : i32 to index
      %get3A_468 = arith.constant 16 : index
      %get3A_469 = tpu.vector_load %arg13[%get3A_466, %get3A_467, %get3A_468] {strides = array<i32>} : memref<4x128x32xf32, #tpu.memory_space<vmem>>, vector<16xf32>,
      %sub3A_470 = arith.subf %add3A_464, %get3A_469 : vector<16xf32>
      %mul3A_471 = arith.mulf %sub3A_453, %sub3A_453 : vector<16xf32>
      %mul3A_472 = arith.mulf %sub3A_470, %sub3A_470 : vector<16xf32>
      %add3A_473 = arith.addf %mul3A_471, %mul3A_472 : vector<16xf32>
      %add3A_474 = arith.constant 256 : i32
      %add3A_475 = arith.addi %add3A_474, %scan3A_436 : i32
      %mul3A_476 = arith.constant 16 : i32
      %mul3A_477 = arith.muli %add3A_475, %mul3A_476 : i32
      %multiple_of3A_478 = tpu.assume_multiple %mul3A_477, 16 : i32
      %swap3A_479 = arith.index_cast %multiple_of3A_478 : i32 to index
      %swap3A_480 = tpu.vector_load %arg14[%swap3A_479] {strides = array<i32>} : memref<8192xf32, #tpu.memory_space<vmem>>, vector<16xf32>,
      tpu.vector_store %arg14[%swap3A_479], %add3A_473 {strides = array<i32>} : memref<8192xf32, #tpu.memory_space<vmem>>, vector<16xf32>,
      %scan3A_481 = arith.constant 0 : i32
      %scan3A_482 = arith.constant 3 : i32
      %scan3A_483 = arith.addi %scan3A_345, %scan3A_482 : i32
      %get3A_484 = arith.constant 2 : i32
      %get3A_485 = arith.index_cast %get3A_484 : i32 to index
      %get3A_486 = arith.index_cast %scan3A_483 : i32 to index
      %get3A_487 = arith.constant 0 : index
      %get3A_488 = tpu.vector_load %arg11[%get3A_485, %get3A_486, %get3A_487] {strides = array<i32>} : memref<4x128x32xf32, #tpu.memory_space<vmem>>, vector<16xf32>,
      %get3A_489 = arith.constant 2 : i32
      %get3A_490 = arith.index_cast %get3A_489 : i32 to index
      %get3A_491 = arith.index_cast %scan3A_483 : i32 to index
      %get3A_492 = arith.constant 0 : index
      %get3A_493 = tpu.vector_load %arg12[%get3A_490, %get3A_491, %get3A_492] {strides = array<i32>} : memref<4x128x32xf32, #tpu.memory_space<vmem>>, vector<16xf32>,
      %add3A_494 = arith.addf %get3A_488, %get3A_493 : vector<16xf32>
      %get3A_495 = arith.constant 2 : i32
      %get3A_496 = arith.index_cast %get3A_495 : i32 to index
      %get3A_497 = arith.index_cast %scan3A_483 : i32 to index
      %get3A_498 = arith.constant 0 : index
      %get3A_499 = tpu.vector_load %arg13[%get3A_496, %get3A_497, %get3A_498] {strides = array<i32>} : memref<4x128x32xf32, #tpu.memory_space<vmem>>, vector<16xf32>,
      %sub3A_500 = arith.subf %add3A_494, %get3A_499 : vector<16xf32>
      %get3A_501 = arith.constant 2 : i32
      %get3A_502 = arith.index_cast %get3A_501 : i32 to index
      %get3A_503 = arith.index_cast %scan3A_483 : i32 to index
      %get3A_504 = arith.constant 16 : index
      %get3A_505 = tpu.vector_load %arg11[%get3A_502, %get3A_503, %get3A_504] {strides = array<i32>} : memref<4x128x32xf32, #tpu.memory_space<vmem>>, vector<16xf32>,
      %get3A_506 = arith.constant 2 : i32
      %get3A_507 = arith.index_cast %get3A_506 : i32 to index
      %get3A_508 = arith.index_cast %scan3A_483 : i32 to index
      %get3A_509 = arith.constant 16 : index
      %get3A_510 = tpu.vector_load %arg12[%get3A_507, %get3A_508, %get3A_509] {strides = array<i32>} : memref<4x128x32xf32, #tpu.memory_space<vmem>>, vector<16xf32>,
      %add3A_511 = arith.addf %get3A_505, %get3A_510 : vector<16xf32>
      %get3A_512 = arith.constant 2 : i32
      %get3A_513 = arith.index_cast %get3A_512 : i32 to index
      %get3A_514 = arith.index_cast %scan3A_483 : i32 to index
      %get3A_515 = arith.constant 16 : index
      %get3A_516 = tpu.vector_load %arg13[%get3A_513, %get3A_514, %get3A_515] {strides = array<i32>} : memref<4x128x32xf32, #tpu.memory_space<vmem>>, vector<16xf32>,
      %sub3A_517 = arith.subf %add3A_511, %get3A_516 : vector<16xf32>
      %mul3A_518 = arith.mulf %sub3A_500, %sub3A_500 : vector<16xf32>
      %mul3A_519 = arith.mulf %sub3A_517, %sub3A_517 : vector<16xf32>
      %add3A_520 = arith.addf %mul3A_518, %mul3A_519 : vector<16xf32>
      %add3A_521 = arith.constant 256 : i32
      %add3A_522 = arith.addi %add3A_521, %scan3A_483 : i32
      %mul3A_523 = arith.constant 16 : i32
      %mul3A_524 = arith.muli %add3A_522, %mul3A_523 : i32
      %multiple_of3A_525 = tpu.assume_multiple %mul3A_524, 16 : i32
      %swap3A_526 = arith.index_cast %multiple_of3A_525 : i32 to index
      %swap3A_527 = tpu.vector_load %arg14[%swap3A_526] {strides = array<i32>} : memref<8192xf32, #tpu.memory_space<vmem>>, vector<16xf32>,
      tpu.vector_store %arg14[%swap3A_526], %add3A_520 {strides = array<i32>} : memref<8192xf32, #tpu.memory_space<vmem>>, vector<16xf32>,
      %scan3A_528 = arith.constant 0 : i32
      scf.yield %scan3A_528 : i32
    }
    %scan3A_291 = arith.constant 128 : i32
    %dma_wait3A_292 = arith.constant 3 : i32
    %dma_wait3A_293 = arith.constant 3 : i32
    %dma_wait3A_294 = arith.constant 0 : i32
    %dma_wait3A_295 = arith.constant 0 : i32
    %dma_wait3A_296 = tpu.memref_slice %arg11[%dma_wait3A_293, %dma_wait3A_294, %dma_wait3A_295] : memref<4x128x32xf32, #tpu.memory_space<vmem>> -> memref<1x128x32xf32, #tpu.memory_space<vmem>>
    %dma_wait3A_297 = tpu.memref_squeeze %dma_wait3A_296 : memref<1x128x32xf32, #tpu.memory_space<vmem>> -> memref<128x32xf32, #tpu.memory_space<vmem>>
    %dma_wait3A_298 = arith.constant 0 : i32
    %dma_wait3A_299 = tpu.memref_slice %arg8[%dma_wait3A_292, %dma_wait3A_298] : memref<4x128xi32, #tpu.memory_space<vmem>> -> memref<1x128xi32, #tpu.memory_space<vmem>>
    %dma_wait3A_300 = tpu.memref_squeeze %dma_wait3A_299 : memref<1x128xi32, #tpu.memory_space<vmem>> -> memref<128xi32, #tpu.memory_space<vmem>>
    %dma_wait3A_301 = arith.constant 0 : i32
    %dma_wait3A_302 = arith.constant 0 : i32
    %dma_wait3A_303 = tpu.memref_slice %arg5[%dma_wait3A_301, %dma_wait3A_302] : memref<1000000x32xf32, #tpu.memory_space<hbm>> -> memref<1000000x32xf32, #tpu.memory_space<hbm>>
    tpu.wait_indirect_dma semaphore(%arg19 : memref<!tpu.dma_semaphore, #tpu.memory_space<semaphore_mem>>) src(%dma_wait3A_303 : memref<1000000x32xf32, #tpu.memory_space<hbm>>) dst(%dma_wait3A_297 : memref<128x32xf32, #tpu.memory_space<vmem>>)
    %dma_wait3A_304 = arith.constant 3 : i32
    %dma_wait3A_305 = arith.constant 3 : i32
    %dma_wait3A_306 = arith.constant 0 : i32
    %dma_wait3A_307 = arith.constant 0 : i32
    %dma_wait3A_308 = tpu.memref_slice %arg13[%dma_wait3A_305, %dma_wait3A_306, %dma_wait3A_307] : memref<4x128x32xf32, #tpu.memory_space<vmem>> -> memref<1x128x32xf32, #tpu.memory_space<vmem>>
    %dma_wait3A_309 = tpu.memref_squeeze %dma_wait3A_308 : memref<1x128x32xf32, #tpu.memory_space<vmem>> -> memref<128x32xf32, #tpu.memory_space<vmem>>
    %dma_wait3A_310 = arith.constant 0 : i32
    %dma_wait3A_311 = tpu.memref_slice %arg10[%dma_wait3A_304, %dma_wait3A_310] : memref<4x128xi32, #tpu.memory_space<vmem>> -> memref<1x128xi32, #tpu.memory_space<vmem>>
    %dma_wait3A_312 = tpu.memref_squeeze %dma_wait3A_311 : memref<1x128xi32, #tpu.memory_space<vmem>> -> memref<128xi32, #tpu.memory_space<vmem>>
    %dma_wait3A_313 = arith.constant 0 : i32
    %dma_wait3A_314 = arith.constant 0 : i32
    %dma_wait3A_315 = tpu.memref_slice %arg5[%dma_wait3A_313, %dma_wait3A_314] : memref<1000000x32xf32, #tpu.memory_space<hbm>> -> memref<1000000x32xf32, #tpu.memory_space<hbm>>
    tpu.wait_indirect_dma semaphore(%arg19 : memref<!tpu.dma_semaphore, #tpu.memory_space<semaphore_mem>>) src(%dma_wait3A_315 : memref<1000000x32xf32, #tpu.memory_space<hbm>>) dst(%dma_wait3A_309 : memref<128x32xf32, #tpu.memory_space<vmem>>)
    %dma_wait3A_316 = arith.constant 3 : i32
    %dma_wait3A_317 = arith.constant 3 : i32
    %dma_wait3A_318 = arith.constant 0 : i32
    %dma_wait3A_319 = arith.constant 0 : i32
    %dma_wait3A_320 = tpu.memref_slice %arg12[%dma_wait3A_317, %dma_wait3A_318, %dma_wait3A_319] : memref<4x128x32xf32, #tpu.memory_space<vmem>> -> memref<1x128x32xf32, #tpu.memory_space<vmem>>
    %dma_wait3A_321 = tpu.memref_squeeze %dma_wait3A_320 : memref<1x128x32xf32, #tpu.memory_space<vmem>> -> memref<128x32xf32, #tpu.memory_space<vmem>>
    %dma_wait3A_322 = arith.constant 0 : i32
    %dma_wait3A_323 = tpu.memref_slice %arg9[%dma_wait3A_316, %dma_wait3A_322] : memref<4x128xi32, #tpu.memory_space<vmem>> -> memref<1x128xi32, #tpu.memory_space<vmem>>
    %dma_wait3A_324 = tpu.memref_squeeze %dma_wait3A_323 : memref<1x128xi32, #tpu.memory_space<vmem>> -> memref<128xi32, #tpu.memory_space<vmem>>
    %dma_wait3A_325 = arith.constant 0 : i32
    %dma_wait3A_326 = arith.constant 0 : i32
    %dma_wait3A_327 = tpu.memref_slice %arg6[%dma_wait3A_325, %dma_wait3A_326] : memref<1000x32xf32, #tpu.memory_space<hbm>> -> memref<1000x32xf32, #tpu.memory_space<hbm>>
    tpu.wait_indirect_dma semaphore(%arg19 : memref<!tpu.dma_semaphore, #tpu.memory_space<semaphore_mem>>) src(%dma_wait3A_327 : memref<1000x32xf32, #tpu.memory_space<hbm>>) dst(%dma_wait3A_321 : memref<128x32xf32, #tpu.memory_space<vmem>>)
    %scan3A_328 = arith.constant 0 : i32
    %scan3A_329 = arith.constant 0 : i32
    %scan3A_330 = arith.constant 128 : i32
    %scan3A_331 = arith.addi %scan3A_329, %scan3A_330 : i32
    %scan3A_332 = arith.constant 4 : i32
    %scan3A_333 = scf.for %scan3A_345 = %scan3A_329 to %scan3A_331 step %scan3A_332 iter_args(%scan3A_346 = %scan3A_328) -> (i32)  : i32 {
      %get3A = arith.constant 3 : i32
      %get3A_347 = arith.index_cast %get3A : i32 to index
      %get3A_348 = arith.index_cast %scan3A_345 : i32 to index
      %get3A_349 = arith.constant 0 : index
      %get3A_350 = tpu.vector_load %arg11[%get3A_347, %get3A_348, %get3A_349] {strides = array<i32>} : memref<4x128x32xf32, #tpu.memory_space<vmem>>, vector<16xf32>,
      %get3A_351 = arith.constant 3 : i32
      %get3A_352 = arith.index_cast %get3A_351 : i32 to index
      %get3A_353 = arith.index_cast %scan3A_345 : i32 to index
      %get3A_354 = arith.constant 0 : index
      %get3A_355 = tpu.vector_load %arg12[%get3A_352, %get3A_353, %get3A_354] {strides = array<i32>} : memref<4x128x32xf32, #tpu.memory_space<vmem>>, vector<16xf32>,
      %add3A_356 = arith.addf %get3A_350, %get3A_355 : vector<16xf32>
      %get3A_357 = arith.constant 3 : i32
      %get3A_358 = arith.index_cast %get3A_357 : i32 to index
      %get3A_359 = arith.index_cast %scan3A_345 : i32 to index
      %get3A_360 = arith.constant 0 : index
      %get3A_361 = tpu.vector_load %arg13[%get3A_358, %get3A_359, %get3A_360] {strides = array<i32>} : memref<4x128x32xf32, #tpu.memory_space<vmem>>, vector<16xf32>,
      %sub3A = arith.subf %add3A_356, %get3A_361 : vector<16xf32>
      %get3A_362 = arith.constant 3 : i32
      %get3A_363 = arith.index_cast %get3A_362 : i32 to index
      %get3A_364 = arith.index_cast %scan3A_345 : i32 to index
      %get3A_365 = arith.constant 16 : index
      %get3A_366 = tpu.vector_load %arg11[%get3A_363, %get3A_364, %get3A_365] {strides = array<i32>} : memref<4x128x32xf32, #tpu.memory_space<vmem>>, vector<16xf32>,
      %get3A_367 = arith.constant 3 : i32
      %get3A_368 = arith.index_cast %get3A_367 : i32 to index
      %get3A_369 = arith.index_cast %scan3A_345 : i32 to index
      %get3A_370 = arith.constant 16 : index
      %get3A_371 = tpu.vector_load %arg12[%get3A_368, %get3A_369, %get3A_370] {strides = array<i32>} : memref<4x128x32xf32, #tpu.memory_space<vmem>>, vector<16xf32>,
      %add3A_372 = arith.addf %get3A_366, %get3A_371 : vector<16xf32>
      %get3A_373 = arith.constant 3 : i32
      %get3A_374 = arith.index_cast %get3A_373 : i32 to index
      %get3A_375 = arith.index_cast %scan3A_345 : i32 to index
      %get3A_376 = arith.constant 16 : index
      %get3A_377 = tpu.vector_load %arg13[%get3A_374, %get3A_375, %get3A_376] {strides = array<i32>} : memref<4x128x32xf32, #tpu.memory_space<vmem>>, vector<16xf32>,
      %sub3A_378 = arith.subf %add3A_372, %get3A_377 : vector<16xf32>
      %mul3A_379 = arith.mulf %sub3A, %sub3A : vector<16xf32>
      %mul3A_380 = arith.mulf %sub3A_378, %sub3A_378 : vector<16xf32>
      %add3A_381 = arith.addf %mul3A_379, %mul3A_380 : vector<16xf32>
      %add3A_382 = arith.constant 384 : i32
      %add3A_383 = arith.addi %add3A_382, %scan3A_345 : i32
      %mul3A_384 = arith.constant 16 : i32
      %mul3A_385 = arith.muli %add3A_383, %mul3A_384 : i32
      %multiple_of3A = tpu.assume_multiple %mul3A_385, 16 : i32
      %swap3A = arith.index_cast %multiple_of3A : i32 to index
      %swap3A_386 = tpu.vector_load %arg14[%swap3A] {strides = array<i32>} : memref<8192xf32, #tpu.memory_space<vmem>>, vector<16xf32>,
      tpu.vector_store %arg14[%swap3A], %add3A_381 {strides = array<i32>} : memref<8192xf32, #tpu.memory_space<vmem>>, vector<16xf32>,
      %scan3A_387 = arith.constant 0 : i32
      %scan3A_388 = arith.constant 1 : i32
      %scan3A_389 = arith.addi %scan3A_345, %scan3A_388 : i32
      %get3A_390 = arith.constant 3 : i32
      %get3A_391 = arith.index_cast %get3A_390 : i32 to index
      %get3A_392 = arith.index_cast %scan3A_389 : i32 to index
      %get3A_393 = arith.constant 0 : index
      %get3A_394 = tpu.vector_load %arg11[%get3A_391, %get3A_392, %get3A_393] {strides = array<i32>} : memref<4x128x32xf32, #tpu.memory_space<vmem>>, vector<16xf32>,
      %get3A_395 = arith.constant 3 : i32
      %get3A_396 = arith.index_cast %get3A_395 : i32 to index
      %get3A_397 = arith.index_cast %scan3A_389 : i32 to index
      %get3A_398 = arith.constant 0 : index
      %get3A_399 = tpu.vector_load %arg12[%get3A_396, %get3A_397, %get3A_398] {strides = array<i32>} : memref<4x128x32xf32, #tpu.memory_space<vmem>>, vector<16xf32>,
      %add3A_400 = arith.addf %get3A_394, %get3A_399 : vector<16xf32>
      %get3A_401 = arith.constant 3 : i32
      %get3A_402 = arith.index_cast %get3A_401 : i32 to index
      %get3A_403 = arith.index_cast %scan3A_389 : i32 to index
      %get3A_404 = arith.constant 0 : index
      %get3A_405 = tpu.vector_load %arg13[%get3A_402, %get3A_403, %get3A_404] {strides = array<i32>} : memref<4x128x32xf32, #tpu.memory_space<vmem>>, vector<16xf32>,
      %sub3A_406 = arith.subf %add3A_400, %get3A_405 : vector<16xf32>
      %get3A_407 = arith.constant 3 : i32
      %get3A_408 = arith.index_cast %get3A_407 : i32 to index
      %get3A_409 = arith.index_cast %scan3A_389 : i32 to index
      %get3A_410 = arith.constant 16 : index
      %get3A_411 = tpu.vector_load %arg11[%get3A_408, %get3A_409, %get3A_410] {strides = array<i32>} : memref<4x128x32xf32, #tpu.memory_space<vmem>>, vector<16xf32>,
      %get3A_412 = arith.constant 3 : i32
      %get3A_413 = arith.index_cast %get3A_412 : i32 to index
      %get3A_414 = arith.index_cast %scan3A_389 : i32 to index
      %get3A_415 = arith.constant 16 : index
      %get3A_416 = tpu.vector_load %arg12[%get3A_413, %get3A_414, %get3A_415] {strides = array<i32>} : memref<4x128x32xf32, #tpu.memory_space<vmem>>, vector<16xf32>,
      %add3A_417 = arith.addf %get3A_411, %get3A_416 : vector<16xf32>
      %get3A_418 = arith.constant 3 : i32
      %get3A_419 = arith.index_cast %get3A_418 : i32 to index
      %get3A_420 = arith.index_cast %scan3A_389 : i32 to index
      %get3A_421 = arith.constant 16 : index
      %get3A_422 = tpu.vector_load %arg13[%get3A_419, %get3A_420, %get3A_421] {strides = array<i32>} : memref<4x128x32xf32, #tpu.memory_space<vmem>>, vector<16xf32>,
      %sub3A_423 = arith.subf %add3A_417, %get3A_422 : vector<16xf32>
      %mul3A_424 = arith.mulf %sub3A_406, %sub3A_406 : vector<16xf32>
      %mul3A_425 = arith.mulf %sub3A_423, %sub3A_423 : vector<16xf32>
      %add3A_426 = arith.addf %mul3A_424, %mul3A_425 : vector<16xf32>
      %add3A_427 = arith.constant 384 : i32
      %add3A_428 = arith.addi %add3A_427, %scan3A_389 : i32
      %mul3A_429 = arith.constant 16 : i32
      %mul3A_430 = arith.muli %add3A_428, %mul3A_429 : i32
      %multiple_of3A_431 = tpu.assume_multiple %mul3A_430, 16 : i32
      %swap3A_432 = arith.index_cast %multiple_of3A_431 : i32 to index
      %swap3A_433 = tpu.vector_load %arg14[%swap3A_432] {strides = array<i32>} : memref<8192xf32, #tpu.memory_space<vmem>>, vector<16xf32>,
      tpu.vector_store %arg14[%swap3A_432], %add3A_426 {strides = array<i32>} : memref<8192xf32, #tpu.memory_space<vmem>>, vector<16xf32>,
      %scan3A_434 = arith.constant 0 : i32
      %scan3A_435 = arith.constant 2 : i32
      %scan3A_436 = arith.addi %scan3A_345, %scan3A_435 : i32
      %get3A_437 = arith.constant 3 : i32
      %get3A_438 = arith.index_cast %get3A_437 : i32 to index
      %get3A_439 = arith.index_cast %scan3A_436 : i32 to index
      %get3A_440 = arith.constant 0 : index
      %get3A_441 = tpu.vector_load %arg11[%get3A_438, %get3A_439, %get3A_440] {strides = array<i32>} : memref<4x128x32xf32, #tpu.memory_space<vmem>>, vector<16xf32>,
      %get3A_442 = arith.constant 3 : i32
      %get3A_443 = arith.index_cast %get3A_442 : i32 to index
      %get3A_444 = arith.index_cast %scan3A_436 : i32 to index
      %get3A_445 = arith.constant 0 : index
      %get3A_446 = tpu.vector_load %arg12[%get3A_443, %get3A_444, %get3A_445] {strides = array<i32>} : memref<4x128x32xf32, #tpu.memory_space<vmem>>, vector<16xf32>,
      %add3A_447 = arith.addf %get3A_441, %get3A_446 : vector<16xf32>
      %get3A_448 = arith.constant 3 : i32
      %get3A_449 = arith.index_cast %get3A_448 : i32 to index
      %get3A_450 = arith.index_cast %scan3A_436 : i32 to index
      %get3A_451 = arith.constant 0 : index
      %get3A_452 = tpu.vector_load %arg13[%get3A_449, %get3A_450, %get3A_451] {strides = array<i32>} : memref<4x128x32xf32, #tpu.memory_space<vmem>>, vector<16xf32>,
      %sub3A_453 = arith.subf %add3A_447, %get3A_452 : vector<16xf32>
      %get3A_454 = arith.constant 3 : i32
      %get3A_455 = arith.index_cast %get3A_454 : i32 to index
      %get3A_456 = arith.index_cast %scan3A_436 : i32 to index
      %get3A_457 = arith.constant 16 : index
      %get3A_458 = tpu.vector_load %arg11[%get3A_455, %get3A_456, %get3A_457] {strides = array<i32>} : memref<4x128x32xf32, #tpu.memory_space<vmem>>, vector<16xf32>,
      %get3A_459 = arith.constant 3 : i32
      %get3A_460 = arith.index_cast %get3A_459 : i32 to index
      %get3A_461 = arith.index_cast %scan3A_436 : i32 to index
      %get3A_462 = arith.constant 16 : index
      %get3A_463 = tpu.vector_load %arg12[%get3A_460, %get3A_461, %get3A_462] {strides = array<i32>} : memref<4x128x32xf32, #tpu.memory_space<vmem>>, vector<16xf32>,
      %add3A_464 = arith.addf %get3A_458, %get3A_463 : vector<16xf32>
      %get3A_465 = arith.constant 3 : i32
      %get3A_466 = arith.index_cast %get3A_465 : i32 to index
      %get3A_467 = arith.index_cast %scan3A_436 : i32 to index
      %get3A_468 = arith.constant 16 : index
      %get3A_469 = tpu.vector_load %arg13[%get3A_466, %get3A_467, %get3A_468] {strides = array<i32>} : memref<4x128x32xf32, #tpu.memory_space<vmem>>, vector<16xf32>,
      %sub3A_470 = arith.subf %add3A_464, %get3A_469 : vector<16xf32>
      %mul3A_471 = arith.mulf %sub3A_453, %sub3A_453 : vector<16xf32>
      %mul3A_472 = arith.mulf %sub3A_470, %sub3A_470 : vector<16xf32>
      %add3A_473 = arith.addf %mul3A_471, %mul3A_472 : vector<16xf32>
      %add3A_474 = arith.constant 384 : i32
      %add3A_475 = arith.addi %add3A_474, %scan3A_436 : i32
      %mul3A_476 = arith.constant 16 : i32
      %mul3A_477 = arith.muli %add3A_475, %mul3A_476 : i32
      %multiple_of3A_478 = tpu.assume_multiple %mul3A_477, 16 : i32
      %swap3A_479 = arith.index_cast %multiple_of3A_478 : i32 to index
      %swap3A_480 = tpu.vector_load %arg14[%swap3A_479] {strides = array<i32>} : memref<8192xf32, #tpu.memory_space<vmem>>, vector<16xf32>,
      tpu.vector_store %arg14[%swap3A_479], %add3A_473 {strides = array<i32>} : memref<8192xf32, #tpu.memory_space<vmem>>, vector<16xf32>,
      %scan3A_481 = arith.constant 0 : i32
      %scan3A_482 = arith.constant 3 : i32
      %scan3A_483 = arith.addi %scan3A_345, %scan3A_482 : i32
      %get3A_484 = arith.constant 3 : i32
      %get3A_485 = arith.index_cast %get3A_484 : i32 to index
      %get3A_486 = arith.index_cast %scan3A_483 : i32 to index
      %get3A_487 = arith.constant 0 : index
      %get3A_488 = tpu.vector_load %arg11[%get3A_485, %get3A_486, %get3A_487] {strides = array<i32>} : memref<4x128x32xf32, #tpu.memory_space<vmem>>, vector<16xf32>,
      %get3A_489 = arith.constant 3 : i32
      %get3A_490 = arith.index_cast %get3A_489 : i32 to index
      %get3A_491 = arith.index_cast %scan3A_483 : i32 to index
      %get3A_492 = arith.constant 0 : index
      %get3A_493 = tpu.vector_load %arg12[%get3A_490, %get3A_491, %get3A_492] {strides = array<i32>} : memref<4x128x32xf32, #tpu.memory_space<vmem>>, vector<16xf32>,
      %add3A_494 = arith.addf %get3A_488, %get3A_493 : vector<16xf32>
      %get3A_495 = arith.constant 3 : i32
      %get3A_496 = arith.index_cast %get3A_495 : i32 to index
      %get3A_497 = arith.index_cast %scan3A_483 : i32 to index
      %get3A_498 = arith.constant 0 : index
      %get3A_499 = tpu.vector_load %arg13[%get3A_496, %get3A_497, %get3A_498] {strides = array<i32>} : memref<4x128x32xf32, #tpu.memory_space<vmem>>, vector<16xf32>,
      %sub3A_500 = arith.subf %add3A_494, %get3A_499 : vector<16xf32>
      %get3A_501 = arith.constant 3 : i32
      %get3A_502 = arith.index_cast %get3A_501 : i32 to index
      %get3A_503 = arith.index_cast %scan3A_483 : i32 to index
      %get3A_504 = arith.constant 16 : index
      %get3A_505 = tpu.vector_load %arg11[%get3A_502, %get3A_503, %get3A_504] {strides = array<i32>} : memref<4x128x32xf32, #tpu.memory_space<vmem>>, vector<16xf32>,
      %get3A_506 = arith.constant 3 : i32
      %get3A_507 = arith.index_cast %get3A_506 : i32 to index
      %get3A_508 = arith.index_cast %scan3A_483 : i32 to index
      %get3A_509 = arith.constant 16 : index
      %get3A_510 = tpu.vector_load %arg12[%get3A_507, %get3A_508, %get3A_509] {strides = array<i32>} : memref<4x128x32xf32, #tpu.memory_space<vmem>>, vector<16xf32>,
      %add3A_511 = arith.addf %get3A_505, %get3A_510 : vector<16xf32>
      %get3A_512 = arith.constant 3 : i32
      %get3A_513 = arith.index_cast %get3A_512 : i32 to index
      %get3A_514 = arith.index_cast %scan3A_483 : i32 to index
      %get3A_515 = arith.constant 16 : index
      %get3A_516 = tpu.vector_load %arg13[%get3A_513, %get3A_514, %get3A_515] {strides = array<i32>} : memref<4x128x32xf32, #tpu.memory_space<vmem>>, vector<16xf32>,
      %sub3A_517 = arith.subf %add3A_511, %get3A_516 : vector<16xf32>
      %mul3A_518 = arith.mulf %sub3A_500, %sub3A_500 : vector<16xf32>
      %mul3A_519 = arith.mulf %sub3A_517, %sub3A_517 : vector<16xf32>
      %add3A_520 = arith.addf %mul3A_518, %mul3A_519 : vector<16xf32>
      %add3A_521 = arith.constant 384 : i32
      %add3A_522 = arith.addi %add3A_521, %scan3A_483 : i32
      %mul3A_523 = arith.constant 16 : i32
      %mul3A_524 = arith.muli %add3A_522, %mul3A_523 : i32
      %multiple_of3A_525 = tpu.assume_multiple %mul3A_524, 16 : i32
      %swap3A_526 = arith.index_cast %multiple_of3A_525 : i32 to index
      %swap3A_527 = tpu.vector_load %arg14[%swap3A_526] {strides = array<i32>} : memref<8192xf32, #tpu.memory_space<vmem>>, vector<16xf32>,
      tpu.vector_store %arg14[%swap3A_526], %add3A_520 {strides = array<i32>} : memref<8192xf32, #tpu.memory_space<vmem>>, vector<16xf32>,
      %scan3A_528 = arith.constant 0 : i32
      scf.yield %scan3A_528 : i32
    }
    %scan3A_334 = arith.constant 128 : i32
    %iota3A = tpu.iota {dimensions = array<i32: 0>} : vector<16xi32>
    %mul3A_335 = arith.constant 16 : i32
    %mul3A_336 = vector.broadcast %mul3A_335 : i32 to vector<16xi32>
    %mul3A_337 = arith.muli %iota3A, %mul3A_336 : vector<16xi32>
    %scan3A_338 = arith.constant 0 : i32
    %scan3A_339 = arith.constant 0 : i32
    %scan3A_340 = arith.constant 32 : i32
    %scan3A_341 = arith.addi %scan3A_339, %scan3A_340 : i32
    %scan3A_342 = arith.constant 2 : i32
    %scan3A_343 = scf.for %scan3A_345 = %scan3A_339 to %scan3A_341 step %scan3A_342 iter_args(%scan3A_346 = %scan3A_338) -> (i32)  : i32 {
      %mul3A_347 = arith.constant 256 : i32
      %mul3A_348 = arith.muli %scan3A_345, %mul3A_347 : i32
      %add3A_349 = vector.broadcast %mul3A_348 : i32 to vector<16xi32>
      %add3A_350 = arith.addi %add3A_349, %mul3A_337 : vector<16xi32>
      %gather3A = tpu.vector_load_idx %arg14[%add3A_350] : memref<8192xf32, #tpu.memory_space<vmem>>[vector<16xi32>], vector<16xf32>,
      %add3A_351 = arith.constant 1 : i32
      %add3A_352 = vector.broadcast %add3A_351 : i32 to vector<16xi32>
      %add3A_353 = arith.addi %add3A_350, %add3A_352 : vector<16xi32>
      %gather3A_354 = tpu.vector_load_idx %arg14[%add3A_353] : memref<8192xf32, #tpu.memory_space<vmem>>[vector<16xi32>], vector<16xf32>,
      %add3A_355 = arith.addf %gather3A, %gather3A_354 : vector<16xf32>
      %add3A_356 = arith.constant 2 : i32
      %add3A_357 = vector.broadcast %add3A_356 : i32 to vector<16xi32>
      %add3A_358 = arith.addi %add3A_350, %add3A_357 : vector<16xi32>
      %gather3A_359 = tpu.vector_load_idx %arg14[%add3A_358] : memref<8192xf32, #tpu.memory_space<vmem>>[vector<16xi32>], vector<16xf32>,
      %add3A_360 = arith.addf %add3A_355, %gather3A_359 : vector<16xf32>
      %add3A_361 = arith.constant 3 : i32
      %add3A_362 = vector.broadcast %add3A_361 : i32 to vector<16xi32>
      %add3A_363 = arith.addi %add3A_350, %add3A_362 : vector<16xi32>
      %gather3A_364 = tpu.vector_load_idx %arg14[%add3A_363] : memref<8192xf32, #tpu.memory_space<vmem>>[vector<16xi32>], vector<16xf32>,
      %add3A_365 = arith.addf %add3A_360, %gather3A_364 : vector<16xf32>
      %add3A_366 = arith.constant 4 : i32
      %add3A_367 = vector.broadcast %add3A_366 : i32 to vector<16xi32>
      %add3A_368 = arith.addi %add3A_350, %add3A_367 : vector<16xi32>
      %gather3A_369 = tpu.vector_load_idx %arg14[%add3A_368] : memref<8192xf32, #tpu.memory_space<vmem>>[vector<16xi32>], vector<16xf32>,
      %add3A_370 = arith.addf %add3A_365, %gather3A_369 : vector<16xf32>
      %add3A_371 = arith.constant 5 : i32
      %add3A_372 = vector.broadcast %add3A_371 : i32 to vector<16xi32>
      %add3A_373 = arith.addi %add3A_350, %add3A_372 : vector<16xi32>
      %gather3A_374 = tpu.vector_load_idx %arg14[%add3A_373] : memref<8192xf32, #tpu.memory_space<vmem>>[vector<16xi32>], vector<16xf32>,
      %add3A_375 = arith.addf %add3A_370, %gather3A_374 : vector<16xf32>
      %add3A_376 = arith.constant 6 : i32
      %add3A_377 = vector.broadcast %add3A_376 : i32 to vector<16xi32>
      %add3A_378 = arith.addi %add3A_350, %add3A_377 : vector<16xi32>
      %gather3A_379 = tpu.vector_load_idx %arg14[%add3A_378] : memref<8192xf32, #tpu.memory_space<vmem>>[vector<16xi32>], vector<16xf32>,
      %add3A_380 = arith.addf %add3A_375, %gather3A_379 : vector<16xf32>
      %add3A_381 = arith.constant 7 : i32
      %add3A_382 = vector.broadcast %add3A_381 : i32 to vector<16xi32>
      %add3A_383 = arith.addi %add3A_350, %add3A_382 : vector<16xi32>
      %gather3A_384 = tpu.vector_load_idx %arg14[%add3A_383] : memref<8192xf32, #tpu.memory_space<vmem>>[vector<16xi32>], vector<16xf32>,
      %add3A_385 = arith.addf %add3A_380, %gather3A_384 : vector<16xf32>
      %add3A_386 = arith.constant 8 : i32
      %add3A_387 = vector.broadcast %add3A_386 : i32 to vector<16xi32>
      %add3A_388 = arith.addi %add3A_350, %add3A_387 : vector<16xi32>
      %gather3A_389 = tpu.vector_load_idx %arg14[%add3A_388] : memref<8192xf32, #tpu.memory_space<vmem>>[vector<16xi32>], vector<16xf32>,
      %add3A_390 = arith.addf %add3A_385, %gather3A_389 : vector<16xf32>
      %add3A_391 = arith.constant 9 : i32
      %add3A_392 = vector.broadcast %add3A_391 : i32 to vector<16xi32>
      %add3A_393 = arith.addi %add3A_350, %add3A_392 : vector<16xi32>
      %gather3A_394 = tpu.vector_load_idx %arg14[%add3A_393] : memref<8192xf32, #tpu.memory_space<vmem>>[vector<16xi32>], vector<16xf32>,
      %add3A_395 = arith.addf %add3A_390, %gather3A_394 : vector<16xf32>
      %add3A_396 = arith.constant 10 : i32
      %add3A_397 = vector.broadcast %add3A_396 : i32 to vector<16xi32>
      %add3A_398 = arith.addi %add3A_350, %add3A_397 : vector<16xi32>
      %gather3A_399 = tpu.vector_load_idx %arg14[%add3A_398] : memref<8192xf32, #tpu.memory_space<vmem>>[vector<16xi32>], vector<16xf32>,
      %add3A_400 = arith.addf %add3A_395, %gather3A_399 : vector<16xf32>
      %add3A_401 = arith.constant 11 : i32
      %add3A_402 = vector.broadcast %add3A_401 : i32 to vector<16xi32>
      %add3A_403 = arith.addi %add3A_350, %add3A_402 : vector<16xi32>
      %gather3A_404 = tpu.vector_load_idx %arg14[%add3A_403] : memref<8192xf32, #tpu.memory_space<vmem>>[vector<16xi32>], vector<16xf32>,
      %add3A_405 = arith.addf %add3A_400, %gather3A_404 : vector<16xf32>
      %add3A_406 = arith.constant 12 : i32
      %add3A_407 = vector.broadcast %add3A_406 : i32 to vector<16xi32>
      %add3A_408 = arith.addi %add3A_350, %add3A_407 : vector<16xi32>
      %gather3A_409 = tpu.vector_load_idx %arg14[%add3A_408] : memref<8192xf32, #tpu.memory_space<vmem>>[vector<16xi32>], vector<16xf32>,
      %add3A_410 = arith.addf %add3A_405, %gather3A_409 : vector<16xf32>
      %add3A_411 = arith.constant 13 : i32
      %add3A_412 = vector.broadcast %add3A_411 : i32 to vector<16xi32>
      %add3A_413 = arith.addi %add3A_350, %add3A_412 : vector<16xi32>
      %gather3A_414 = tpu.vector_load_idx %arg14[%add3A_413] : memref<8192xf32, #tpu.memory_space<vmem>>[vector<16xi32>], vector<16xf32>,
      %add3A_415 = arith.addf %add3A_410, %gather3A_414 : vector<16xf32>
      %add3A_416 = arith.constant 14 : i32
      %add3A_417 = vector.broadcast %add3A_416 : i32 to vector<16xi32>
      %add3A_418 = arith.addi %add3A_350, %add3A_417 : vector<16xi32>
      %gather3A_419 = tpu.vector_load_idx %arg14[%add3A_418] : memref<8192xf32, #tpu.memory_space<vmem>>[vector<16xi32>], vector<16xf32>,
      %add3A_420 = arith.addf %add3A_415, %gather3A_419 : vector<16xf32>
      %add3A_421 = arith.constant 15 : i32
      %add3A_422 = vector.broadcast %add3A_421 : i32 to vector<16xi32>
      %add3A_423 = arith.addi %add3A_350, %add3A_422 : vector<16xi32>
      %gather3A_424 = tpu.vector_load_idx %arg14[%add3A_423] : memref<8192xf32, #tpu.memory_space<vmem>>[vector<16xi32>], vector<16xf32>,
      %add3A_425 = arith.addf %add3A_420, %gather3A_424 : vector<16xf32>
      %bitcast3A = vector.bitcast %add3A_425 : vector<16xf32> to vector<16xi32>
      %shift_right_arithmetic3A = arith.constant 1 : i32
      %shift_right_arithmetic3A_426 = vector.broadcast %shift_right_arithmetic3A : i32 to vector<16xi32>
      %shift_right_arithmetic3A_427 = arith.shrsi %bitcast3A, %shift_right_arithmetic3A_426 : vector<16xi32>
      %sub3A = arith.constant 1597463007 : i32
      %sub3A_428 = vector.broadcast %sub3A : i32 to vector<16xi32>
      %sub3A_429 = arith.subi %sub3A_428, %shift_right_arithmetic3A_427 : vector<16xi32>
      %bitcast3A_430 = vector.bitcast %sub3A_429 : vector<16xi32> to vector<16xf32>
      %mul3A_431 = arith.constant 5.000000e-01 : f32
      %mul3A_432 = vector.broadcast %mul3A_431 : f32 to vector<16xf32>
      %mul3A_433 = arith.mulf %mul3A_432, %add3A_425 : vector<16xf32>
      %mul3A_434 = arith.mulf %mul3A_433, %bitcast3A_430 : vector<16xf32>
      %mul3A_435 = arith.mulf %mul3A_434, %bitcast3A_430 : vector<16xf32>
      %sub3A_436 = arith.constant 1.500000e+00 : f32
      %sub3A_437 = vector.broadcast %sub3A_436 : f32 to vector<16xf32>
      %sub3A_438 = arith.subf %sub3A_437, %mul3A_435 : vector<16xf32>
      %mul3A_439 = arith.mulf %bitcast3A_430, %sub3A_438 : vector<16xf32>
      %mul3A_440 = arith.constant 5.000000e-01 : f32
      %mul3A_441 = vector.broadcast %mul3A_440 : f32 to vector<16xf32>
      %mul3A_442 = arith.mulf %mul3A_441, %add3A_425 : vector<16xf32>
      %mul3A_443 = arith.mulf %mul3A_442, %mul3A_439 : vector<16xf32>
      %mul3A_444 = arith.mulf %mul3A_443, %mul3A_439 : vector<16xf32>
      %sub3A_445 = arith.constant 1.500000e+00 : f32
      %sub3A_446 = vector.broadcast %sub3A_445 : f32 to vector<16xf32>
      %sub3A_447 = arith.subf %sub3A_446, %mul3A_444 : vector<16xf32>
      %mul3A_448 = arith.mulf %mul3A_439, %sub3A_447 : vector<16xf32>
      %mul3A_449 = arith.constant 5.000000e-01 : f32
      %mul3A_450 = vector.broadcast %mul3A_449 : f32 to vector<16xf32>
      %mul3A_451 = arith.mulf %mul3A_450, %add3A_425 : vector<16xf32>
      %mul3A_452 = arith.mulf %mul3A_451, %mul3A_448 : vector<16xf32>
      %mul3A_453 = arith.mulf %mul3A_452, %mul3A_448 : vector<16xf32>
      %sub3A_454 = arith.constant 1.500000e+00 : f32
      %sub3A_455 = vector.broadcast %sub3A_454 : f32 to vector<16xf32>
      %sub3A_456 = arith.subf %sub3A_455, %mul3A_453 : vector<16xf32>
      %mul3A_457 = arith.mulf %mul3A_448, %sub3A_456 : vector<16xf32>
      %mul3A_458 = arith.constant 5.000000e-01 : f32
      %mul3A_459 = vector.broadcast %mul3A_458 : f32 to vector<16xf32>
      %mul3A_460 = arith.mulf %mul3A_459, %add3A_425 : vector<16xf32>
      %mul3A_461 = arith.mulf %mul3A_460, %mul3A_457 : vector<16xf32>
      %mul3A_462 = arith.mulf %mul3A_461, %mul3A_457 : vector<16xf32>
      %sub3A_463 = arith.constant 1.500000e+00 : f32
      %sub3A_464 = vector.broadcast %sub3A_463 : f32 to vector<16xf32>
      %sub3A_465 = arith.subf %sub3A_464, %mul3A_462 : vector<16xf32>
      %mul3A_466 = arith.mulf %mul3A_457, %sub3A_465 : vector<16xf32>
      %mul3A_467 = arith.mulf %add3A_425, %mul3A_466 : vector<16xf32>
      %mul3A_468 = arith.constant 16 : i32
      %mul3A_469 = arith.muli %scan3A_345, %mul3A_468 : i32
      %multiple_of3A = tpu.assume_multiple %mul3A_469, 16 : i32
      %swap3A = arith.index_cast %multiple_of3A : i32 to index
      %swap3A_470 = tpu.vector_load %arg15[%swap3A] {strides = array<i32>} : memref<512xf32, #tpu.memory_space<vmem>>, vector<16xf32>,
      tpu.vector_store %arg15[%swap3A], %mul3A_467 {strides = array<i32>} : memref<512xf32, #tpu.memory_space<vmem>>, vector<16xf32>,
      %scan3A_471 = arith.constant 0 : i32
      %scan3A_472 = arith.constant 1 : i32
      %scan3A_473 = arith.addi %scan3A_345, %scan3A_472 : i32
      %mul3A_474 = arith.constant 256 : i32
      %mul3A_475 = arith.muli %scan3A_473, %mul3A_474 : i32
      %add3A_476 = vector.broadcast %mul3A_475 : i32 to vector<16xi32>
      %add3A_477 = arith.addi %add3A_476, %mul3A_337 : vector<16xi32>
      %gather3A_478 = tpu.vector_load_idx %arg14[%add3A_477] : memref<8192xf32, #tpu.memory_space<vmem>>[vector<16xi32>], vector<16xf32>,
      %add3A_479 = arith.constant 1 : i32
      %add3A_480 = vector.broadcast %add3A_479 : i32 to vector<16xi32>
      %add3A_481 = arith.addi %add3A_477, %add3A_480 : vector<16xi32>
      %gather3A_482 = tpu.vector_load_idx %arg14[%add3A_481] : memref<8192xf32, #tpu.memory_space<vmem>>[vector<16xi32>], vector<16xf32>,
      %add3A_483 = arith.addf %gather3A_478, %gather3A_482 : vector<16xf32>
      %add3A_484 = arith.constant 2 : i32
      %add3A_485 = vector.broadcast %add3A_484 : i32 to vector<16xi32>
      %add3A_486 = arith.addi %add3A_477, %add3A_485 : vector<16xi32>
      %gather3A_487 = tpu.vector_load_idx %arg14[%add3A_486] : memref<8192xf32, #tpu.memory_space<vmem>>[vector<16xi32>], vector<16xf32>,
      %add3A_488 = arith.addf %add3A_483, %gather3A_487 : vector<16xf32>
      %add3A_489 = arith.constant 3 : i32
      %add3A_490 = vector.broadcast %add3A_489 : i32 to vector<16xi32>
      %add3A_491 = arith.addi %add3A_477, %add3A_490 : vector<16xi32>
      %gather3A_492 = tpu.vector_load_idx %arg14[%add3A_491] : memref<8192xf32, #tpu.memory_space<vmem>>[vector<16xi32>], vector<16xf32>,
      %add3A_493 = arith.addf %add3A_488, %gather3A_492 : vector<16xf32>
      %add3A_494 = arith.constant 4 : i32
      %add3A_495 = vector.broadcast %add3A_494 : i32 to vector<16xi32>
      %add3A_496 = arith.addi %add3A_477, %add3A_495 : vector<16xi32>
      %gather3A_497 = tpu.vector_load_idx %arg14[%add3A_496] : memref<8192xf32, #tpu.memory_space<vmem>>[vector<16xi32>], vector<16xf32>,
      %add3A_498 = arith.addf %add3A_493, %gather3A_497 : vector<16xf32>
      %add3A_499 = arith.constant 5 : i32
      %add3A_500 = vector.broadcast %add3A_499 : i32 to vector<16xi32>
      %add3A_501 = arith.addi %add3A_477, %add3A_500 : vector<16xi32>
      %gather3A_502 = tpu.vector_load_idx %arg14[%add3A_501] : memref<8192xf32, #tpu.memory_space<vmem>>[vector<16xi32>], vector<16xf32>,
      %add3A_503 = arith.addf %add3A_498, %gather3A_502 : vector<16xf32>
      %add3A_504 = arith.constant 6 : i32
      %add3A_505 = vector.broadcast %add3A_504 : i32 to vector<16xi32>
      %add3A_506 = arith.addi %add3A_477, %add3A_505 : vector<16xi32>
      %gather3A_507 = tpu.vector_load_idx %arg14[%add3A_506] : memref<8192xf32, #tpu.memory_space<vmem>>[vector<16xi32>], vector<16xf32>,
      %add3A_508 = arith.addf %add3A_503, %gather3A_507 : vector<16xf32>
      %add3A_509 = arith.constant 7 : i32
      %add3A_510 = vector.broadcast %add3A_509 : i32 to vector<16xi32>
      %add3A_511 = arith.addi %add3A_477, %add3A_510 : vector<16xi32>
      %gather3A_512 = tpu.vector_load_idx %arg14[%add3A_511] : memref<8192xf32, #tpu.memory_space<vmem>>[vector<16xi32>], vector<16xf32>,
      %add3A_513 = arith.addf %add3A_508, %gather3A_512 : vector<16xf32>
      %add3A_514 = arith.constant 8 : i32
      %add3A_515 = vector.broadcast %add3A_514 : i32 to vector<16xi32>
      %add3A_516 = arith.addi %add3A_477, %add3A_515 : vector<16xi32>
      %gather3A_517 = tpu.vector_load_idx %arg14[%add3A_516] : memref<8192xf32, #tpu.memory_space<vmem>>[vector<16xi32>], vector<16xf32>,
      %add3A_518 = arith.addf %add3A_513, %gather3A_517 : vector<16xf32>
      %add3A_519 = arith.constant 9 : i32
      %add3A_520 = vector.broadcast %add3A_519 : i32 to vector<16xi32>
      %add3A_521 = arith.addi %add3A_477, %add3A_520 : vector<16xi32>
      %gather3A_522 = tpu.vector_load_idx %arg14[%add3A_521] : memref<8192xf32, #tpu.memory_space<vmem>>[vector<16xi32>], vector<16xf32>,
      %add3A_523 = arith.addf %add3A_518, %gather3A_522 : vector<16xf32>
      %add3A_524 = arith.constant 10 : i32
      %add3A_525 = vector.broadcast %add3A_524 : i32 to vector<16xi32>
      %add3A_526 = arith.addi %add3A_477, %add3A_525 : vector<16xi32>
      %gather3A_527 = tpu.vector_load_idx %arg14[%add3A_526] : memref<8192xf32, #tpu.memory_space<vmem>>[vector<16xi32>], vector<16xf32>,
      %add3A_528 = arith.addf %add3A_523, %gather3A_527 : vector<16xf32>
      %add3A_529 = arith.constant 11 : i32
      %add3A_530 = vector.broadcast %add3A_529 : i32 to vector<16xi32>
      %add3A_531 = arith.addi %add3A_477, %add3A_530 : vector<16xi32>
      %gather3A_532 = tpu.vector_load_idx %arg14[%add3A_531] : memref<8192xf32, #tpu.memory_space<vmem>>[vector<16xi32>], vector<16xf32>,
      %add3A_533 = arith.addf %add3A_528, %gather3A_532 : vector<16xf32>
      %add3A_534 = arith.constant 12 : i32
      %add3A_535 = vector.broadcast %add3A_534 : i32 to vector<16xi32>
      %add3A_536 = arith.addi %add3A_477, %add3A_535 : vector<16xi32>
      %gather3A_537 = tpu.vector_load_idx %arg14[%add3A_536] : memref<8192xf32, #tpu.memory_space<vmem>>[vector<16xi32>], vector<16xf32>,
      %add3A_538 = arith.addf %add3A_533, %gather3A_537 : vector<16xf32>
      %add3A_539 = arith.constant 13 : i32
      %add3A_540 = vector.broadcast %add3A_539 : i32 to vector<16xi32>
      %add3A_541 = arith.addi %add3A_477, %add3A_540 : vector<16xi32>
      %gather3A_542 = tpu.vector_load_idx %arg14[%add3A_541] : memref<8192xf32, #tpu.memory_space<vmem>>[vector<16xi32>], vector<16xf32>,
      %add3A_543 = arith.addf %add3A_538, %gather3A_542 : vector<16xf32>
      %add3A_544 = arith.constant 14 : i32
      %add3A_545 = vector.broadcast %add3A_544 : i32 to vector<16xi32>
      %add3A_546 = arith.addi %add3A_477, %add3A_545 : vector<16xi32>
      %gather3A_547 = tpu.vector_load_idx %arg14[%add3A_546] : memref<8192xf32, #tpu.memory_space<vmem>>[vector<16xi32>], vector<16xf32>,
      %add3A_548 = arith.addf %add3A_543, %gather3A_547 : vector<16xf32>
      %add3A_549 = arith.constant 15 : i32
      %add3A_550 = vector.broadcast %add3A_549 : i32 to vector<16xi32>
      %add3A_551 = arith.addi %add3A_477, %add3A_550 : vector<16xi32>
      %gather3A_552 = tpu.vector_load_idx %arg14[%add3A_551] : memref<8192xf32, #tpu.memory_space<vmem>>[vector<16xi32>], vector<16xf32>,
      %add3A_553 = arith.addf %add3A_548, %gather3A_552 : vector<16xf32>
      %bitcast3A_554 = vector.bitcast %add3A_553 : vector<16xf32> to vector<16xi32>
      %shift_right_arithmetic3A_555 = arith.constant 1 : i32
      %shift_right_arithmetic3A_556 = vector.broadcast %shift_right_arithmetic3A_555 : i32 to vector<16xi32>
      %shift_right_arithmetic3A_557 = arith.shrsi %bitcast3A_554, %shift_right_arithmetic3A_556 : vector<16xi32>
      %sub3A_558 = arith.constant 1597463007 : i32
      %sub3A_559 = vector.broadcast %sub3A_558 : i32 to vector<16xi32>
      %sub3A_560 = arith.subi %sub3A_559, %shift_right_arithmetic3A_557 : vector<16xi32>
      %bitcast3A_561 = vector.bitcast %sub3A_560 : vector<16xi32> to vector<16xf32>
      %mul3A_562 = arith.constant 5.000000e-01 : f32
      %mul3A_563 = vector.broadcast %mul3A_562 : f32 to vector<16xf32>
      %mul3A_564 = arith.mulf %mul3A_563, %add3A_553 : vector<16xf32>
      %mul3A_565 = arith.mulf %mul3A_564, %bitcast3A_561 : vector<16xf32>
      %mul3A_566 = arith.mulf %mul3A_565, %bitcast3A_561 : vector<16xf32>
      %sub3A_567 = arith.constant 1.500000e+00 : f32
      %sub3A_568 = vector.broadcast %sub3A_567 : f32 to vector<16xf32>
      %sub3A_569 = arith.subf %sub3A_568, %mul3A_566 : vector<16xf32>
      %mul3A_570 = arith.mulf %bitcast3A_561, %sub3A_569 : vector<16xf32>
      %mul3A_571 = arith.constant 5.000000e-01 : f32
      %mul3A_572 = vector.broadcast %mul3A_571 : f32 to vector<16xf32>
      %mul3A_573 = arith.mulf %mul3A_572, %add3A_553 : vector<16xf32>
      %mul3A_574 = arith.mulf %mul3A_573, %mul3A_570 : vector<16xf32>
      %mul3A_575 = arith.mulf %mul3A_574, %mul3A_570 : vector<16xf32>
      %sub3A_576 = arith.constant 1.500000e+00 : f32
      %sub3A_577 = vector.broadcast %sub3A_576 : f32 to vector<16xf32>
      %sub3A_578 = arith.subf %sub3A_577, %mul3A_575 : vector<16xf32>
      %mul3A_579 = arith.mulf %mul3A_570, %sub3A_578 : vector<16xf32>
      %mul3A_580 = arith.constant 5.000000e-01 : f32
      %mul3A_581 = vector.broadcast %mul3A_580 : f32 to vector<16xf32>
      %mul3A_582 = arith.mulf %mul3A_581, %add3A_553 : vector<16xf32>
      %mul3A_583 = arith.mulf %mul3A_582, %mul3A_579 : vector<16xf32>
      %mul3A_584 = arith.mulf %mul3A_583, %mul3A_579 : vector<16xf32>
      %sub3A_585 = arith.constant 1.500000e+00 : f32
      %sub3A_586 = vector.broadcast %sub3A_585 : f32 to vector<16xf32>
      %sub3A_587 = arith.subf %sub3A_586, %mul3A_584 : vector<16xf32>
      %mul3A_588 = arith.mulf %mul3A_579, %sub3A_587 : vector<16xf32>
      %mul3A_589 = arith.constant 5.000000e-01 : f32
      %mul3A_590 = vector.broadcast %mul3A_589 : f32 to vector<16xf32>
      %mul3A_591 = arith.mulf %mul3A_590, %add3A_553 : vector<16xf32>
      %mul3A_592 = arith.mulf %mul3A_591, %mul3A_588 : vector<16xf32>
      %mul3A_593 = arith.mulf %mul3A_592, %mul3A_588 : vector<16xf32>
      %sub3A_594 = arith.constant 1.500000e+00 : f32
      %sub3A_595 = vector.broadcast %sub3A_594 : f32 to vector<16xf32>
      %sub3A_596 = arith.subf %sub3A_595, %mul3A_593 : vector<16xf32>
      %mul3A_597 = arith.mulf %mul3A_588, %sub3A_596 : vector<16xf32>
      %mul3A_598 = arith.mulf %add3A_553, %mul3A_597 : vector<16xf32>
      %mul3A_599 = arith.constant 16 : i32
      %mul3A_600 = arith.muli %scan3A_473, %mul3A_599 : i32
      %multiple_of3A_601 = tpu.assume_multiple %mul3A_600, 16 : i32
      %swap3A_602 = arith.index_cast %multiple_of3A_601 : i32 to index
      %swap3A_603 = tpu.vector_load %arg15[%swap3A_602] {strides = array<i32>} : memref<512xf32, #tpu.memory_space<vmem>>, vector<16xf32>,
      tpu.vector_store %arg15[%swap3A_602], %mul3A_598 {strides = array<i32>} : memref<512xf32, #tpu.memory_space<vmem>>, vector<16xf32>,
      %scan3A_604 = arith.constant 0 : i32
      scf.yield %scan3A_604 : i32
    }
    %scan3A_344 = arith.constant 32 : i32
    "tpu.region"() ({
      %run_scoped3A_345 = tpu.sem_alloc : memref<!tpu.dma_semaphore, #tpu.memory_space<semaphore_mem>>
      %dma_start3A_346 = tpu.memref_slice %arg7[%mul3A_2] : memref<16384xf32, #tpu.memory_space<hbm>> -> memref<512xf32, #tpu.memory_space<hbm>>
      %dma_start3A_347 = tpu.memref_slice %arg7[%mul3A_2] : memref<16384xf32, #tpu.memory_space<hbm>> -> memref<512xf32, #tpu.memory_space<hbm>>
      tpu.enqueue_dma source(%arg15 : memref<512xf32, #tpu.memory_space<vmem>>) target(%dma_start3A_347 : memref<512xf32, #tpu.memory_space<hbm>>) target_semaphore(%run_scoped3A_345 : memref<!tpu.dma_semaphore, #tpu.memory_space<semaphore_mem>>)
      %dma_wait3A_348 = tpu.memref_slice %arg7[%mul3A_2] : memref<16384xf32, #tpu.memory_space<hbm>> -> memref<512xf32, #tpu.memory_space<hbm>>
      %dma_wait3A_349 = tpu.memref_slice %arg7[%mul3A_2] : memref<16384xf32, #tpu.memory_space<hbm>> -> memref<512xf32, #tpu.memory_space<hbm>>
      tpu.wait_dma2 semaphore(%run_scoped3A_345 : memref<!tpu.dma_semaphore, #tpu.memory_space<semaphore_mem>>) src(%arg15 : memref<512xf32, #tpu.memory_space<vmem>>) dst(%dma_wait3A_349 : memref<512xf32, #tpu.memory_space<hbm>>)
      tpu.yield
    }) : () -> ()
    return
  }
}

</mosaic_0001>

<sc_bundles>
// kernel: kernel.3.cloned.1.call-start
scs
__scs_entry_jumppad:
0x0: {  	(pc) =	sbr.rel $0x88, $3  }
0x1: {  	(tag) =	ssettag $0x0;
	lr =	simm.s32 $0x1  }
0x2: {  	[smem:$0x3F9C] =	sst lr;
	_ =	strace $0xD0000000  }
0x3: {  	_ = 	snop  }
0x4: {  	_ = 	snop  }
0x5: {  	_ = 	snop  }
0x6: {  	_ = 	snop  }
0x7: {  	_ = 	snop  }
__scs_overlays_trampoline_lowered:
0x8: {  	[smem:$0x3FAB] =	sst s0  }
0x9: {  	[smem:$0x3FAC] =	sst s1  }
0xa: {  	[smem:$0x3FAD] =	sst s2  }
0xb: {  	[smem:$0x3FAE] =	sst s3  }
0xc: {  	[smem:$0x3FAF] =	sst s4  }
0xd: {  	[smem:$0x3FB0] =	sst s5  }
0xe: {  	[smem:$0x3FB1] =	sst s6  }
0xf: {  	[smem:$0x3FB2] =	sst s7  }
0x10: {  	[smem:$0x3FB3] =	sst s8  }
0x11: {  	[smem:$0x3FB4] =	sst s9;
	s0 =	simm.s32 @!p0 $0x0  }
0x12: {  	s1 =	sld [smem:$0x3F9A];
	s0 =	simm.s32 @p0 $0x1  }
0x13: {  	[smem:$0x3FB5] =	sst s0;
	s0 =	simm.s32 @!p1 $0x0  }
0x14: {  	s2 =	sld [smem:$0x3F99];
	s0 =	simm.s32 @p1 $0x1  }
0x15: {  	[smem:$0x3FB6] =	sst s0;
	s0 =	simm.s32 @!p2 $0x0  }
0x16: {  	s3 =	sld [smem:$0x3FDB];
	s0 =	simm.s32 @p2 $0x1  }
0x17: {  	s4 =	simm.s32 $0x1BF5;
	[smem:$0x3FB8] =	sst s0  }
0x18: {  	s0 =	sld [smem:$0x3F9B];
	_ =	swait.ge [sflag:s4], $0x0  }
0x19: {  	s7 =	sld [smem:$0x3F9C]  }
0x1a: {  	s8 =	sadd.s32 $0xFFFFE003, lr  }
0x1b: {  	s9 =	sadd.s32 $0xFFFFFEF7, lr;
	s5 =	simm.s32 $0xFFFFFFFF;
	p2 =	slt.u32 s8, $0xFFFFF086  }
0x1c: {  	p1 =	slt.u32 s9, $0xF7A;
	s5 =	simm.s32 @!p2 $0x0  }
0x1d: {  	s5 =	simm.s32 @p1 $0x1;
	p0 =	seq.s32 s7, s2  }
0x1e: {  	s7 =	smul.u32 @!p0 $0xF7A, s2;
	p2 =	seq.s32 @!p0 s5, $0x0  }
0x1f: {  	s9 =	smul.u32 $0xF7A, s1;
	s8 =	simm.s32 @!p0 $0x1BF5;
	p2 =	por !p2, p0  }
0x20: {  	[sflag:s8] =	ssyncset.s32 @!p0 $0xFFFFF086;
	s6 =	sadd.s32 @!p0 s3, s7;
	s7 =	simm.s32 @!p0 $0x108  }
0x21: {  	s3 =	sadd.s32 s3, s9;
	s6 =	sadd.s32 @!p0 $0x88, s6;
	s7 =	simm.s32 @p2 $0x1082  }
0x22: {  	[simem:s7], [sflag:s8] =	dma.local @!p0 [hbm:s6], $0xF7A  }
0x23: {  	s9 =	sor.u32 $0xD0000000, s2;
	s6 =	simm.s32 $0x108;
	_ =	swait.ge @!p0 [sflag:s8], $0x0  }
0x24: {  	s3 =	sadd.s32 $0x88, s3;
	s6 =	simm.s32 @!p1 $0x1082;
	[sflag:s4] =	ssyncset.s32 $0xFFFFF086  }
0x25: {  	[simem:s6], [sflag:s4] =	dma.local [hbm:s3], $0xF7A  }
0x26: {  	[smem:$0x3F9C] =	sst s1;
	(tag) =	ssettag s2;
	_ =	strace s9  }
0x27: {  	s1 =	sld [smem:$0x3FAC]  }
0x28: {  	s2 =	sld [smem:$0x3FAD]  }
0x29: {  	s4 =	sld [smem:$0x3FAF]  }
0x2a: {  	p0 =	seq.s32 s5, $0x0;
	s5 =	sld [smem:$0x3FB0]  }
0x2b: {  	s6 =	sld [smem:$0x3FB1]  }
0x2c: {  	s7 =	sld [smem:$0x3FB2]  }
0x2d: {  	s3 =	simm.s32 $0x108;
	s8 =	sld [smem:$0x3FB3]  }
0x2e: {  	s3 =	simm.s32 @!p0 $0x1082;
	s9 =	sld [smem:$0x3FB4]  }
0x2f: {  	lr =	sadd.s32 s0, s3;
	s0 =	sld [smem:$0x3FAB]  }
0x30: {  	s3 =	sld [smem:$0x3FAE]  }
0x31: {  	[smem:$0x3FB7] =	sst s10  }
0x32: {  	s10 =	sld [smem:$0x3FB5];
	_ =	sdelay $0x3  }
0x33: {  	p0 =	seq.s32 s10, $0x1;
	s10 =	sld [smem:$0x3FB7];
	_ =	sdelay $0x3  }
0x34: {  	[smem:$0x3FB7] =	sst s10  }
0x35: {  	s10 =	sld [smem:$0x3FB6];
	_ =	sdelay $0x3  }
0x36: {  	p1 =	seq.s32 s10, $0x1;
	s10 =	sld [smem:$0x3FB7];
	_ =	sdelay $0x3  }
0x37: {  	[smem:$0x3FB7] =	sst s10  }
0x38: {  	s10 =	sld [smem:$0x3FB8]  }
0x39: {  	_ = 	snop;
	(pc) =	sbr.ind lr, $3  }
0x3a: {  	_ = 	snop  }
0x3b: {  	_ = 	snop  }
0x3c: {  	p2 =	seq.s32 s10, $0x1;
	s10 =	sld [smem:$0x3FB7]  }
0x3d: {  	_ =	shalt  }
0x3e: {  	_ =	shalt  }
0x3f: {  	_ =	shalt  }
0x40: {  	_ =	shalt  }
0x41: {  	_ =	shalt  }
0x42: {  	_ =	shalt  }
0x43: {  	_ =	shalt  }
0x44: {  	_ =	shalt  }
0x45: {  	_ =	shalt  }
0x46: {  	_ =	shalt  }
0x47: {  	_ =	shalt  }
0x48: {  	_ =	shalt  }
0x49: {  	_ =	shalt  }
0x4a: {  	_ =	shalt  }
0x4b: {  	_ =	shalt  }
0x4c: {  	_ =	shalt  }
0x4d: {  	_ =	shalt  }
0x4e: {  	_ =	shalt  }
0x4f: {  	_ =	shalt  }
0x50: {  	_ =	shalt  }
0x51: {  	_ =	shalt  }
0x52: {  	_ =	shalt  }
0x53: {  	_ =	shalt  }
0x54: {  	_ =	shalt  }
0x55: {  	_ =	shalt  }
0x56: {  	_ =	shalt  }
0x57: {  	_ =	shalt  }
0x58: {  	_ =	shalt  }
0x59: {  	_ =	shalt  }
0x5a: {  	_ =	shalt  }
0x5b: {  	_ =	shalt  }
0x5c: {  	_ =	shalt  }
0x5d: {  	_ =	shalt  }
0x5e: {  	_ =	shalt  }
0x5f: {  	_ =	shalt  }
0x60: {  	_ =	shalt  }
0x61: {  	_ =	shalt  }
0x62: {  	_ =	shalt  }
0x63: {  	_ =	shalt  }
0x64: {  	_ =	shalt  }
0x65: {  	_ =	shalt  }
0x66: {  	_ =	shalt  }
0x67: {  	_ =	shalt  }
0x68: {  	_ =	shalt  }
0x69: {  	_ =	shalt  }
0x6a: {  	_ =	shalt  }
0x6b: {  	_ =	shalt  }
0x6c: {  	_ =	shalt  }
0x6d: {  	_ =	shalt  }
0x6e: {  	_ =	shalt  }
0x6f: {  	_ =	shalt  }
0x70: {  	_ =	shalt  }
0x71: {  	_ =	shalt  }
0x72: {  	_ =	shalt  }
0x73: {  	_ =	shalt  }
0x74: {  	_ =	shalt  }
0x75: {  	_ =	shalt  }
0x76: {  	_ =	shalt  }
0x77: {  	_ =	shalt  }
0x78: {  	_ =	shalt  }
0x79: {  	_ =	shalt  }
0x7a: {  	_ =	shalt  }
0x7b: {  	_ =	shalt  }
0x7c: {  	_ =	shalt  }
0x7d: {  	_ =	shalt  }
0x7e: {  	_ =	shalt  }
0x7f: {  	_ =	shalt  }
0x80: {  	_ =	shalt  }
0x81: {  	_ =	shalt  }
0x82: {  	_ =	shalt  }
0x83: {  	_ =	shalt  }
0x84: {  	_ =	shalt  }
0x85: {  	_ =	shalt  }
0x86: {  	_ =	shalt  }
0x87: {  	_ =	shalt  }
.Lfunc_end0:
.L_simem_size_0:
called_computation_lowered:
.L_overlay_start_0:
0x88: {  	s2 =	sld [smem:$0x3FD9]  }
0x89: {  	s3 =	sld [smem:$0x3FFE];
	_ =	sdelay $0x1  }
0x8a: {  	s1 =	srdreg.scid  }
0x8b: {  	s0 =	sand.u32 $0x1, s1  }
0x8c: {  	s17 =	sshll.u32 s0, $0xA;
	s2 =	sadd.s32 s3, s2  }
0x8d: {  	s2 =	sadd.s32 s2, s17  }
0x8e: {  	[smem:$0x3FC3] =	sst s2  }
0x8f: {  	_ = 	snop  }
0x90: {  	s2 =	sld [smem:$0x3FC9]  }
0x91: {  	s18 =	sld [smem:$0x3FC8]  }
0x92: {  	s4 =	sld [smem:$0x3FC7]  }
0x93: {  	s5 =	sld [smem:$0x3FD0];
	(tm) =	ssettm $0x1  }
0x94: {  	s6 =	sld [smem:$0x3FFB];
	_ =	sdelay $0x3  }
0x95: {  	_ =	strace s6  }
0x96: {  	s6 =	sld [smem:$0x3FFC];
	_ =	sdelay $0x3  }
0x97: {  	_ =	strace s6  }
0x98: {  	s6 =	sld [smem:$0x3FFD];
	_ =	sdelay $0x3  }
0x99: {  	_ =	strace s6  }
0x9a: {  	_ =	strace $0x8FFFFFFF  }
0x9b: {  	s19 =	sld [smem:$0x3FDB];
	_ =	sdelay $0x1  }
0x9c: {  	s7 =	simm.s32 $_scs_section_size  }
0x9d: {  	s8 =	simm.s32 $_size__tile_overlayer_lowered;
	s9 =	simm.s32 $_tile_overlayer_lowered  }
0x9e: {  	s22 =	simm.s32 $0x1BFF;
	s21 =	sshll.u32 s9, $0x1;
	s6 =	sadd.s32 s7, s19  }
0x9f: {  	s10 =	simm.s32 $0x0;
	s20 =	sshll.u32 s8, $0x1;
	s8 =	sadd.s32 s21, s6  }
0xa0: {  	[timem:s10], [sflag:s22] =	dma.local [hbm:s8], s20  }
0xa1: {  	_ =	swait.ge [sflag:s22], s20  }
0xa2: {  	s7 =	ssub.s32 $0x0, s20;
	[sflag:s22] =	ssyncset.done $0x0  }
0xa3: {  	[sflag:s22] =	ssyncadd.s32 s7;
	_ =	sdelay $0x1  }
0xa4: {  	s23 =	simm.s32 $0x1B8B  }
0xa5: {  	_ =	swait.ge [sflag:s23], $0x1  }
0xa6: {  	[sflag:s23] =	ssyncset.done $0x0  }
0xa7: {  	s25 =	simm.s32 $0x1B8E;
	s24 =	sld [smem:$0x3FFE];
	[sflag:s23] =	ssyncadd.s32 $0xFFFFFFFF  }
0xa8: {  	s26 =	simm.s32 $execute0_lowered;
	[smem:$0x3FD2] =	sst s25  }
0xa9: {  	s8 =	sshll.u32 s26, $0x1;
	_ =	strace $0x80000046;
	[dreg:$0x1] =	wrdreg $0xFFFFFFFF  }
0xaa: {  	s28 =	simm.s32 $_size_execute0_lowered;
	s6 =	sadd.s32 s6, s8;
	[dreg:$0x0] =	wrdreg $0x0  }
0xab: {  	s8 =	sshll.u32 s28, $0x1;
	[dreg:$0x2] =	wrdreg s6  }
0xac: {  	[dreg:$0x3] =	wrdreg s8  }
0xad: {  	[dreg:$0x4] =	wrdreg $0xC0  }
0xae: {  	_ =	task [dreg:s10], $0x5FFFF  }
0xaf: {  	[dreg:$0x1] =	wrdreg $0xFFFFFFFF  }
0xb0: {  	[dreg:$0x0] =	wrdreg $0x60  }
0xb1: {  	[dreg:$0x2] =	wrdreg s2  }
0xb2: {  	[dreg:$0x3] =	wrdreg s18  }
0xb3: {  	[dreg:$0x4] =	wrdreg s4  }
0xb4: {  	[dreg:$0x5] =	wrdreg s24  }
0xb5: {  	[dreg:$0x6] =	wrdreg s5  }
0xb6: {  	[dreg:$0x7] =	wrdreg $0x9  }
0xb7: {  	_ =	task.clear_ibuf [dreg:s10], $0x8FFFF;
	_ =	strace $0x90000046  }
0xb8: {  	s29 =	simm.s32 $0x9;
	_ =	strace $0x80000048  }
0xb9: {  	_ =	swait.ge [sflag:s29], $0x1  }
0xba: {  	[sflag:s29] =	ssyncadd.s32 $0xFFFFFFFF  }
0xbb: {  	_ =	strace $0x90000048  }
0xbc: {  	_ =	sfence  }
0xbd: {  	s30 =	sld [smem:$0x0];
	_ =	sdelay $0x2  }
0xbe: {  	s31 =	sshll.u32 s1, $0xD;
	s1 =	sshrl.u32 s1, $0x2  }
0xbf: {  	s3 =	sand.u32 $0x4000, s31;
	s1 =	sadd.s32 s1, s30  }
0xc0: {  	s0 =	sor.u32 s3, s0;
	s1 =	sshll.u32 s1, $0x11  }
0xc1: {  	s0 =	sor.u32 s1, s0  }
0xc2: {  	s0 =	sadd.s32 $0x8F2B, s0  }
0xc3: {  	[sflag:s0] =	ssyncadd.remote.s32 $0x1  }
0xc4: {  	_ =	sfence.sel $0xFFFF  }
0xc5: {  	[dreg:$0x0] =	wrdreg $0xFFFFFFFF;
	(pc) =	sbr.abs _section_cstart, $3  }
0xc6: {  	[dreg:$0x1] =	wrdreg $0xFFFFFFFF  }
0xc7: {  	_ =	task.clear_ibuf [dreg:s10], $0x2FFFF;
	_ =	strace $0x9FFFFFFF  }
0xc8: {  	(tm) =	ssettm $0x7FFFFFFF  }
0xc9: {  	_ =	shalt  }
tec
execute0_lowered:
.L_overlay_start_1:
0x0: {  	(tag) =	ssettag $0x1  }
0x1: {  	s0 =	rddreg [dreg:$0x0]  }
0x2: {  	s2 =	rddreg [dreg:$0x1]  }
0x3: {  	s5 =	rddreg [dreg:$0x2]  }
0x4: {  	s4 =	rddreg [dreg:$0x3]  }
0x5: {  	s6 =	rddreg [dreg:$0x4];
	s1 =	simm.s32 $0x0  }
0x6: {  	s3 =	srdreg.scid;
	s10 =	stileid.u32;
	s19 =	simm.s32 $0x5  }
0x7: {  	s22 =	simm.s32 $0x80;
	s31 =	simm.s32 $0x580;
	s20 =	simm.s32 $0x3  }
0x8: {  	s21 =	simm.s32 $0x4;
	s23 =	simm.s32 $0xC600;
	s24 =	simm.s32 $0x0  }
0x9: {  	[smem:$0x7FF] =	sst s1;
	s7 =	sand.u32 $0x1, s3;
	s3 =	sadd.s32 $0xF42A00, s4  }
0xa: {  	s10 =	sshll.u32 s10, $0x7;
	s8 =	ssub.s32 $0x2, s7;
	s7 =	sshll.u32 s7, $0x6  }
0xb: {  	s4 =	sadd.s32 $0x600, s4;
	s9 =	sshrl.u32 s8, $0x1;
	s7 =	sor.u32 s7, s10  }
0xc: {  	_ =	strace $0x80000047;
	s8 =	ssub.s32 s8, s9;
	s25 =	sadd.s32 s0, s7  }
0xd: {  	v0 =	vlaneseq.u32;
	s26 =	sadd.s32 s2, s7;
	s10 =	sor.u32 $0x10, s7;
	s28 =	sadd.s32 s5, s7  }
0xe: {  	v0 =	vmul.u32 $0x10, v0;
	s13 =	sor.u32 $0x20, s7;
	s16 =	sor.u32 $0x30, s7;
	[dreg:$0x6] =	wrdreg s25  }
0xf: {  	s17 =	sadd.s32 s6, s7;
	s9 =	simm.s32 $0x380;
	[dreg:$0x7] =	wrdreg s26  }
0x10: {  	v1 =	vor.u32 $0x1, v0;
	v2 =	vor.u32 $0x2, v0;
	v3 =	vor.u32 $0x3, v0;
	[dreg:$0x8] =	wrdreg s28;
	s29 =	sadd.s32 s0, s10;
	s30 =	sadd.s32 s2, s10  }
0x11: {  	v4 =	vor.u32 $0x4, v0;
	v5 =	vor.u32 $0x5, v0;
	v6 =	vor.u32 $0x6, v0;
	s10 =	sadd.s32 s5, s10;
	s11 =	sadd.s32 s0, s13;
	s12 =	sadd.s32 s2, s13  }
0x12: {  	v7 =	vor.u32 $0x7, v0;
	v8 =	vor.u32 $0x8, v0;
	v9 =	vor.u32 $0x9, v0;
	s13 =	sadd.s32 s5, s13;
	s14 =	sadd.s32 s0, s16;
	s15 =	sadd.s32 s2, s16  }
0x13: {  	v10 =	vor.u32 $0xA, v0;
	v11 =	vor.u32 $0xB, v0;
	v12 =	vor.u32 $0xC, v0;
	s16 =	sadd.s32 s5, s16;
	s18 =	smax.u32 s8, $0x1;
	[dreg:$0x9] =	wrdreg s29  }
0x14: {  	v13 =	vor.u32 $0xD, v0;
	v14 =	vor.u32 $0xE, v0;
	v15 =	vor.u32 $0xF, v0;
	s0 =	simm.s32 $0x1;
	s2 =	simm.s32 $0x2;
	[dreg:$0xa] =	wrdreg s30  }
.LBB2_1:
0x15: {  	s5 =	rddreg [dreg:$0x6]  }
0x16: {  	[tilespmem:s1], [sflag:$0x5] =	stream.linear.gather [hbm4b:s5+s1], $0x80, $0x38;
	[tilespmem:$0xE800] =	vst v63  }
0x17: {  	_ =	swait.ge [sflag:s19], $0x80  }
0x18: {  	[sflag:s19] =	ssyncset.done $0x0  }
0x19: {  	s6 =	simm.s32 $0x200;
	s25 =	rddreg [dreg:$0x7];
	[sflag:s19] =	ssyncadd.s32 $0xFFFFFF80  }
0x1a: {  	[tilespmem:s6], [sflag:$0x5] =	stream.linear.gather [hbm4b:s25+s1], $0x80, $0x38;
	[tilespmem:$0xE800] =	vst v63  }
0x1b: {  	_ =	swait.ge [sflag:s19], $0x80  }
0x1c: {  	[sflag:s19] =	ssyncset.done $0x0  }
0x1d: {  	s7 =	simm.s32 $0x400;
	s26 =	rddreg [dreg:$0x8];
	[sflag:s19] =	ssyncadd.s32 $0xFFFFFF80  }
0x1e: {  	[tilespmem:s7], [sflag:$0x5] =	stream.linear.gather [hbm4b:s26+s1], $0x80, $0x38;
	[tilespmem:$0xE800] =	vst v63  }
0x1f: {  	_ =	swait.ge [sflag:s19], $0x80  }
0x20: {  	[sflag:s19] =	ssyncset.done $0x0  }
0x21: {  	s29 =	rddreg [dreg:$0x9];
	[sflag:s19] =	ssyncadd.s32 $0xFFFFFF80  }
0x22: {  	[tilespmem:s22], [sflag:$0x5] =	stream.linear.gather [hbm4b:s29+s1], $0x80, $0x38;
	[tilespmem:$0xE800] =	vst v63  }
0x23: {  	_ =	swait.ge [sflag:s19], $0x80  }
0x24: {  	[sflag:s19] =	ssyncset.done $0x0  }
0x25: {  	s5 =	simm.s32 $0x280;
	s8 =	rddreg [dreg:$0xa];
	[sflag:s19] =	ssyncadd.s32 $0xFFFFFF80  }
0x26: {  	[tilespmem:s5], [sflag:$0x5] =	stream.linear.gather [hbm4b:s8+s1], $0x80, $0x38;
	[tilespmem:$0xE800] =	vst v63  }
0x27: {  	_ =	swait.ge [sflag:s19], $0x80  }
0x28: {  	[sflag:s19] =	ssyncset.done $0x0  }
0x29: {  	s8 =	simm.s32 $0x480;
	[sflag:s19] =	ssyncadd.s32 $0xFFFFFF80  }
0x2a: {  	[tilespmem:s8], [sflag:$0x5] =	stream.linear.gather [hbm4b:s10+s1], $0x80, $0x38;
	[tilespmem:$0xE800] =	vst v63  }
0x2b: {  	_ =	swait.ge [sflag:s19], $0x80  }
0x2c: {  	[sflag:s19] =	ssyncset.done $0x0  }
0x2d: {  	s25 =	simm.s32 $0x100;
	[sflag:s19] =	ssyncadd.s32 $0xFFFFFF80  }
0x2e: {  	[tilespmem:s25], [sflag:$0x5] =	stream.linear.gather [hbm4b:s11+s1], $0x80, $0x38;
	[tilespmem:$0xE800] =	vst v63  }
0x2f: {  	_ =	swait.ge [sflag:s19], $0x80  }
0x30: {  	[sflag:s19] =	ssyncset.done $0x0  }
0x31: {  	s26 =	simm.s32 $0x300;
	[sflag:s19] =	ssyncadd.s32 $0xFFFFFF80  }
0x32: {  	[tilespmem:s26], [sflag:$0x5] =	stream.linear.gather [hbm4b:s12+s1], $0x80, $0x38;
	[tilespmem:$0xE800] =	vst v63  }
0x33: {  	_ =	swait.ge [sflag:s19], $0x80  }
0x34: {  	[sflag:s19] =	ssyncset.done $0x0  }
0x35: {  	s28 =	simm.s32 $0x500;
	[sflag:s19] =	ssyncadd.s32 $0xFFFFFF80  }
0x36: {  	[tilespmem:s28], [sflag:$0x5] =	stream.linear.gather [hbm4b:s13+s1], $0x80, $0x38;
	[tilespmem:$0xE800] =	vst v63  }
0x37: {  	_ =	swait.ge [sflag:s19], $0x80  }
0x38: {  	[sflag:s19] =	ssyncset.done $0x0  }
0x39: {  	s29 =	simm.s32 $0x180;
	[sflag:s19] =	ssyncadd.s32 $0xFFFFFF80  }
0x3a: {  	[tilespmem:s29], [sflag:$0x5] =	stream.linear.gather [hbm4b:s14+s1], $0x80, $0x38;
	[tilespmem:$0xE800] =	vst v63  }
0x3b: {  	_ =	swait.ge [sflag:s19], $0x80  }
0x3c: {  	[sflag:s19] =	ssyncset.done $0x0  }
0x3d: {  	[sflag:s19] =	ssyncadd.s32 $0xFFFFFF80  }
0x3e: {  	[tilespmem:s9], [sflag:$0x5] =	stream.linear.gather [hbm4b:s15+s1], $0x80, $0x38;
	[tilespmem:$0xE800] =	vst v63  }
0x3f: {  	_ =	swait.ge [sflag:s19], $0x80  }
0x40: {  	[sflag:s19] =	ssyncset.done $0x0  }
0x41: {  	[sflag:s19] =	ssyncadd.s32 $0xFFFFFF80  }
0x42: {  	[tilespmem:s31], [sflag:$0x5] =	stream.linear.gather [hbm4b:s16+s1], $0x80, $0x38;
	[tilespmem:$0xE800] =	vst v63  }
0x43: {  	_ =	swait.ge [sflag:s19], $0x80  }
0x44: {  	[sflag:s19] =	ssyncset.done $0x0  }
0x45: {  	s30 =	simm.s32 $0x600;
	[sflag:s19] =	ssyncadd.s32 $0xFFFFFF80  }
0x46: {  	[tilespmem:s30], [sflag:$0x1] =	stream.indirect.gather [hbm4b:s3+s22], $0x20, s1, s22, $0xb8;
	[tilespmem:$0xE800] =	vst v63  }
0x47: {  	s30 =	simm.s32 $0x8600  }
0x48: {  	[tilespmem:s30], [sflag:$0x1] =	stream.indirect.gather [hbm4b:s3+s22], $0x20, s7, s22, $0xb8;
	[tilespmem:$0xE800] =	vst v63  }
0x49: {  	s30 =	simm.s32 $0x4600  }
0x4a: {  	[tilespmem:s30], [sflag:$0x1] =	stream.indirect.gather [hbm4b:s4+s22], $0x20, s6, s22, $0xb8;
	[tilespmem:$0xE800] =	vst v63  }
0x4b: {  	s30 =	simm.s32 $0x1600  }
0x4c: {  	[tilespmem:s30], [sflag:$0x2] =	stream.indirect.gather [hbm4b:s3+s22], $0x20, s22, s22, $0xb8;
	[tilespmem:$0xE800] =	vst v63  }
0x4d: {  	s7 =	simm.s32 $0x9600  }
0x4e: {  	[tilespmem:s7], [sflag:$0x2] =	stream.indirect.gather [hbm4b:s3+s22], $0x20, s8, s22, $0xb8;
	[tilespmem:$0xE800] =	vst v63  }
0x4f: {  	s8 =	simm.s32 $0x5600  }
0x50: {  	[tilespmem:s8], [sflag:$0x2] =	stream.indirect.gather [hbm4b:s4+s22], $0x20, s5, s22, $0xb8;
	[tilespmem:$0xE800] =	vst v63  }
0x51: {  	s30 =	simm.s32 $0x2600  }
0x52: {  	[tilespmem:s30], [sflag:$0x3] =	stream.indirect.gather [hbm4b:s3+s22], $0x20, s25, s22, $0xb8;
	[tilespmem:$0xE800] =	vst v63  }
0x53: {  	s6 =	simm.s32 $0xA600  }
0x54: {  	[tilespmem:s6], [sflag:$0x3] =	stream.indirect.gather [hbm4b:s3+s22], $0x20, s28, s22, $0xb8;
	[tilespmem:$0xE800] =	vst v63  }
0x55: {  	s7 =	simm.s32 $0x6600  }
0x56: {  	[tilespmem:s7], [sflag:$0x3] =	stream.indirect.gather [hbm4b:s4+s22], $0x20, s26, s22, $0xb8;
	[tilespmem:$0xE800] =	vst v63  }
0x57: {  	s8 =	simm.s32 $0x3600  }
0x58: {  	[tilespmem:s8], [sflag:$0x4] =	stream.indirect.gather [hbm4b:s3+s22], $0x20, s29, s22, $0xb8;
	[tilespmem:$0xE800] =	vst v63  }
0x59: {  	s25 =	simm.s32 $0xB600  }
0x5a: {  	[tilespmem:s25], [sflag:$0x4] =	stream.indirect.gather [hbm4b:s3+s22], $0x20, s31, s22, $0xb8;
	[tilespmem:$0xE800] =	vst v63  }
0x5b: {  	s26 =	simm.s32 $0x7600  }
0x5c: {  	[tilespmem:s26], [sflag:$0x4] =	stream.indirect.gather [hbm4b:s4+s22], $0x20, s9, s22, $0xb8;
	[tilespmem:$0xE800] =	vst v63  }
0x5d: {  	_ =	swait.ge [sflag:s0], $0x1000  }
0x5e: {  	[sflag:s0] =	ssyncset.done $0x0  }
0x5f: {  	[sflag:s0] =	ssyncadd.s32 $0xFFFFF000  }
0x60: {  	_ =	swait.ge [sflag:s0], $0x1000  }
0x61: {  	[sflag:s0] =	ssyncset.done $0x0  }
0x62: {  	[sflag:s0] =	ssyncadd.s32 $0xFFFFF000  }
0x63: {  	_ =	swait.ge [sflag:s0], $0x1000  }
0x64: {  	[sflag:s0] =	ssyncset.done $0x0  }
0x65: {  	s5 =	simm.s32 $0x640;
	[sflag:s0] =	ssyncadd.s32 $0xFFFFF000  }
0x66: {  	v16 =	vld [tilespmem:s5+$0xFFFFFFC0]  }
0x67: {  	s29 =	simm.s32 $0x4640;
	v17 =	vld [tilespmem:s5+$0xFFFFFFD0]  }
0x68: {  	v18 =	vld [tilespmem:s29+$0xFFFFFFD0]  }
0x69: {  	s30 =	simm.s32 $0x8640;
	v19 =	vld [tilespmem:s29+$0xFFFFFFC0]  }
0x6a: {  	v20 =	vld [tilespmem:s30+$0xFFFFFFD0]  }
0x6b: {  	v21 =	vld [tilespmem:s30+$0xFFFFFFC0];
	_ =	sdelay $0x2  }
0x6c: {  	v17 =	vadd.f32 v18, v17;
	v16 =	vadd.f32 v19, v16;
	_ =	sdelay $0x1  }
0x6d: {  	v17 =	vsub.f32 v17, v20;
	v16 =	vsub.f32 v16, v21;
	_ =	sdelay $0x1  }
0x6e: {  	v16 =	vmul.f32 v16, v16;
	v17 =	vmul.f32 v17, v17;
	_ =	sdelay $0x1  }
0x6f: {  	v16 =	vadd.f32 v17, v16  }
0x70: {  	s6 =	simm.s32 $0xC620  }
0x71: {  	[tilespmem:s6+$0xFFFFFFE0] =	vst v16  }
0x72: {  	v16 =	vld [tilespmem:s29+$0xFFFFFFF0]  }
0x73: {  	v17 =	vld [tilespmem:s5+$0xFFFFFFE0]  }
0x74: {  	v18 =	vld [tilespmem:s5+$0xFFFFFFF0]  }
0x75: {  	v19 =	vld [tilespmem:s29+$0xFFFFFFE0]  }
0x76: {  	v20 =	vld [tilespmem:s30+$0xFFFFFFF0]  }
0x77: {  	v21 =	vld [tilespmem:s30+$0xFFFFFFE0];
	_ =	sdelay $0x2  }
0x78: {  	v16 =	vadd.f32 v16, v18;
	v17 =	vadd.f32 v19, v17;
	_ =	sdelay $0x1  }
0x79: {  	v16 =	vsub.f32 v16, v20;
	v17 =	vsub.f32 v17, v21;
	_ =	sdelay $0x1  }
0x7a: {  	v16 =	vmul.f32 v16, v16;
	v17 =	vmul.f32 v17, v17;
	_ =	sdelay $0x1  }
0x7b: {  	v16 =	vadd.f32 v16, v17;
	_ =	sdelay $0x1  }
0x7c: {  	[tilespmem:s6+$0xFFFFFFF0] =	vst v16  }
0x7d: {  	v16 =	vld [tilespmem:s5+$0x0]  }
0x7e: {  	v17 =	vld [tilespmem:s29+$0x10]  }
0x7f: {  	v18 =	vld [tilespmem:s29+$0x0]  }
0x80: {  	v19 =	vld [tilespmem:s5+$0x10]  }
0x81: {  	v20 =	vld [tilespmem:s30+$0x0]  }
0x82: {  	v21 =	vld [tilespmem:s30+$0x10];
	_ =	sdelay $0x2  }
0x83: {  	v16 =	vadd.f32 v18, v16;
	v17 =	vadd.f32 v17, v19;
	_ =	sdelay $0x1  }
0x84: {  	v16 =	vsub.f32 v16, v20;
	v17 =	vsub.f32 v17, v21;
	_ =	sdelay $0x1  }
0x85: {  	v16 =	vmul.f32 v16, v16;
	v17 =	vmul.f32 v17, v17;
	_ =	sdelay $0x1  }
0x86: {  	v16 =	vadd.f32 v17, v16;
	_ =	sdelay $0x1  }
0x87: {  	[tilespmem:s6+$0x0] =	vst v16  }
0x88: {  	v17 =	vld [tilespmem:s5+$0x20]  }
0x89: {  	v16 =	vld [tilespmem:s29+$0x30]  }
0x8a: {  	v21 =	vld [tilespmem:s29+$0x20]  }
0x8b: {  	v18 =	vld [tilespmem:s5+$0x30]  }
0x8c: {  	v19 =	vld [tilespmem:s30+$0x20]  }
0x8d: {  	s28 =	simm.s32 $0x86C0;
	v20 =	vld [tilespmem:s30+$0x30]  }
0x8e: {  	s7 =	simm.s32 $0x46C0;
	s25 =	simm.s32 $0xC620;
	s26 =	simm.s32 $0x0  }
.LBB2_2:
0x8f: {  	s26 =	sadd.s32 $0x4, s26;
	v17 =	vadd.f32 v21, v17;
	s6 =	sadd.s32 $0x40, s6;
	s5 =	sadd.s32 $0x80, s5  }
0x90: {  	p0 =	slt.u32 s26, $0x7C;
	v16 =	vadd.f32 v16, v18  }
0x91: {  	v17 =	vsub.f32 v17, v19  }
0x92: {  	v16 =	vsub.f32 v16, v20  }
0x93: {  	v17 =	vmul.f32 v17, v17  }
0x94: {  	v16 =	vmul.f32 v16, v16;
	_ =	sdelay $0x1  }
0x95: {  	v16 =	vadd.f32 v16, v17;
	_ =	sdelay $0x1  }
0x96: {  	[tilespmem:s25+$0x10] =	vst v16;
	s25 =	smov.u32 s6  }
0x97: {  	v16 =	vld [tilespmem:s5+$0xFFFFFFC0]  }
0x98: {  	v17 =	vld [tilespmem:s5+$0xFFFFFFD0]  }
0x99: {  	v18 =	vld [tilespmem:s7+$0xFFFFFFD0]  }
0x9a: {  	v19 =	vld [tilespmem:s7+$0xFFFFFFC0]  }
0x9b: {  	v20 =	vld [tilespmem:s28+$0xFFFFFFD0]  }
0x9c: {  	v21 =	vld [tilespmem:s28+$0xFFFFFFC0];
	_ =	sdelay $0x1  }
0x9d: {  	v17 =	vadd.f32 v18, v17  }
0x9e: {  	v16 =	vadd.f32 v19, v16  }
0x9f: {  	v17 =	vsub.f32 v17, v20  }
0xa0: {  	v16 =	vsub.f32 v16, v21;
	_ =	sdelay $0x1  }
0xa1: {  	v17 =	vmul.f32 v17, v17;
	v16 =	vmul.f32 v16, v16;
	_ =	sdelay $0x1  }
0xa2: {  	v16 =	vadd.f32 v17, v16;
	_ =	sdelay $0x1  }
0xa3: {  	[tilespmem:s6+$0xFFFFFFE0] =	vst v16  }
0xa4: {  	v16 =	vld [tilespmem:s7+$0xFFFFFFF0]  }
0xa5: {  	v17 =	vld [tilespmem:s5+$0xFFFFFFE0]  }
0xa6: {  	v18 =	vld [tilespmem:s5+$0xFFFFFFF0]  }
0xa7: {  	v19 =	vld [tilespmem:s7+$0xFFFFFFE0]  }
0xa8: {  	v20 =	vld [tilespmem:s28+$0xFFFFFFF0]  }
0xa9: {  	v21 =	vld [tilespmem:s28+$0xFFFFFFE0];
	_ =	sdelay $0x1  }
0xaa: {  	v16 =	vadd.f32 v16, v18  }
0xab: {  	v17 =	vadd.f32 v19, v17  }
0xac: {  	v16 =	vsub.f32 v16, v20  }
0xad: {  	v17 =	vsub.f32 v17, v21  }
0xae: {  	v16 =	vmul.f32 v16, v16  }
0xaf: {  	v17 =	vmul.f32 v17, v17;
	_ =	sdelay $0x1  }
0xb0: {  	v16 =	vadd.f32 v16, v17;
	_ =	sdelay $0x1  }
0xb1: {  	[tilespmem:s6+$0xFFFFFFF0] =	vst v16  }
0xb2: {  	v16 =	vld [tilespmem:s5+$0x0]  }
0xb3: {  	v17 =	vld [tilespmem:s7+$0x10]  }
0xb4: {  	v18 =	vld [tilespmem:s7+$0x0]  }
0xb5: {  	v19 =	vld [tilespmem:s5+$0x10]  }
0xb6: {  	v20 =	vld [tilespmem:s28+$0x0]  }
0xb7: {  	v21 =	vld [tilespmem:s28+$0x10];
	_ =	sdelay $0x1  }
0xb8: {  	v16 =	vadd.f32 v18, v16  }
0xb9: {  	v17 =	vadd.f32 v17, v19  }
0xba: {  	v16 =	vsub.f32 v16, v20  }
0xbb: {  	v17 =	vsub.f32 v17, v21;
	_ =	sdelay $0x1  }
0xbc: {  	v16 =	vmul.f32 v16, v16;
	v17 =	vmul.f32 v17, v17;
	_ =	sdelay $0x1  }
0xbd: {  	v16 =	vadd.f32 v17, v16;
	_ =	sdelay $0x1  }
0xbe: {  	[tilespmem:s6+$0x0] =	vst v16  }
0xbf: {  	v17 =	vld [tilespmem:s5+$0x20]  }
0xc0: {  	v16 =	vld [tilespmem:s7+$0x30]  }
.Ltmp0:
0xc1: {  	v21 =	vld [tilespmem:s7+$0x20];
	(pc) =	sbr.rel @p0 .LBB2_2-.Ltmp0, $4  }
0xc2: {  	v18 =	vld [tilespmem:s5+$0x30]  }
0xc3: {  	v19 =	vld [tilespmem:s28+$0x20]  }
0xc4: {  	v20 =	vld [tilespmem:s28+$0x30]  }
0xc5: {  	s7 =	sadd.s32 $0x80, s7;
	s28 =	sadd.s32 $0x80, s28  }
0xc6: {  	_ = 	snop  }
0xc7: {  	v17 =	vadd.f32 v21, v17;
	v16 =	vadd.f32 v16, v18;
	_ =	sdelay $0x1  }
0xc8: {  	v17 =	vsub.f32 v17, v19;
	v16 =	vsub.f32 v16, v20;
	_ =	sdelay $0x1  }
0xc9: {  	v17 =	vmul.f32 v17, v17;
	v16 =	vmul.f32 v16, v16;
	_ =	sdelay $0x1  }
0xca: {  	v16 =	vadd.f32 v16, v17;
	_ =	sdelay $0x1  }
0xcb: {  	[tilespmem:s25+$0x10] =	vst v16  }
0xcc: {  	_ =	swait.ge [sflag:s2], $0x1000  }
0xcd: {  	[sflag:s2] =	ssyncset.done $0x0  }
0xce: {  	[sflag:s2] =	ssyncadd.s32 $0xFFFFF000  }
0xcf: {  	_ =	swait.ge [sflag:s2], $0x1000  }
0xd0: {  	[sflag:s2] =	ssyncset.done $0x0  }
0xd1: {  	[sflag:s2] =	ssyncadd.s32 $0xFFFFF000  }
0xd2: {  	_ =	swait.ge [sflag:s2], $0x1000  }
0xd3: {  	[sflag:s2] =	ssyncset.done $0x0  }
0xd4: {  	s7 =	simm.s32 $0x1670;
	[sflag:s2] =	ssyncadd.s32 $0xFFFFF000  }
0xd5: {  	v16 =	vld [tilespmem:s7+$0xFFFFFF90]  }
0xd6: {  	s5 =	simm.s32 $0x5670;
	v17 =	vld [tilespmem:s7+$0xFFFFFFA0]  }
0xd7: {  	v18 =	vld [tilespmem:s5+$0xFFFFFFA0]  }
0xd8: {  	s6 =	simm.s32 $0x9670;
	v19 =	vld [tilespmem:s5+$0xFFFFFF90]  }
0xd9: {  	v20 =	vld [tilespmem:s6+$0xFFFFFFA0]  }
0xda: {  	v21 =	vld [tilespmem:s6+$0xFFFFFF90];
	_ =	sdelay $0x2  }
0xdb: {  	v17 =	vadd.f32 v18, v17;
	v16 =	vadd.f32 v19, v16;
	_ =	sdelay $0x1  }
0xdc: {  	v17 =	vsub.f32 v17, v20;
	v16 =	vsub.f32 v16, v21;
	_ =	sdelay $0x1  }
0xdd: {  	v16 =	vmul.f32 v16, v16;
	v17 =	vmul.f32 v17, v17;
	_ =	sdelay $0x1  }
0xde: {  	v16 =	vadd.f32 v17, v16  }
0xdf: {  	s25 =	simm.s32 $0xCE30  }
0xe0: {  	[tilespmem:s25+$0xFFFFFFD0] =	vst v16  }
0xe1: {  	v16 =	vld [tilespmem:s5+$0xFFFFFFC0]  }
0xe2: {  	v17 =	vld [tilespmem:s7+$0xFFFFFFB0]  }
0xe3: {  	v18 =	vld [tilespmem:s7+$0xFFFFFFC0]  }
0xe4: {  	v19 =	vld [tilespmem:s5+$0xFFFFFFB0]  }
0xe5: {  	v20 =	vld [tilespmem:s6+$0xFFFFFFC0]  }
0xe6: {  	v21 =	vld [tilespmem:s6+$0xFFFFFFB0];
	_ =	sdelay $0x2  }
0xe7: {  	v16 =	vadd.f32 v16, v18;
	v17 =	vadd.f32 v19, v17;
	_ =	sdelay $0x1  }
0xe8: {  	v16 =	vsub.f32 v16, v20;
	v17 =	vsub.f32 v17, v21;
	_ =	sdelay $0x1  }
0xe9: {  	v16 =	vmul.f32 v16, v16;
	v17 =	vmul.f32 v17, v17;
	_ =	sdelay $0x1  }
0xea: {  	v16 =	vadd.f32 v16, v17;
	_ =	sdelay $0x1  }
0xeb: {  	[tilespmem:s25+$0xFFFFFFE0] =	vst v16  }
0xec: {  	v16 =	vld [tilespmem:s7+$0xFFFFFFD0]  }
0xed: {  	v17 =	vld [tilespmem:s5+$0xFFFFFFE0]  }
0xee: {  	v18 =	vld [tilespmem:s5+$0xFFFFFFD0]  }
0xef: {  	v19 =	vld [tilespmem:s7+$0xFFFFFFE0]  }
0xf0: {  	v20 =	vld [tilespmem:s6+$0xFFFFFFD0]  }
0xf1: {  	v21 =	vld [tilespmem:s6+$0xFFFFFFE0];
	_ =	sdelay $0x2  }
0xf2: {  	v16 =	vadd.f32 v18, v16;
	v17 =	vadd.f32 v17, v19;
	_ =	sdelay $0x1  }
0xf3: {  	v16 =	vsub.f32 v16, v20;
	v17 =	vsub.f32 v17, v21;
	_ =	sdelay $0x1  }
0xf4: {  	v16 =	vmul.f32 v16, v16;
	v17 =	vmul.f32 v17, v17;
	_ =	sdelay $0x1  }
0xf5: {  	v16 =	vadd.f32 v17, v16;
	_ =	sdelay $0x1  }
0xf6: {  	[tilespmem:s25+$0xFFFFFFF0] =	vst v16  }
0xf7: {  	v17 =	vld [tilespmem:s7+$0xFFFFFFF0]  }
0xf8: {  	v16 =	vld [tilespmem:s5+$0x0]  }
0xf9: {  	v21 =	vld [tilespmem:s5+$0xFFFFFFF0]  }
0xfa: {  	v18 =	vld [tilespmem:s7+$0x0]  }
0xfb: {  	v19 =	vld [tilespmem:s6+$0xFFFFFFF0]  }
0xfc: {  	v20 =	vld [tilespmem:s6+$0x0]  }
0xfd: {  	s26 =	simm.s32 $0x0;
	s28 =	simm.s32 $0xCE70;
	s7 =	simm.s32 $0x16F0  }
.LBB2_4:
0xfe: {  	s26 =	sadd.s32 $0x4, s26;
	v17 =	vadd.f32 v21, v17;
	s6 =	sadd.s32 $0x80, s6;
	s5 =	sadd.s32 $0x80, s5  }
0xff: {  	p0 =	slt.u32 s26, $0x7C;
	v16 =	vadd.f32 v16, v18  }
0x100: {  	v17 =	vsub.f32 v17, v19  }
0x101: {  	v16 =	vsub.f32 v16, v20  }
0x102: {  	v17 =	vmul.f32 v17, v17  }
0x103: {  	v16 =	vmul.f32 v16, v16;
	_ =	sdelay $0x1  }
0x104: {  	v16 =	vadd.f32 v16, v17;
	_ =	sdelay $0x1  }
0x105: {  	[tilespmem:s25+$0x0] =	vst v16;
	s25 =	smov.u32 s28  }
0x106: {  	v16 =	vld [tilespmem:s7+$0xFFFFFF90]  }
0x107: {  	v17 =	vld [tilespmem:s7+$0xFFFFFFA0]  }
0x108: {  	v18 =	vld [tilespmem:s5+$0xFFFFFFA0]  }
0x109: {  	v19 =	vld [tilespmem:s5+$0xFFFFFF90]  }
0x10a: {  	v20 =	vld [tilespmem:s6+$0xFFFFFFA0]  }
0x10b: {  	v21 =	vld [tilespmem:s6+$0xFFFFFF90];
	_ =	sdelay $0x1  }
0x10c: {  	v17 =	vadd.f32 v18, v17  }
0x10d: {  	v16 =	vadd.f32 v19, v16  }
0x10e: {  	v17 =	vsub.f32 v17, v20  }
0x10f: {  	v16 =	vsub.f32 v16, v21;
	_ =	sdelay $0x1  }
0x110: {  	v17 =	vmul.f32 v17, v17;
	v16 =	vmul.f32 v16, v16;
	_ =	sdelay $0x1  }
0x111: {  	v16 =	vadd.f32 v17, v16;
	_ =	sdelay $0x1  }
0x112: {  	[tilespmem:s28+$0xFFFFFFD0] =	vst v16  }
0x113: {  	v16 =	vld [tilespmem:s5+$0xFFFFFFC0]  }
0x114: {  	v17 =	vld [tilespmem:s7+$0xFFFFFFB0]  }
0x115: {  	v18 =	vld [tilespmem:s7+$0xFFFFFFC0]  }
0x116: {  	v19 =	vld [tilespmem:s5+$0xFFFFFFB0]  }
0x117: {  	v20 =	vld [tilespmem:s6+$0xFFFFFFC0]  }
0x118: {  	v21 =	vld [tilespmem:s6+$0xFFFFFFB0];
	_ =	sdelay $0x1  }
0x119: {  	v16 =	vadd.f32 v16, v18  }
0x11a: {  	v17 =	vadd.f32 v19, v17  }
0x11b: {  	v16 =	vsub.f32 v16, v20  }
0x11c: {  	v17 =	vsub.f32 v17, v21  }
0x11d: {  	v16 =	vmul.f32 v16, v16  }
0x11e: {  	v17 =	vmul.f32 v17, v17;
	_ =	sdelay $0x1  }
0x11f: {  	v16 =	vadd.f32 v16, v17;
	_ =	sdelay $0x1  }
0x120: {  	[tilespmem:s28+$0xFFFFFFE0] =	vst v16  }
0x121: {  	v16 =	vld [tilespmem:s7+$0xFFFFFFD0]  }
0x122: {  	v17 =	vld [tilespmem:s5+$0xFFFFFFE0]  }
0x123: {  	v18 =	vld [tilespmem:s5+$0xFFFFFFD0]  }
0x124: {  	v19 =	vld [tilespmem:s7+$0xFFFFFFE0]  }
0x125: {  	v20 =	vld [tilespmem:s6+$0xFFFFFFD0]  }
0x126: {  	v21 =	vld [tilespmem:s6+$0xFFFFFFE0];
	_ =	sdelay $0x1  }
0x127: {  	v16 =	vadd.f32 v18, v16  }
0x128: {  	v17 =	vadd.f32 v17, v19  }
0x129: {  	v16 =	vsub.f32 v16, v20  }
0x12a: {  	v17 =	vsub.f32 v17, v21;
	_ =	sdelay $0x1  }
0x12b: {  	v16 =	vmul.f32 v16, v16;
	v17 =	vmul.f32 v17, v17;
	_ =	sdelay $0x1  }
0x12c: {  	v16 =	vadd.f32 v17, v16;
	_ =	sdelay $0x1  }
0x12d: {  	[tilespmem:s28+$0xFFFFFFF0] =	vst v16  }
0x12e: {  	v17 =	vld [tilespmem:s7+$0xFFFFFFF0]  }
0x12f: {  	v16 =	vld [tilespmem:s5+$0x0]  }
.Ltmp1:
0x130: {  	v21 =	vld [tilespmem:s5+$0xFFFFFFF0];
	(pc) =	sbr.rel @p0 .LBB2_4-.Ltmp1, $4  }
0x131: {  	v18 =	vld [tilespmem:s7+$0x0]  }
0x132: {  	v19 =	vld [tilespmem:s6+$0xFFFFFFF0]  }
0x133: {  	v20 =	vld [tilespmem:s6+$0x0]  }
0x134: {  	s28 =	sadd.s32 $0x40, s28;
	s7 =	sadd.s32 $0x80, s7  }
0x135: {  	_ = 	snop  }
0x136: {  	v17 =	vadd.f32 v21, v17;
	v16 =	vadd.f32 v16, v18;
	_ =	sdelay $0x1  }
0x137: {  	v17 =	vsub.f32 v17, v19;
	v16 =	vsub.f32 v16, v20;
	_ =	sdelay $0x1  }
0x138: {  	v17 =	vmul.f32 v17, v17;
	v16 =	vmul.f32 v16, v16;
	_ =	sdelay $0x1  }
0x139: {  	v16 =	vadd.f32 v16, v17;
	_ =	sdelay $0x1  }
0x13a: {  	[tilespmem:s25+$0x0] =	vst v16  }
0x13b: {  	_ =	swait.ge [sflag:s20], $0x1000  }
0x13c: {  	[sflag:s20] =	ssyncset.done $0x0  }
0x13d: {  	[sflag:s20] =	ssyncadd.s32 $0xFFFFF000  }
0x13e: {  	_ =	swait.ge [sflag:s20], $0x1000  }
0x13f: {  	[sflag:s20] =	ssyncset.done $0x0  }
0x140: {  	[sflag:s20] =	ssyncadd.s32 $0xFFFFF000  }
0x141: {  	_ =	swait.ge [sflag:s20], $0x1000  }
0x142: {  	[sflag:s20] =	ssyncset.done $0x0  }
0x143: {  	s7 =	simm.s32 $0x2670;
	[sflag:s20] =	ssyncadd.s32 $0xFFFFF000  }
0x144: {  	v16 =	vld [tilespmem:s7+$0xFFFFFF90]  }
0x145: {  	s5 =	simm.s32 $0x6670;
	v17 =	vld [tilespmem:s7+$0xFFFFFFA0]  }
0x146: {  	v18 =	vld [tilespmem:s5+$0xFFFFFFA0]  }
0x147: {  	s6 =	simm.s32 $0xA670;
	v19 =	vld [tilespmem:s5+$0xFFFFFF90]  }
0x148: {  	v20 =	vld [tilespmem:s6+$0xFFFFFFA0]  }
0x149: {  	v21 =	vld [tilespmem:s6+$0xFFFFFF90];
	_ =	sdelay $0x2  }
0x14a: {  	v17 =	vadd.f32 v18, v17;
	v16 =	vadd.f32 v19, v16;
	_ =	sdelay $0x1  }
0x14b: {  	v17 =	vsub.f32 v17, v20;
	v16 =	vsub.f32 v16, v21;
	_ =	sdelay $0x1  }
0x14c: {  	v16 =	vmul.f32 v16, v16;
	v17 =	vmul.f32 v17, v17;
	_ =	sdelay $0x1  }
0x14d: {  	v16 =	vadd.f32 v17, v16  }
0x14e: {  	s25 =	simm.s32 $0xD630  }
0x14f: {  	[tilespmem:s25+$0xFFFFFFD0] =	vst v16  }
0x150: {  	v16 =	vld [tilespmem:s5+$0xFFFFFFC0]  }
0x151: {  	v17 =	vld [tilespmem:s7+$0xFFFFFFB0]  }
0x152: {  	v18 =	vld [tilespmem:s7+$0xFFFFFFC0]  }
0x153: {  	v19 =	vld [tilespmem:s5+$0xFFFFFFB0]  }
0x154: {  	v20 =	vld [tilespmem:s6+$0xFFFFFFC0]  }
0x155: {  	v21 =	vld [tilespmem:s6+$0xFFFFFFB0];
	_ =	sdelay $0x2  }
0x156: {  	v16 =	vadd.f32 v16, v18;
	v17 =	vadd.f32 v19, v17;
	_ =	sdelay $0x1  }
0x157: {  	v16 =	vsub.f32 v16, v20;
	v17 =	vsub.f32 v17, v21;
	_ =	sdelay $0x1  }
0x158: {  	v16 =	vmul.f32 v16, v16;
	v17 =	vmul.f32 v17, v17;
	_ =	sdelay $0x1  }
0x159: {  	v16 =	vadd.f32 v16, v17;
	_ =	sdelay $0x1  }
0x15a: {  	[tilespmem:s25+$0xFFFFFFE0] =	vst v16  }
0x15b: {  	v16 =	vld [tilespmem:s7+$0xFFFFFFD0]  }
0x15c: {  	v17 =	vld [tilespmem:s5+$0xFFFFFFE0]  }
0x15d: {  	v18 =	vld [tilespmem:s5+$0xFFFFFFD0]  }
0x15e: {  	v19 =	vld [tilespmem:s7+$0xFFFFFFE0]  }
0x15f: {  	v20 =	vld [tilespmem:s6+$0xFFFFFFD0]  }
0x160: {  	v21 =	vld [tilespmem:s6+$0xFFFFFFE0];
	_ =	sdelay $0x2  }
0x161: {  	v16 =	vadd.f32 v18, v16;
	v17 =	vadd.f32 v17, v19;
	_ =	sdelay $0x1  }
0x162: {  	v16 =	vsub.f32 v16, v20;
	v17 =	vsub.f32 v17, v21;
	_ =	sdelay $0x1  }
0x163: {  	v16 =	vmul.f32 v16, v16;
	v17 =	vmul.f32 v17, v17;
	_ =	sdelay $0x1  }
0x164: {  	v16 =	vadd.f32 v17, v16;
	_ =	sdelay $0x1  }
0x165: {  	[tilespmem:s25+$0xFFFFFFF0] =	vst v16  }
0x166: {  	v17 =	vld [tilespmem:s7+$0xFFFFFFF0]  }
0x167: {  	v16 =	vld [tilespmem:s5+$0x0]  }
0x168: {  	v21 =	vld [tilespmem:s5+$0xFFFFFFF0]  }
0x169: {  	v18 =	vld [tilespmem:s7+$0x0]  }
0x16a: {  	v19 =	vld [tilespmem:s6+$0xFFFFFFF0]  }
0x16b: {  	v20 =	vld [tilespmem:s6+$0x0]  }
0x16c: {  	s26 =	simm.s32 $0x0;
	s28 =	simm.s32 $0xD670;
	s7 =	simm.s32 $0x26F0  }
.LBB2_6:
0x16d: {  	s26 =	sadd.s32 $0x4, s26;
	v17 =	vadd.f32 v21, v17;
	s6 =	sadd.s32 $0x80, s6;
	s5 =	sadd.s32 $0x80, s5  }
0x16e: {  	p0 =	slt.u32 s26, $0x7C;
	v16 =	vadd.f32 v16, v18  }
0x16f: {  	v17 =	vsub.f32 v17, v19  }
0x170: {  	v16 =	vsub.f32 v16, v20  }
0x171: {  	v17 =	vmul.f32 v17, v17  }
0x172: {  	v16 =	vmul.f32 v16, v16;
	_ =	sdelay $0x1  }
0x173: {  	v16 =	vadd.f32 v16, v17;
	_ =	sdelay $0x1  }
0x174: {  	[tilespmem:s25+$0x0] =	vst v16;
	s25 =	smov.u32 s28  }
0x175: {  	v16 =	vld [tilespmem:s7+$0xFFFFFF90]  }
0x176: {  	v17 =	vld [tilespmem:s7+$0xFFFFFFA0]  }
0x177: {  	v18 =	vld [tilespmem:s5+$0xFFFFFFA0]  }
0x178: {  	v19 =	vld [tilespmem:s5+$0xFFFFFF90]  }
0x179: {  	v20 =	vld [tilespmem:s6+$0xFFFFFFA0]  }
0x17a: {  	v21 =	vld [tilespmem:s6+$0xFFFFFF90];
	_ =	sdelay $0x1  }
0x17b: {  	v17 =	vadd.f32 v18, v17  }
0x17c: {  	v16 =	vadd.f32 v19, v16  }
0x17d: {  	v17 =	vsub.f32 v17, v20  }
0x17e: {  	v16 =	vsub.f32 v16, v21;
	_ =	sdelay $0x1  }
0x17f: {  	v17 =	vmul.f32 v17, v17;
	v16 =	vmul.f32 v16, v16;
	_ =	sdelay $0x1  }
0x180: {  	v16 =	vadd.f32 v17, v16;
	_ =	sdelay $0x1  }
0x181: {  	[tilespmem:s28+$0xFFFFFFD0] =	vst v16  }
0x182: {  	v16 =	vld [tilespmem:s5+$0xFFFFFFC0]  }
0x183: {  	v17 =	vld [tilespmem:s7+$0xFFFFFFB0]  }
0x184: {  	v18 =	vld [tilespmem:s7+$0xFFFFFFC0]  }
0x185: {  	v19 =	vld [tilespmem:s5+$0xFFFFFFB0]  }
0x186: {  	v20 =	vld [tilespmem:s6+$0xFFFFFFC0]  }
0x187: {  	v21 =	vld [tilespmem:s6+$0xFFFFFFB0];
	_ =	sdelay $0x1  }
0x188: {  	v16 =	vadd.f32 v16, v18  }
0x189: {  	v17 =	vadd.f32 v19, v17  }
0x18a: {  	v16 =	vsub.f32 v16, v20  }
0x18b: {  	v17 =	vsub.f32 v17, v21  }
0x18c: {  	v16 =	vmul.f32 v16, v16  }
0x18d: {  	v17 =	vmul.f32 v17, v17;
	_ =	sdelay $0x1  }
0x18e: {  	v16 =	vadd.f32 v16, v17;
	_ =	sdelay $0x1  }
0x18f: {  	[tilespmem:s28+$0xFFFFFFE0] =	vst v16  }
0x190: {  	v16 =	vld [tilespmem:s7+$0xFFFFFFD0]  }
0x191: {  	v17 =	vld [tilespmem:s5+$0xFFFFFFE0]  }
0x192: {  	v18 =	vld [tilespmem:s5+$0xFFFFFFD0]  }
0x193: {  	v19 =	vld [tilespmem:s7+$0xFFFFFFE0]  }
0x194: {  	v20 =	vld [tilespmem:s6+$0xFFFFFFD0]  }
0x195: {  	v21 =	vld [tilespmem:s6+$0xFFFFFFE0];
	_ =	sdelay $0x1  }
0x196: {  	v16 =	vadd.f32 v18, v16  }
0x197: {  	v17 =	vadd.f32 v17, v19  }
0x198: {  	v16 =	vsub.f32 v16, v20  }
0x199: {  	v17 =	vsub.f32 v17, v21;
	_ =	sdelay $0x1  }
0x19a: {  	v16 =	vmul.f32 v16, v16;
	v17 =	vmul.f32 v17, v17;
	_ =	sdelay $0x1  }
0x19b: {  	v16 =	vadd.f32 v17, v16;
	_ =	sdelay $0x1  }
0x19c: {  	[tilespmem:s28+$0xFFFFFFF0] =	vst v16  }
0x19d: {  	v17 =	vld [tilespmem:s7+$0xFFFFFFF0]  }
0x19e: {  	v16 =	vld [tilespmem:s5+$0x0]  }
.Ltmp2:
0x19f: {  	v21 =	vld [tilespmem:s5+$0xFFFFFFF0];
	(pc) =	sbr.rel @p0 .LBB2_6-.Ltmp2, $4  }
0x1a0: {  	v18 =	vld [tilespmem:s7+$0x0]  }
0x1a1: {  	v19 =	vld [tilespmem:s6+$0xFFFFFFF0]  }
0x1a2: {  	v20 =	vld [tilespmem:s6+$0x0]  }
0x1a3: {  	s28 =	sadd.s32 $0x40, s28;
	s7 =	sadd.s32 $0x80, s7  }
0x1a4: {  	_ = 	snop  }
0x1a5: {  	v17 =	vadd.f32 v21, v17;
	v16 =	vadd.f32 v16, v18;
	_ =	sdelay $0x1  }
0x1a6: {  	v17 =	vsub.f32 v17, v19;
	v16 =	vsub.f32 v16, v20;
	_ =	sdelay $0x1  }
0x1a7: {  	v17 =	vmul.f32 v17, v17;
	v16 =	vmul.f32 v16, v16;
	_ =	sdelay $0x1  }
0x1a8: {  	v16 =	vadd.f32 v16, v17;
	_ =	sdelay $0x1  }
0x1a9: {  	[tilespmem:s25+$0x0] =	vst v16  }
0x1aa: {  	_ =	swait.ge [sflag:s21], $0x1000  }
0x1ab: {  	[sflag:s21] =	ssyncset.done $0x0  }
0x1ac: {  	[sflag:s21] =	ssyncadd.s32 $0xFFFFF000  }
0x1ad: {  	_ =	swait.ge [sflag:s21], $0x1000  }
0x1ae: {  	[sflag:s21] =	ssyncset.done $0x0  }
0x1af: {  	[sflag:s21] =	ssyncadd.s32 $0xFFFFF000  }
0x1b0: {  	_ =	swait.ge [sflag:s21], $0x1000  }
0x1b1: {  	[sflag:s21] =	ssyncset.done $0x0  }
0x1b2: {  	s7 =	simm.s32 $0x3670;
	[sflag:s21] =	ssyncadd.s32 $0xFFFFF000  }
0x1b3: {  	s5 =	simm.s32 $0x7670;
	v16 =	vld [tilespmem:s7+$0xFFFFFF90]  }
0x1b4: {  	v17 =	vld [tilespmem:s5+$0xFFFFFFA0]  }
0x1b5: {  	v18 =	vld [tilespmem:s7+$0xFFFFFFA0]  }
0x1b6: {  	s26 =	simm.s32 $0xB670;
	v19 =	vld [tilespmem:s5+$0xFFFFFF90]  }
0x1b7: {  	v20 =	vld [tilespmem:s26+$0xFFFFFFA0]  }
0x1b8: {  	v21 =	vld [tilespmem:s26+$0xFFFFFF90];
	_ =	sdelay $0x2  }
0x1b9: {  	v17 =	vadd.f32 v17, v18;
	v16 =	vadd.f32 v19, v16;
	_ =	sdelay $0x1  }
0x1ba: {  	v16 =	vsub.f32 v16, v21;
	v17 =	vsub.f32 v17, v20;
	_ =	sdelay $0x1  }
0x1bb: {  	v16 =	vmul.f32 v16, v16;
	v17 =	vmul.f32 v17, v17;
	_ =	sdelay $0x1  }
0x1bc: {  	v16 =	vadd.f32 v17, v16  }
0x1bd: {  	s6 =	simm.s32 $0xDE30  }
0x1be: {  	[tilespmem:s6+$0xFFFFFFD0] =	vst v16  }
0x1bf: {  	v16 =	vld [tilespmem:s5+$0xFFFFFFC0]  }
0x1c0: {  	v17 =	vld [tilespmem:s7+$0xFFFFFFB0]  }
0x1c1: {  	v18 =	vld [tilespmem:s7+$0xFFFFFFC0]  }
0x1c2: {  	v19 =	vld [tilespmem:s5+$0xFFFFFFB0]  }
0x1c3: {  	v20 =	vld [tilespmem:s26+$0xFFFFFFC0]  }
0x1c4: {  	v21 =	vld [tilespmem:s26+$0xFFFFFFB0];
	_ =	sdelay $0x2  }
0x1c5: {  	v16 =	vadd.f32 v16, v18;
	v17 =	vadd.f32 v19, v17;
	_ =	sdelay $0x1  }
0x1c6: {  	v16 =	vsub.f32 v16, v20;
	v17 =	vsub.f32 v17, v21;
	_ =	sdelay $0x1  }
0x1c7: {  	v16 =	vmul.f32 v16, v16;
	v17 =	vmul.f32 v17, v17;
	_ =	sdelay $0x1  }
0x1c8: {  	v16 =	vadd.f32 v16, v17;
	_ =	sdelay $0x1  }
0x1c9: {  	[tilespmem:s6+$0xFFFFFFE0] =	vst v16  }
0x1ca: {  	v16 =	vld [tilespmem:s5+$0xFFFFFFE0]  }
0x1cb: {  	v17 =	vld [tilespmem:s7+$0xFFFFFFD0]  }
0x1cc: {  	v18 =	vld [tilespmem:s5+$0xFFFFFFD0]  }
0x1cd: {  	v19 =	vld [tilespmem:s7+$0xFFFFFFE0]  }
0x1ce: {  	v20 =	vld [tilespmem:s26+$0xFFFFFFD0]  }
0x1cf: {  	v21 =	vld [tilespmem:s26+$0xFFFFFFE0];
	_ =	sdelay $0x2  }
0x1d0: {  	v17 =	vadd.f32 v18, v17;
	v16 =	vadd.f32 v16, v19;
	_ =	sdelay $0x1  }
0x1d1: {  	v17 =	vsub.f32 v17, v20;
	v16 =	vsub.f32 v16, v21;
	_ =	sdelay $0x1  }
0x1d2: {  	v17 =	vmul.f32 v17, v17;
	v16 =	vmul.f32 v16, v16;
	_ =	sdelay $0x1  }
0x1d3: {  	v16 =	vadd.f32 v16, v17;
	_ =	sdelay $0x1  }
0x1d4: {  	[tilespmem:s6+$0xFFFFFFF0] =	vst v16  }
0x1d5: {  	v16 =	vld [tilespmem:s7+$0xFFFFFFF0]  }
0x1d6: {  	v18 =	vld [tilespmem:s7+$0x0]  }
0x1d7: {  	v20 =	vld [tilespmem:s5+$0x0]  }
0x1d8: {  	v21 =	vld [tilespmem:s5+$0xFFFFFFF0]  }
0x1d9: {  	s28 =	simm.s32 $0x0;
	v17 =	vld [tilespmem:s26+$0x0]  }
0x1da: {  	s29 =	simm.s32 $0xDE70;
	s25 =	simm.s32 $0xE610;
	v19 =	vld [tilespmem:s26+$0xFFFFFFF0];
	s7 =	simm.s32 $0x36F0  }
.LBB2_8:
0x1db: {  	s28 =	sadd.s32 $0x4, s28;
	s26 =	sadd.s32 $0x80, s26;
	s5 =	sadd.s32 $0x80, s5  }
0x1dc: {  	p0 =	slt.u32 s28, $0x7C;
	v18 =	vadd.f32 v20, v18  }
0x1dd: {  	v16 =	vadd.f32 v21, v16  }
0x1de: {  	v17 =	vsub.f32 v18, v17  }
0x1df: {  	v16 =	vsub.f32 v16, v19  }
0x1e0: {  	v17 =	vmul.f32 v17, v17  }
0x1e1: {  	v16 =	vmul.f32 v16, v16;
	_ =	sdelay $0x1  }
0x1e2: {  	v16 =	vadd.f32 v17, v16;
	_ =	sdelay $0x1  }
0x1e3: {  	[tilespmem:s6+$0x0] =	vst v16;
	s6 =	smov.u32 s29  }
0x1e4: {  	v16 =	vld [tilespmem:s7+$0xFFFFFF90]  }
0x1e5: {  	v17 =	vld [tilespmem:s5+$0xFFFFFFA0]  }
0x1e6: {  	v18 =	vld [tilespmem:s7+$0xFFFFFFA0]  }
0x1e7: {  	v19 =	vld [tilespmem:s5+$0xFFFFFF90]  }
0x1e8: {  	v20 =	vld [tilespmem:s26+$0xFFFFFFA0]  }
0x1e9: {  	v21 =	vld [tilespmem:s26+$0xFFFFFF90];
	_ =	sdelay $0x1  }
0x1ea: {  	v17 =	vadd.f32 v17, v18  }
0x1eb: {  	v16 =	vadd.f32 v19, v16;
	_ =	sdelay $0x1  }
0x1ec: {  	v17 =	vsub.f32 v17, v20;
	v16 =	vsub.f32 v16, v21;
	_ =	sdelay $0x1  }
0x1ed: {  	v17 =	vmul.f32 v17, v17;
	v16 =	vmul.f32 v16, v16;
	_ =	sdelay $0x1  }
0x1ee: {  	v16 =	vadd.f32 v17, v16;
	_ =	sdelay $0x1  }
0x1ef: {  	[tilespmem:s29+$0xFFFFFFD0] =	vst v16  }
0x1f0: {  	v16 =	vld [tilespmem:s5+$0xFFFFFFC0]  }
0x1f1: {  	v17 =	vld [tilespmem:s7+$0xFFFFFFB0]  }
0x1f2: {  	v18 =	vld [tilespmem:s7+$0xFFFFFFC0]  }
0x1f3: {  	v19 =	vld [tilespmem:s5+$0xFFFFFFB0]  }
0x1f4: {  	v20 =	vld [tilespmem:s26+$0xFFFFFFC0]  }
0x1f5: {  	v21 =	vld [tilespmem:s26+$0xFFFFFFB0];
	_ =	sdelay $0x1  }
0x1f6: {  	v16 =	vadd.f32 v16, v18  }
0x1f7: {  	v17 =	vadd.f32 v19, v17  }
0x1f8: {  	v16 =	vsub.f32 v16, v20  }
0x1f9: {  	v17 =	vsub.f32 v17, v21  }
0x1fa: {  	v16 =	vmul.f32 v16, v16  }
0x1fb: {  	v17 =	vmul.f32 v17, v17;
	_ =	sdelay $0x1  }
0x1fc: {  	v16 =	vadd.f32 v16, v17;
	_ =	sdelay $0x1  }
0x1fd: {  	[tilespmem:s29+$0xFFFFFFE0] =	vst v16  }
0x1fe: {  	v16 =	vld [tilespmem:s5+$0xFFFFFFE0]  }
0x1ff: {  	v17 =	vld [tilespmem:s7+$0xFFFFFFD0]  }
0x200: {  	v18 =	vld [tilespmem:s5+$0xFFFFFFD0]  }
0x201: {  	v19 =	vld [tilespmem:s7+$0xFFFFFFE0]  }
0x202: {  	v20 =	vld [tilespmem:s26+$0xFFFFFFD0]  }
0x203: {  	v21 =	vld [tilespmem:s26+$0xFFFFFFE0];
	_ =	sdelay $0x1  }
0x204: {  	v17 =	vadd.f32 v18, v17  }
0x205: {  	v16 =	vadd.f32 v16, v19  }
0x206: {  	v17 =	vsub.f32 v17, v20  }
0x207: {  	v16 =	vsub.f32 v16, v21;
	_ =	sdelay $0x1  }
0x208: {  	v17 =	vmul.f32 v17, v17;
	v16 =	vmul.f32 v16, v16;
	_ =	sdelay $0x1  }
0x209: {  	v16 =	vadd.f32 v16, v17;
	_ =	sdelay $0x1  }
0x20a: {  	[tilespmem:s29+$0xFFFFFFF0] =	vst v16  }
0x20b: {  	v16 =	vld [tilespmem:s7+$0xFFFFFFF0]  }
0x20c: {  	v17 =	vld [tilespmem:s26+$0x0]  }
.Ltmp3:
0x20d: {  	v18 =	vld [tilespmem:s7+$0x0];
	(pc) =	sbr.rel @p0 .LBB2_8-.Ltmp3, $4  }
0x20e: {  	v20 =	vld [tilespmem:s5+$0x0]  }
0x20f: {  	v21 =	vld [tilespmem:s5+$0xFFFFFFF0]  }
0x210: {  	s8 =	simm.s32 $0x100;
	v19 =	vld [tilespmem:s26+$0xFFFFFFF0]  }
0x211: {  	s29 =	sadd.s32 $0x40, s29;
	s7 =	sadd.s32 $0x80, s7  }
0x212: {  	_ =	sdelay $0x1  }
0x213: {  	v18 =	vadd.f32 v20, v18;
	v16 =	vadd.f32 v21, v16;
	_ =	sdelay $0x1  }
0x214: {  	v17 =	vsub.f32 v18, v17;
	v16 =	vsub.f32 v16, v19  }
0x215: {  	s5 =	simm.s32 $0x0  }
0x216: {  	v18 =	vor.u32 s5, v0;
	v17 =	vmul.f32 v17, v17;
	v16 =	vmul.f32 v16, v16  }
0x217: {  	v19 =	vor.u32 s5, v1  }
0x218: {  	v16 =	vadd.f32 v17, v16  }
0x219: {  	v17 =	vor.u32 s5, v2  }
0x21a: {  	[tilespmem:s6+$0x0] =	vst v16  }
0x21b: {  	v16 =	vld.idx.msk [tilespmem:v18+s23+$0x0], $0xffff;
	v18 =	vor.u32 s5, v3  }
0x21c: {  	v19 =	vld.idx.msk [tilespmem:v19+s23+$0x0], $0xffff  }
0x21d: {  	v20 =	vor.u32 s5, v4  }
0x21e: {  	v17 =	vld.idx.msk [tilespmem:v17+s23+$0x0], $0xffff  }
0x21f: {  	v49 =	vor.u32 s5, v5  }
0x220: {  	v18 =	vld.idx.msk [tilespmem:v18+s23+$0x0], $0xffff  }
0x221: {  	v22 =	vor.u32 s5, v6;
	v16 =	vadd.f32 v19, v16  }
0x222: {  	v19 =	vld.idx.msk [tilespmem:v20+s23+$0x0], $0xffff  }
0x223: {  	v20 =	vor.u32 s5, v7;
	v16 =	vadd.f32 v17, v16  }
0x224: {  	v17 =	vld.idx.msk [tilespmem:v49+s23+$0x0], $0xffff  }
0x225: {  	v50 =	vor.u32 s5, v8;
	v16 =	vadd.f32 v18, v16  }
0x226: {  	v18 =	vld.idx.msk [tilespmem:v22+s23+$0x0], $0xffff  }
0x227: {  	v51 =	vor.u32 s5, v9;
	v16 =	vadd.f32 v19, v16  }
0x228: {  	v19 =	vld.idx.msk [tilespmem:v20+s23+$0x0], $0xffff  }
0x229: {  	v20 =	vor.u32 s5, v10;
	v16 =	vadd.f32 v17, v16  }
0x22a: {  	v17 =	vld.idx.msk [tilespmem:v50+s23+$0x0], $0xffff  }
0x22b: {  	v52 =	vor.u32 s5, v11;
	v16 =	vadd.f32 v18, v16  }
0x22c: {  	v18 =	vld.idx.msk [tilespmem:v51+s23+$0x0], $0xffff  }
0x22d: {  	v53 =	vor.u32 s5, v12;
	v16 =	vadd.f32 v19, v16  }
0x22e: {  	v19 =	vld.idx.msk [tilespmem:v20+s23+$0x0], $0xffff  }
0x22f: {  	v20 =	vor.u32 s5, v13;
	v16 =	vadd.f32 v17, v16  }
0x230: {  	v17 =	vld.idx.msk [tilespmem:v52+s23+$0x0], $0xffff  }
0x231: {  	v54 =	vor.u32 s5, v14;
	v16 =	vadd.f32 v18, v16  }
0x232: {  	v18 =	vld.idx.msk [tilespmem:v53+s23+$0x0], $0xffff  }
0x233: {  	v55 =	vor.u32 s5, v15;
	v16 =	vadd.f32 v19, v16  }
0x234: {  	v19 =	vld.idx.msk [tilespmem:v20+s23+$0x0], $0xffff  }
0x235: {  	v16 =	vadd.f32 v17, v16  }
0x236: {  	v17 =	vld.idx.msk [tilespmem:v54+s23+$0x0], $0xffff  }
0x237: {  	v16 =	vadd.f32 v18, v16  }
0x238: {  	v18 =	vld.idx.msk [tilespmem:v55+s23+$0x0], $0xffff  }
0x239: {  	v16 =	vadd.f32 v19, v16;
	_ =	sdelay $0x1  }
0x23a: {  	v16 =	vadd.f32 v17, v16;
	_ =	sdelay $0x1  }
0x23b: {  	v16 =	vadd.f32 v18, v16;
	_ =	sdelay $0x1  }
0x23c: {  	v17 =	vshra.s32 v16, $0x1;
	v18 =	vmul.f32 $5.000000000e-01, v16  }
0x23d: {  	v17 =	vsub.s32 $0x5F3759DF, v17  }
0x23e: {  	v19 =	vmul.f32 v17, v18;
	_ =	sdelay $0x1  }
0x23f: {  	v19 =	vmul.f32 v17, v19;
	_ =	sdelay $0x1  }
0x240: {  	v19 =	vsub.f32 $1.500000000e+00, v19;
	_ =	sdelay $0x1  }
0x241: {  	v17 =	vmul.f32 v17, v19;
	_ =	sdelay $0x1  }
0x242: {  	v19 =	vmul.f32 v17, v18;
	_ =	sdelay $0x1  }
0x243: {  	v19 =	vmul.f32 v19, v17;
	_ =	sdelay $0x1  }
0x244: {  	v19 =	vsub.f32 $1.500000000e+00, v19;
	_ =	sdelay $0x1  }
0x245: {  	v17 =	vmul.f32 v19, v17;
	_ =	sdelay $0x1  }
0x246: {  	v19 =	vmul.f32 v17, v18;
	_ =	sdelay $0x1  }
0x247: {  	v19 =	vmul.f32 v19, v17;
	_ =	sdelay $0x1  }
0x248: {  	v19 =	vsub.f32 $1.500000000e+00, v19;
	_ =	sdelay $0x1  }
0x249: {  	v17 =	vmul.f32 v19, v17;
	_ =	sdelay $0x1  }
0x24a: {  	v18 =	vmul.f32 v17, v18;
	_ =	sdelay $0x1  }
0x24b: {  	v18 =	vmul.f32 v18, v17;
	_ =	sdelay $0x1  }
0x24c: {  	v18 =	vsub.f32 $1.500000000e+00, v18;
	_ =	sdelay $0x1  }
0x24d: {  	v17 =	vmul.f32 v18, v17;
	v18 =	vor.u32 s8, v0  }
0x24e: {  	v19 =	vor.u32 s8, v1  }
0x24f: {  	v16 =	vmul.f32 v17, v16  }
0x250: {  	v17 =	vor.u32 s8, v2  }
0x251: {  	[tilespmem:s25+$0xFFFFFFF0] =	vst v16  }
0x252: {  	v16 =	vor.u32 s8, v3;
	v18 =	vld.idx.msk [tilespmem:v18+s23+$0x0], $0xffff  }
0x253: {  	v19 =	vld.idx.msk [tilespmem:v19+s23+$0x0], $0xffff  }
0x254: {  	v20 =	vor.u32 s8, v4  }
0x255: {  	v17 =	vld.idx.msk [tilespmem:v17+s23+$0x0], $0xffff  }
0x256: {  	v56 =	vor.u32 s8, v5  }
0x257: {  	v16 =	vld.idx.msk [tilespmem:v16+s23+$0x0], $0xffff  }
0x258: {  	v57 =	vor.u32 s8, v6;
	v18 =	vadd.f32 v19, v18  }
0x259: {  	v19 =	vld.idx.msk [tilespmem:v20+s23+$0x0], $0xffff  }
0x25a: {  	v20 =	vor.u32 s8, v7;
	v17 =	vadd.f32 v17, v18  }
0x25b: {  	v18 =	vld.idx.msk [tilespmem:v56+s23+$0x0], $0xffff  }
0x25c: {  	v58 =	vor.u32 s8, v8;
	v16 =	vadd.f32 v16, v17  }
0x25d: {  	v17 =	vld.idx.msk [tilespmem:v57+s23+$0x0], $0xffff  }
0x25e: {  	v59 =	vor.u32 s8, v9;
	v16 =	vadd.f32 v19, v16  }
0x25f: {  	v19 =	vld.idx.msk [tilespmem:v20+s23+$0x0], $0xffff  }
0x260: {  	v20 =	vor.u32 s8, v10;
	v16 =	vadd.f32 v18, v16  }
0x261: {  	v18 =	vld.idx.msk [tilespmem:v58+s23+$0x0], $0xffff  }
0x262: {  	v60 =	vor.u32 s8, v11;
	v16 =	vadd.f32 v17, v16  }
0x263: {  	v17 =	vld.idx.msk [tilespmem:v59+s23+$0x0], $0xffff  }
0x264: {  	v61 =	vor.u32 s8, v12;
	v16 =	vadd.f32 v19, v16  }
0x265: {  	v19 =	vld.idx.msk [tilespmem:v20+s23+$0x0], $0xffff  }
0x266: {  	v20 =	vor.u32 s8, v13;
	v16 =	vadd.f32 v18, v16  }
0x267: {  	v18 =	vld.idx.msk [tilespmem:v60+s23+$0x0], $0xffff  }
0x268: {  	v62 =	vor.u32 s8, v14;
	v16 =	vadd.f32 v17, v16  }
0x269: {  	v17 =	vld.idx.msk [tilespmem:v61+s23+$0x0], $0xffff  }
0x26a: {  	v63 =	vor.u32 s8, v15;
	v16 =	vadd.f32 v19, v16  }
0x26b: {  	v19 =	vld.idx.msk [tilespmem:v20+s23+$0x0], $0xffff  }
0x26c: {  	v16 =	vadd.f32 v18, v16  }
0x26d: {  	v18 =	vld.idx.msk [tilespmem:v62+s23+$0x0], $0xffff  }
0x26e: {  	v16 =	vadd.f32 v17, v16  }
0x26f: {  	v17 =	vld.idx.msk [tilespmem:v63+s23+$0x0], $0xffff  }
0x270: {  	v16 =	vadd.f32 v19, v16;
	_ =	sdelay $0x1  }
0x271: {  	v16 =	vadd.f32 v18, v16;
	_ =	sdelay $0x1  }
0x272: {  	v16 =	vadd.f32 v17, v16;
	_ =	sdelay $0x1  }
0x273: {  	v17 =	vshra.s32 v16, $0x1;
	v18 =	vmul.f32 $5.000000000e-01, v16  }
0x274: {  	v17 =	vsub.s32 $0x5F3759DF, v17  }
0x275: {  	v19 =	vmul.f32 v17, v18;
	_ =	sdelay $0x1  }
0x276: {  	v19 =	vmul.f32 v17, v19;
	_ =	sdelay $0x1  }
0x277: {  	v19 =	vsub.f32 $1.500000000e+00, v19;
	_ =	sdelay $0x1  }
0x278: {  	v17 =	vmul.f32 v17, v19;
	_ =	sdelay $0x1  }
0x279: {  	v19 =	vmul.f32 v17, v18;
	_ =	sdelay $0x1  }
0x27a: {  	v19 =	vmul.f32 v19, v17;
	_ =	sdelay $0x1  }
0x27b: {  	v19 =	vsub.f32 $1.500000000e+00, v19;
	_ =	sdelay $0x1  }
0x27c: {  	v17 =	vmul.f32 v19, v17;
	_ =	sdelay $0x1  }
0x27d: {  	v19 =	vmul.f32 v17, v18;
	_ =	sdelay $0x1  }
0x27e: {  	v19 =	vmul.f32 v19, v17;
	_ =	sdelay $0x1  }
0x27f: {  	v19 =	vsub.f32 $1.500000000e+00, v19;
	_ =	sdelay $0x1  }
0x280: {  	v19 =	vmul.f32 v19, v17;
	_ =	sdelay $0x1  }
0x281: {  	v17 =	vmul.f32 v19, v18;
	_ =	sdelay $0x1  }
0x282: {  	v17 =	vmul.f32 v17, v19;
	_ =	sdelay $0x1  }
0x283: {  	v20 =	vsub.f32 $1.500000000e+00, v17  }
0x284: {  	s7 =	simm.s32 $0x200  }
0x285: {  	s26 =	simm.s32 $0xE610;
	s6 =	simm.s32 $0x2;
	s5 =	simm.s32 $0x300;
	v18 =	vor.u32 s7, v0;
	v17 =	vor.u32 s7, v1;
	v19 =	vmul.f32 v20, v19  }
.LBB2_10:
0x286: {  	s6 =	sadd.s32 $0x2, s6;
	s25 =	sadd.s32 $0x20, s25  }
0x287: {  	p0 =	slt.u32 s6, $0x1E;
	v16 =	vmul.f32 v19, v16  }
0x288: {  	v19 =	vor.u32 s7, v2  }
0x289: {  	[tilespmem:s26+$0x0] =	vst v16;
	s26 =	smov.u32 s25  }
0x28a: {  	v16 =	vld.idx.msk [tilespmem:v18+s23+$0x0], $0xffff;
	v18 =	vor.u32 s7, v3  }
0x28b: {  	v17 =	vld.idx.msk [tilespmem:v17+s23+$0x0], $0xffff  }
0x28c: {  	v20 =	vor.u32 s7, v4  }
0x28d: {  	v19 =	vld.idx.msk [tilespmem:v19+s23+$0x0], $0xffff  }
0x28e: {  	v21 =	vor.u32 s7, v5  }
0x28f: {  	v18 =	vld.idx.msk [tilespmem:v18+s23+$0x0], $0xffff  }
0x290: {  	v22 =	vor.u32 s7, v6  }
0x291: {  	v16 =	vadd.f32 v17, v16;
	v17 =	vld.idx.msk [tilespmem:v20+s23+$0x0], $0xffff  }
0x292: {  	v20 =	vor.u32 s7, v7  }
0x293: {  	v16 =	vadd.f32 v19, v16;
	v19 =	vld.idx.msk [tilespmem:v21+s23+$0x0], $0xffff  }
0x294: {  	v21 =	vor.u32 s7, v8  }
0x295: {  	v16 =	vadd.f32 v18, v16;
	v18 =	vld.idx.msk [tilespmem:v22+s23+$0x0], $0xffff  }
0x296: {  	v22 =	vor.u32 s7, v9  }
0x297: {  	v16 =	vadd.f32 v17, v16;
	v17 =	vld.idx.msk [tilespmem:v20+s23+$0x0], $0xffff  }
0x298: {  	v20 =	vor.u32 s7, v10  }
0x299: {  	v16 =	vadd.f32 v19, v16;
	v19 =	vld.idx.msk [tilespmem:v21+s23+$0x0], $0xffff  }
0x29a: {  	v21 =	vor.u32 s7, v11  }
0x29b: {  	v16 =	vadd.f32 v18, v16;
	v18 =	vld.idx.msk [tilespmem:v22+s23+$0x0], $0xffff  }
0x29c: {  	v22 =	vor.u32 s7, v12  }
0x29d: {  	v16 =	vadd.f32 v17, v16;
	v17 =	vld.idx.msk [tilespmem:v20+s23+$0x0], $0xffff  }
0x29e: {  	v20 =	vor.u32 s7, v13  }
0x29f: {  	v16 =	vadd.f32 v19, v16;
	v19 =	vld.idx.msk [tilespmem:v21+s23+$0x0], $0xffff  }
0x2a0: {  	v21 =	vor.u32 s7, v14  }
0x2a1: {  	v16 =	vadd.f32 v18, v16;
	v18 =	vld.idx.msk [tilespmem:v22+s23+$0x0], $0xffff  }
0x2a2: {  	v22 =	vor.u32 s7, v15  }
0x2a3: {  	v16 =	vadd.f32 v17, v16;
	v17 =	vld.idx.msk [tilespmem:v20+s23+$0x0], $0xffff;
	_ =	sdelay $0x1  }
0x2a4: {  	v16 =	vadd.f32 v19, v16;
	v19 =	vld.idx.msk [tilespmem:v21+s23+$0x0], $0xffff;
	_ =	sdelay $0x1  }
0x2a5: {  	v16 =	vadd.f32 v18, v16;
	v18 =	vld.idx.msk [tilespmem:v22+s23+$0x0], $0xffff;
	_ =	sdelay $0x1  }
0x2a6: {  	v16 =	vadd.f32 v17, v16;
	_ =	sdelay $0x1  }
0x2a7: {  	v16 =	vadd.f32 v19, v16;
	_ =	sdelay $0x1  }
0x2a8: {  	v16 =	vadd.f32 v18, v16;
	_ =	sdelay $0x1  }
0x2a9: {  	v17 =	vshra.s32 v16, $0x1;
	v18 =	vmul.f32 $5.000000000e-01, v16  }
0x2aa: {  	v17 =	vsub.s32 $0x5F3759DF, v17  }
0x2ab: {  	v19 =	vmul.f32 v17, v18;
	_ =	sdelay $0x1  }
0x2ac: {  	v19 =	vmul.f32 v17, v19;
	_ =	sdelay $0x1  }
0x2ad: {  	v19 =	vsub.f32 $1.500000000e+00, v19;
	_ =	sdelay $0x1  }
0x2ae: {  	v17 =	vmul.f32 v17, v19;
	_ =	sdelay $0x1  }
0x2af: {  	v19 =	vmul.f32 v17, v18;
	_ =	sdelay $0x1  }
0x2b0: {  	v19 =	vmul.f32 v19, v17;
	_ =	sdelay $0x1  }
0x2b1: {  	v19 =	vsub.f32 $1.500000000e+00, v19;
	_ =	sdelay $0x1  }
0x2b2: {  	v17 =	vmul.f32 v19, v17;
	_ =	sdelay $0x1  }
0x2b3: {  	v19 =	vmul.f32 v17, v18;
	_ =	sdelay $0x1  }
0x2b4: {  	v19 =	vmul.f32 v19, v17;
	_ =	sdelay $0x1  }
0x2b5: {  	v19 =	vsub.f32 $1.500000000e+00, v19;
	_ =	sdelay $0x1  }
0x2b6: {  	v17 =	vmul.f32 v19, v17;
	_ =	sdelay $0x1  }
0x2b7: {  	v18 =	vmul.f32 v17, v18;
	_ =	sdelay $0x1  }
0x2b8: {  	v18 =	vmul.f32 v18, v17;
	_ =	sdelay $0x1  }
0x2b9: {  	v18 =	vsub.f32 $1.500000000e+00, v18;
	_ =	sdelay $0x1  }
0x2ba: {  	v17 =	vmul.f32 v18, v17;
	v18 =	vor.u32 s5, v0  }
0x2bb: {  	v19 =	vor.u32 s5, v1  }
0x2bc: {  	v16 =	vmul.f32 v17, v16  }
0x2bd: {  	v17 =	vor.u32 s5, v2  }
0x2be: {  	[tilespmem:s25+$0xFFFFFFF0] =	vst v16;
	v16 =	vor.u32 s5, v3  }
0x2bf: {  	v18 =	vld.idx.msk [tilespmem:v18+s23+$0x0], $0xffff  }
0x2c0: {  	v20 =	vor.u32 s5, v4;
	v19 =	vld.idx.msk [tilespmem:v19+s23+$0x0], $0xffff;
	_ =	sdelay $0x1  }
0x2c1: {  	v21 =	vor.u32 s5, v5;
	v17 =	vld.idx.msk [tilespmem:v17+s23+$0x0], $0xffff  }
0x2c2: {  	v16 =	vld.idx.msk [tilespmem:v16+s23+$0x0], $0xffff  }
0x2c3: {  	v22 =	vor.u32 s5, v6  }
0x2c4: {  	v20 =	vld.idx.msk [tilespmem:v20+s23+$0x0], $0xffff  }
0x2c5: {  	v18 =	vadd.f32 v19, v18;
	v19 =	vor.u32 s5, v7  }
0x2c6: {  	v21 =	vld.idx.msk [tilespmem:v21+s23+$0x0], $0xffff  }
0x2c7: {  	v17 =	vadd.f32 v17, v18;
	v18 =	vor.u32 s5, v8  }
0x2c8: {  	v22 =	vld.idx.msk [tilespmem:v22+s23+$0x0], $0xffff  }
0x2c9: {  	v16 =	vadd.f32 v16, v17;
	v17 =	vor.u32 s5, v9  }
0x2ca: {  	v19 =	vld.idx.msk [tilespmem:v19+s23+$0x0], $0xffff  }
0x2cb: {  	v16 =	vadd.f32 v20, v16;
	v20 =	vor.u32 s5, v10  }
0x2cc: {  	v18 =	vld.idx.msk [tilespmem:v18+s23+$0x0], $0xffff  }
0x2cd: {  	v16 =	vadd.f32 v21, v16;
	v21 =	vor.u32 s5, v11  }
0x2ce: {  	v17 =	vld.idx.msk [tilespmem:v17+s23+$0x0], $0xffff  }
0x2cf: {  	v16 =	vadd.f32 v22, v16;
	v22 =	vor.u32 s5, v12  }
0x2d0: {  	v20 =	vld.idx.msk [tilespmem:v20+s23+$0x0], $0xffff  }
0x2d1: {  	v16 =	vadd.f32 v19, v16;
	v19 =	vor.u32 s5, v13  }
0x2d2: {  	v21 =	vld.idx.msk [tilespmem:v21+s23+$0x0], $0xffff  }
0x2d3: {  	v16 =	vadd.f32 v18, v16;
	v18 =	vor.u32 s5, v14  }
0x2d4: {  	v22 =	vld.idx.msk [tilespmem:v22+s23+$0x0], $0xffff  }
0x2d5: {  	v16 =	vadd.f32 v17, v16;
	v17 =	vor.u32 s5, v15  }
0x2d6: {  	v19 =	vld.idx.msk [tilespmem:v19+s23+$0x0], $0xffff  }
0x2d7: {  	v16 =	vadd.f32 v20, v16  }
0x2d8: {  	v18 =	vld.idx.msk [tilespmem:v18+s23+$0x0], $0xffff  }
0x2d9: {  	v16 =	vadd.f32 v21, v16  }
0x2da: {  	v17 =	vld.idx.msk [tilespmem:v17+s23+$0x0], $0xffff  }
0x2db: {  	v16 =	vadd.f32 v22, v16;
	_ =	sdelay $0x1  }
0x2dc: {  	v16 =	vadd.f32 v19, v16;
	_ =	sdelay $0x1  }
0x2dd: {  	v16 =	vadd.f32 v18, v16;
	_ =	sdelay $0x1  }
0x2de: {  	v16 =	vadd.f32 v17, v16;
	_ =	sdelay $0x1  }
0x2df: {  	v17 =	vshra.s32 v16, $0x1;
	v18 =	vmul.f32 $5.000000000e-01, v16  }
0x2e0: {  	v17 =	vsub.s32 $0x5F3759DF, v17  }
0x2e1: {  	v19 =	vmul.f32 v17, v18;
	_ =	sdelay $0x1  }
0x2e2: {  	v19 =	vmul.f32 v17, v19;
	_ =	sdelay $0x1  }
0x2e3: {  	v19 =	vsub.f32 $1.500000000e+00, v19;
	_ =	sdelay $0x1  }
0x2e4: {  	v17 =	vmul.f32 v17, v19;
	_ =	sdelay $0x1  }
0x2e5: {  	v19 =	vmul.f32 v17, v18;
	_ =	sdelay $0x1  }
0x2e6: {  	v19 =	vmul.f32 v19, v17;
	_ =	sdelay $0x1  }
0x2e7: {  	v19 =	vsub.f32 $1.500000000e+00, v19;
	_ =	sdelay $0x1  }
0x2e8: {  	v17 =	vmul.f32 v19, v17;
	_ =	sdelay $0x1  }
0x2e9: {  	v19 =	vmul.f32 v17, v18;
	_ =	sdelay $0x1  }
0x2ea: {  	v19 =	vmul.f32 v19, v17;
	_ =	sdelay $0x1  }
0x2eb: {  	v19 =	vsub.f32 $1.500000000e+00, v19;
	_ =	sdelay $0x1  }
0x2ec: {  	v19 =	vmul.f32 v19, v17;
	_ =	sdelay $0x1  }
0x2ed: {  	v17 =	vmul.f32 v19, v18;
	_ =	sdelay $0x1  }
.Ltmp4:
0x2ee: {  	v17 =	vmul.f32 v17, v19;
	(pc) =	sbr.rel @p0 .LBB2_10-.Ltmp4, $4  }
0x2ef: {  	s5 =	sadd.s32 $0x200, s5  }
0x2f0: {  	s7 =	sadd.s32 $0xFFFFFF00, s5;
	v20 =	vsub.f32 $1.500000000e+00, v17  }
0x2f1: {  	v18 =	vor.u32 s7, v0;
	v17 =	vor.u32 s7, v1  }
0x2f2: {  	v19 =	vmul.f32 v20, v19  }
0x2f3: {  	_ = 	snop  }
0x2f4: {  	v16 =	vmul.f32 v19, v16  }
0x2f5: {  	v60 =	vor.u32 s7, v2  }
0x2f6: {  	[tilespmem:s26+$0x0] =	vst v16  }
0x2f7: {  	v61 =	vor.u32 s7, v3;
	v16 =	vld.idx.msk [tilespmem:v18+s23+$0x0], $0xffff  }
0x2f8: {  	v17 =	vld.idx.msk [tilespmem:v17+s23+$0x0], $0xffff  }
0x2f9: {  	v20 =	vor.u32 s7, v4  }
0x2fa: {  	v19 =	vld.idx.msk [tilespmem:v60+s23+$0x0], $0xffff  }
0x2fb: {  	v21 =	vor.u32 s7, v5  }
0x2fc: {  	v18 =	vld.idx.msk [tilespmem:v61+s23+$0x0], $0xffff  }
0x2fd: {  	v22 =	vor.u32 s7, v6;
	v16 =	vadd.f32 v17, v16  }
0x2fe: {  	v17 =	vld.idx.msk [tilespmem:v20+s23+$0x0], $0xffff  }
0x2ff: {  	v62 =	vor.u32 s7, v7;
	v16 =	vadd.f32 v19, v16  }
0x300: {  	v63 =	vld.idx.msk [tilespmem:v21+s23+$0x0], $0xffff  }
0x301: {  	v24 =	vor.u32 s7, v8;
	v16 =	vadd.f32 v18, v16  }
0x302: {  	v25 =	vld.idx.msk [tilespmem:v22+s23+$0x0], $0xffff  }
0x303: {  	v26 =	vor.u32 s7, v9;
	v16 =	vadd.f32 v17, v16  }
0x304: {  	v17 =	vld.idx.msk [tilespmem:v62+s23+$0x0], $0xffff  }
0x305: {  	v27 =	vor.u32 s7, v10;
	v16 =	vadd.f32 v63, v16  }
0x306: {  	v28 =	vld.idx.msk [tilespmem:v24+s23+$0x0], $0xffff  }
0x307: {  	v29 =	vor.u32 s7, v11;
	v16 =	vadd.f32 v25, v16  }
0x308: {  	v30 =	vld.idx.msk [tilespmem:v26+s23+$0x0], $0xffff  }
0x309: {  	v31 =	vor.u32 s7, v12;
	v16 =	vadd.f32 v17, v16  }
0x30a: {  	v17 =	vld.idx.msk [tilespmem:v27+s23+$0x0], $0xffff  }
0x30b: {  	v32 =	vor.u32 s7, v13;
	v16 =	vadd.f32 v28, v16  }
0x30c: {  	v33 =	vld.idx.msk [tilespmem:v29+s23+$0x0], $0xffff  }
0x30d: {  	v34 =	vor.u32 s7, v14;
	v16 =	vadd.f32 v30, v16  }
0x30e: {  	v35 =	vld.idx.msk [tilespmem:v31+s23+$0x0], $0xffff  }
0x30f: {  	v36 =	vor.u32 s7, v15;
	v16 =	vadd.f32 v17, v16  }
0x310: {  	v17 =	vld.idx.msk [tilespmem:v32+s23+$0x0], $0xffff  }
0x311: {  	v16 =	vadd.f32 v33, v16  }
0x312: {  	v37 =	vld.idx.msk [tilespmem:v34+s23+$0x0], $0xffff  }
0x313: {  	v16 =	vadd.f32 v35, v16  }
0x314: {  	v38 =	vld.idx.msk [tilespmem:v36+s23+$0x0], $0xffff  }
0x315: {  	v16 =	vadd.f32 v17, v16;
	_ =	sdelay $0x1  }
0x316: {  	v16 =	vadd.f32 v37, v16;
	_ =	sdelay $0x1  }
0x317: {  	v16 =	vadd.f32 v38, v16;
	_ =	sdelay $0x1  }
0x318: {  	v17 =	vshra.s32 v16, $0x1;
	v18 =	vmul.f32 $5.000000000e-01, v16  }
0x319: {  	v17 =	vsub.s32 $0x5F3759DF, v17  }
0x31a: {  	v39 =	vmul.f32 v17, v18;
	_ =	sdelay $0x1  }
0x31b: {  	v19 =	vmul.f32 v17, v39;
	_ =	sdelay $0x1  }
0x31c: {  	v19 =	vsub.f32 $1.500000000e+00, v19;
	_ =	sdelay $0x1  }
0x31d: {  	v17 =	vmul.f32 v17, v19;
	_ =	sdelay $0x1  }
0x31e: {  	v19 =	vmul.f32 v17, v18;
	_ =	sdelay $0x1  }
0x31f: {  	v19 =	vmul.f32 v19, v17;
	_ =	sdelay $0x1  }
0x320: {  	v19 =	vsub.f32 $1.500000000e+00, v19;
	_ =	sdelay $0x1  }
0x321: {  	v17 =	vmul.f32 v19, v17;
	_ =	sdelay $0x1  }
0x322: {  	v19 =	vmul.f32 v17, v18;
	_ =	sdelay $0x1  }
0x323: {  	v19 =	vmul.f32 v19, v17;
	_ =	sdelay $0x1  }
0x324: {  	v19 =	vsub.f32 $1.500000000e+00, v19;
	_ =	sdelay $0x1  }
0x325: {  	v17 =	vmul.f32 v19, v17;
	_ =	sdelay $0x1  }
0x326: {  	v18 =	vmul.f32 v17, v18;
	_ =	sdelay $0x1  }
0x327: {  	v18 =	vmul.f32 v18, v17;
	_ =	sdelay $0x1  }
0x328: {  	v18 =	vsub.f32 $1.500000000e+00, v18;
	_ =	sdelay $0x1  }
0x329: {  	v40 =	vor.u32 s5, v0;
	v17 =	vmul.f32 v18, v17  }
0x32a: {  	v41 =	vor.u32 s5, v1  }
0x32b: {  	v16 =	vmul.f32 v17, v16  }
0x32c: {  	s6 =	sadd.s32 $0x20, s25;
	v17 =	vor.u32 s5, v2  }
0x32d: {  	[tilespmem:s6+$0xFFFFFFF0] =	vst v16  }
0x32e: {  	v16 =	vor.u32 s5, v3;
	v18 =	vld.idx.msk [tilespmem:v40+s23+$0x0], $0xffff  }
0x32f: {  	v19 =	vld.idx.msk [tilespmem:v41+s23+$0x0], $0xffff  }
0x330: {  	v42 =	vor.u32 s5, v4  }
0x331: {  	v17 =	vld.idx.msk [tilespmem:v17+s23+$0x0], $0xffff  }
0x332: {  	v43 =	vor.u32 s5, v5  }
0x333: {  	v16 =	vld.idx.msk [tilespmem:v16+s23+$0x0], $0xffff  }
0x334: {  	v44 =	vor.u32 s5, v6;
	v18 =	vadd.f32 v19, v18  }
0x335: {  	v45 =	vld.idx.msk [tilespmem:v42+s23+$0x0], $0xffff  }
0x336: {  	v46 =	vor.u32 s5, v7;
	v17 =	vadd.f32 v17, v18  }
0x337: {  	v47 =	vld.idx.msk [tilespmem:v43+s23+$0x0], $0xffff  }
0x338: {  	v48 =	vor.u32 s5, v8;
	v16 =	vadd.f32 v16, v17  }
0x339: {  	v17 =	vld.idx.msk [tilespmem:v44+s23+$0x0], $0xffff  }
0x33a: {  	v49 =	vor.u32 s5, v9;
	v16 =	vadd.f32 v45, v16  }
0x33b: {  	v50 =	vld.idx.msk [tilespmem:v46+s23+$0x0], $0xffff  }
0x33c: {  	v51 =	vor.u32 s5, v10;
	v16 =	vadd.f32 v47, v16  }
0x33d: {  	v52 =	vld.idx.msk [tilespmem:v48+s23+$0x0], $0xffff  }
0x33e: {  	v53 =	vor.u32 s5, v11;
	v16 =	vadd.f32 v17, v16  }
0x33f: {  	v17 =	vld.idx.msk [tilespmem:v49+s23+$0x0], $0xffff  }
0x340: {  	v54 =	vor.u32 s5, v12;
	v16 =	vadd.f32 v50, v16  }
0x341: {  	v55 =	vld.idx.msk [tilespmem:v51+s23+$0x0], $0xffff  }
0x342: {  	v56 =	vor.u32 s5, v13;
	v16 =	vadd.f32 v52, v16  }
0x343: {  	v57 =	vld.idx.msk [tilespmem:v53+s23+$0x0], $0xffff  }
0x344: {  	v58 =	vor.u32 s5, v14;
	v16 =	vadd.f32 v17, v16  }
0x345: {  	v17 =	vld.idx.msk [tilespmem:v54+s23+$0x0], $0xffff  }
0x346: {  	v59 =	vor.u32 s5, v15;
	v16 =	vadd.f32 v55, v16  }
0x347: {  	v60 =	vld.idx.msk [tilespmem:v56+s23+$0x0], $0xffff  }
0x348: {  	v16 =	vadd.f32 v57, v16  }
0x349: {  	v61 =	vld.idx.msk [tilespmem:v58+s23+$0x0], $0xffff  }
0x34a: {  	v16 =	vadd.f32 v17, v16  }
0x34b: {  	v17 =	vld.idx.msk [tilespmem:v59+s23+$0x0], $0xffff  }
0x34c: {  	v16 =	vadd.f32 v60, v16;
	_ =	sdelay $0x1  }
0x34d: {  	v16 =	vadd.f32 v61, v16;
	_ =	sdelay $0x1  }
0x34e: {  	v16 =	vadd.f32 v17, v16;
	_ =	sdelay $0x1  }
0x34f: {  	v17 =	vshra.s32 v16, $0x1;
	v62 =	vmul.f32 $5.000000000e-01, v16  }
0x350: {  	v17 =	vsub.s32 $0x5F3759DF, v17  }
0x351: {  	v63 =	vmul.f32 v17, v62;
	_ =	sdelay $0x1  }
0x352: {  	v19 =	vmul.f32 v17, v63;
	_ =	sdelay $0x1  }
0x353: {  	v19 =	vsub.f32 $1.500000000e+00, v19;
	_ =	sdelay $0x1  }
0x354: {  	v17 =	vmul.f32 v17, v19;
	_ =	sdelay $0x1  }
0x355: {  	v19 =	vmul.f32 v17, v62;
	_ =	sdelay $0x1  }
0x356: {  	v19 =	vmul.f32 v19, v17;
	_ =	sdelay $0x1  }
0x357: {  	v19 =	vsub.f32 $1.500000000e+00, v19;
	_ =	sdelay $0x1  }
0x358: {  	v17 =	vmul.f32 v19, v17;
	_ =	sdelay $0x1  }
0x359: {  	v19 =	vmul.f32 v17, v62;
	_ =	sdelay $0x1  }
0x35a: {  	v19 =	vmul.f32 v19, v17;
	_ =	sdelay $0x1  }
0x35b: {  	v19 =	vsub.f32 $1.500000000e+00, v19;
	_ =	sdelay $0x1  }
0x35c: {  	v17 =	vmul.f32 v19, v17;
	_ =	sdelay $0x1  }
0x35d: {  	v18 =	vmul.f32 v17, v62;
	_ =	sdelay $0x1  }
0x35e: {  	v18 =	vmul.f32 v18, v17;
	_ =	sdelay $0x1  }
0x35f: {  	v18 =	vsub.f32 $1.500000000e+00, v18;
	_ =	sdelay $0x1  }
0x360: {  	v17 =	vmul.f32 v18, v17;
	_ =	sdelay $0x1  }
0x361: {  	s24 =	sadd.s32 $0x1, s24;
	v16 =	vmul.f32 v17, v16  }
0x362: {  	p0 =	sne.s32 s24, s18  }
.Ltmp5:
0x363: {  	s30 =	simm.s32 $0xE600;
	[tilespmem:s6+$0x0] =	vst v16;
	(pc) =	sbr.rel @p0 .LBB2_1-.Ltmp5, $4  }
0x364: {  	[hbm4b:s17+s1] =	stream.linear.scatter [tilespmem:s30], [sflag:$0x5], $0x200, $0x38;
	[tilespmem:$0xE800] =	vst v63  }
0x365: {  	_ =	swait.ge [sflag:s19], $0x200  }
0x366: {  	[sflag:s19] =	ssyncset.done $0x0  }
0x367: {  	[sflag:s19] =	ssyncadd.s32 $0xFFFFFE00  }
0x368: {  	_ =	sfence.sel $0x180000  }
0x369: {  	[bflag:$0x0] =	sbarrier.arrive $0xFFFF  }
0x36a: {  	_ =	strace $0x90000047  }
0x36b: {  	s0 =	stileid.u32;
	[bflag:$0x2] =	sbarrier.arrive $0xFFFF  }
0x36c: {  	p0 =	sne.s32 s0, $0x0;
	s0 =	rddreg [dreg:$0x5]  }
0x36d: {  	s0 =	sadd.s32 @!p0 $0x100000, s0  }
0x36e: {  	[sflag:s0] =	ssyncadd.tile.s32 @!p0 $0x1;
	_ =	shalt  }
.Lfunc_end2:
_tile_overlayer_lowered:
.L_overlay_start_2:
0x36f: {  	(tag) =	ssettag $0x2  }
0x370: {  	s0 =	rddreg [dreg:$0x0];
	s2 =	stileid.u32  }
0x371: {  	s1 =	rddreg [dreg:$0x1];
	p0 =	sne.s32 s2, $0x0  }
0x372: {  	s3 =	rddreg [dreg:$0x2];
	[bflag:$0x3] =	sbarrier.arrive $0xFFFF;
	s2 =	simm.s32 @!p0 $0x1C05  }
0x373: {  	[timem:s3], [sflag:s2] =	dma.local @!p0 [hbm:s0], s1  }
0x374: {  	s0 =	simm.s32 @!p0 $0x5  }
0x375: {  	_ =	swait.ge @!p0 [sflag:s0], s1  }
0x376: {  	s1 =	ssub.s32 @!p0 $0x0, s1;
	[sflag:s0] =	ssyncset.done @!p0 $0x0  }
0x377: {  	[sflag:s0] =	ssyncadd.s32 @!p0 s1  }
0x378: {  	[bflag:$0x3] =	sbarrier.arrive $0xFFFF  }
0x379: {  	_ =	shalt  }

</sc_bundles>
